<compile_context>
chip_gen: v7x
topology: tpu7x:2x2x1
jax: 0.10.2.dev20260603
libtpu: 0.0.44.dev20260713+nightly
codegen_flags: <defaults>
</compile_context>

<pallas_src>
import functools
import jax
import jax.numpy as jnp
from jax import lax
from jax.experimental import pallas as pl
from jax.experimental.pallas import tpu as pltpu
from jax.experimental.pallas import tpu_sc as plsc

N = 50000
E = 800000
NUM_TYPES = 16
EMB = 64
HID = 16
HEADS = 4
EDGE_DIM = 3

NC = 2
NS = 16
NW = NC * NS

NP = 50048
EP = 819200
KE = 1600



def _elu(v):
    return jnp.where(v > 0, v, jnp.exp(jnp.minimum(v, 0.0)) - 1.0)


def _sc_mesh():
    return plsc.VectorSubcoreMesh(
        core_axis_name="c", subcore_axis_name="s", num_cores=NC, num_subcores=NS)


def _splat_i32(v):
    return jnp.zeros((16,), jnp.int32) + v


def _iota16():
    return lax.iota(jnp.int32, 16)



KP1 = 800
P1_CHUNKS = EP // NS // KP1
P1_TILE_WORDS = NP * 32 // NS
P1_ZERO = 6256


def _p1_body(x_hbm, src_hbm, dst_hbm, attrT_hbm, aetab_hbm, astab_hbm, adtab_hbm, S_out,
             src_v, dst_v, tsrc_v, tdst_v, a0_v, a1_v, a2_v, aetab_v, astab_v, adtab_v,
             val_v, idx_v, zero_v, S_sp, sem1, sem2):
    c = lax.axis_index("c")
    s = lax.axis_index("s")

    def zfill(i, carry):
        zero_v[pl.ds(i * 16, 16)] = jnp.zeros((16,), jnp.float32)
        return carry

    lax.fori_loop(0, P1_ZERO // 16, zfill, 0)

    def zcopy(k, carry):
        pltpu.sync_copy(zero_v, S_sp.at[pl.ds(s * P1_TILE_WORDS + k * P1_ZERO, P1_ZERO)])
        return carry

    lax.fori_loop(0, NS, zcopy, 0)
    pltpu.sync_copy(astab_hbm, astab_v)
    pltpu.sync_copy(adtab_hbm, adtab_v)
    pltpu.sync_copy(aetab_hbm, aetab_v)
    sae = [[plsc.load_gather(aetab_v, [_splat_i32(d * 5 + 2 * c + h)])
            for h in range(2)] for d in range(3)]
    plsc.subcore_barrier()

    def chunk(k, carry):
        base = s * (EP // NS) + k * KP1
        pltpu.sync_copy(src_hbm.at[pl.ds(base, KP1)], src_v)
        pltpu.sync_copy(dst_hbm.at[pl.ds(base, KP1)], dst_v)
        cp1 = pltpu.async_copy(x_hbm.at[src_v], tsrc_v, sem1)
        cp2 = pltpu.async_copy(x_hbm.at[dst_v], tdst_v, sem2)
        pltpu.sync_copy(attrT_hbm.at[0, pl.ds(base, KP1)], a0_v)
        pltpu.sync_copy(attrT_hbm.at[1, pl.ds(base, KP1)], a1_v)
        pltpu.sync_copy(attrT_hbm.at[2, pl.ds(base, KP1)], a2_v)
        cp1.wait()
        cp2.wait()

        def group(g, carry2):
            gsl = pl.ds(g * 16, 16)
            tsrc16 = tsrc_v[gsl]
            tdst16 = tdst_v[gsl]
            dst16 = dst_v[gsl]
            a0 = a0_v[gsl]
            a1 = a1_v[gsl]
            a2 = a2_v[gsl]
            for h in range(2):
                hg = _splat_i32(2 * c + h)
                a_s = plsc.load_gather(astab_v, [hg, tsrc16])
                a_d = plsc.load_gather(adtab_v, [hg, tdst16])
                a_e = a0 * sae[0][h] + a1 * sae[1][h] + a2 * sae[2][h]
                al = a_s + a_d + a_e
                al = jnp.maximum(al, 0.2 * al)
                ex = jnp.exp(al)
                sidx = dst16 * 32 + tsrc16 + (h * 16)
                osl = pl.ds((g * 2 + h) * 16, 16)
                val_v[osl] = ex
                idx_v[osl] = sidx
            return carry2

        lax.fori_loop(0, KP1 // 16, group, 0)
        pltpu.sync_copy(val_v, S_sp.at[idx_v], add=True)
        return carry

    lax.fori_loop(0, P1_CHUNKS, chunk, 0)
    plsc.subcore_barrier()
    pltpu.sync_copy(S_sp.at[pl.ds(s * P1_TILE_WORDS, P1_TILE_WORDS)],
                    S_out.at[c, pl.ds(s * P1_TILE_WORDS, P1_TILE_WORDS)])


def _p1_layer1_scatter(x_pad, src_pad, dst_pad, attrT_pad, aetab, astab, adtab):
    f = pl.kernel(
        _p1_body,
        out_type=jax.ShapeDtypeStruct((NC, NP * 32), jnp.float32),
        mesh=_sc_mesh(),
        compiler_params=pltpu.CompilerParams(use_tc_tiling_on_sc=False, needs_layout_passes=False),
        scratch_types=[
            pltpu.VMEM((KP1,), jnp.int32),
            pltpu.VMEM((KP1,), jnp.int32),
            pltpu.VMEM((KP1,), jnp.int32),
            pltpu.VMEM((KP1,), jnp.int32),
            pltpu.VMEM((KP1,), jnp.float32),
            pltpu.VMEM((KP1,), jnp.float32),
            pltpu.VMEM((KP1,), jnp.float32),
            pltpu.VMEM((16,), jnp.float32),
            pltpu.VMEM((HEADS, NUM_TYPES), jnp.float32),
            pltpu.VMEM((HEADS, NUM_TYPES), jnp.float32),
            pltpu.VMEM((2 * KP1,), jnp.float32),
            pltpu.VMEM((2 * KP1,), jnp.int32),
            pltpu.VMEM((P1_ZERO,), jnp.float32),
            pltpu.VMEM_SHARED((NP * 32,), jnp.float32),
            pltpu.SemaphoreType.DMA,
            pltpu.SemaphoreType.DMA,
        ],
    )
    return f(x_pad, src_pad, dst_pad, attrT_pad, aetab, astab, adtab)



P3_CHUNKS = EP // NW // KE
P3_ROWS = NP // NS


def _p3_body(src_hbm, dst_hbm, attrT_hbm, aetab_hbm, xh2_hbm, as2_hbm, ad2_hbm,
             numer_out, denom_out,
             src_v, dst_v, as_v, ad_v, a0_v, a1_v, a2_v, aetab_v, rows_v, ex_v, z2_v, zf_v,
             numer_sp, denom_sp, sem1, sem2, sem3):
    c = lax.axis_index("c")
    s = lax.axis_index("s")

    def zfill2(i, carry):
        z2_v[i] = jnp.zeros((16,), jnp.float32)
        return carry

    lax.fori_loop(0, 391, zfill2, 0)

    def zfillf(i, carry):
        zf_v[pl.ds(i * 16, 16)] = jnp.zeros((16,), jnp.float32)
        return carry

    lax.fori_loop(0, 196, zfillf, 0)

    def zcopy(k, carry):
        pltpu.sync_copy(z2_v, numer_sp.at[pl.ds(s * P3_ROWS + k * 391, 391)])
        return carry

    lax.fori_loop(0, 8, zcopy, 0)
    pltpu.sync_copy(zf_v.at[pl.ds(0, P3_ROWS)], denom_sp.at[pl.ds(s * P3_ROWS, P3_ROWS)])
    pltpu.sync_copy(aetab_hbm, aetab_v)
    sae = [plsc.load_gather(aetab_v, [_splat_i32(d * 5 + 4)]) for d in range(3)]
    plsc.subcore_barrier()

    def chunk(k, carry):
        base = (c * NS + s) * (EP // NW) + k * KE
        pltpu.sync_copy(src_hbm.at[pl.ds(base, KE)], src_v)
        pltpu.sync_copy(dst_hbm.at[pl.ds(base, KE)], dst_v)
        cp1 = pltpu.async_copy(as2_hbm.at[src_v], as_v, sem1)
        cp2 = pltpu.async_copy(ad2_hbm.at[dst_v], ad_v, sem2)
        cp3 = pltpu.async_copy(xh2_hbm.at[src_v], rows_v, sem3)
        pltpu.sync_copy(attrT_hbm.at[0, pl.ds(base, KE)], a0_v)
        pltpu.sync_copy(attrT_hbm.at[1, pl.ds(base, KE)], a1_v)
        pltpu.sync_copy(attrT_hbm.at[2, pl.ds(base, KE)], a2_v)
        cp1.wait()
        cp2.wait()
        cp3.wait()

        def group(g, carry2):
            gsl = pl.ds(g * 16, 16)
            rowidx = _splat_i32(g * 16) + _iota16()
            a_e = a0_v[gsl] * sae[0] + a1_v[gsl] * sae[1] + a2_v[gsl] * sae[2]
            al = as_v[gsl] + ad_v[gsl] + a_e
            al = jnp.maximum(al, 0.2 * al)
            ex = jnp.exp(al)
            ex_v[gsl] = ex
            for cc in range(HID):
                col = plsc.load_gather(rows_v, [rowidx, _splat_i32(cc)])
                plsc.store_scatter(rows_v, [rowidx, _splat_i32(cc)], col * ex)
            return carry2

        lax.fori_loop(0, KE // 16, group, 0)
        pltpu.sync_copy(rows_v, numer_sp.at[dst_v], add=True)
        pltpu.sync_copy(ex_v, denom_sp.at[dst_v], add=True)
        return carry

    lax.fori_loop(0, P3_CHUNKS, chunk, 0)
    plsc.subcore_barrier()
    pltpu.sync_copy(numer_sp.at[pl.ds(s * P3_ROWS, P3_ROWS)],
                    numer_out.at[c, pl.ds(s * P3_ROWS, P3_ROWS)])
    pltpu.sync_copy(denom_sp.at[pl.ds(s * P3_ROWS, P3_ROWS)],
                    denom_out.at[c, pl.ds(s * P3_ROWS, P3_ROWS)])


def _p3_layer2_scatter(src_pad, dst_pad, attrT_pad, aetab, xh2_pad, as2_pad, ad2_pad):
    f = pl.kernel(
        _p3_body,
        out_type=(jax.ShapeDtypeStruct((NC, NP, HID), jnp.float32),
                  jax.ShapeDtypeStruct((NC, NP), jnp.float32)),
        mesh=_sc_mesh(),
        compiler_params=pltpu.CompilerParams(use_tc_tiling_on_sc=False, needs_layout_passes=False),
        scratch_types=[
            pltpu.VMEM((KE,), jnp.int32),
            pltpu.VMEM((KE,), jnp.int32),
            pltpu.VMEM((KE,), jnp.float32),
            pltpu.VMEM((KE,), jnp.float32),
            pltpu.VMEM((KE,), jnp.float32),
            pltpu.VMEM((KE,), jnp.float32),
            pltpu.VMEM((KE,), jnp.float32),
            pltpu.VMEM((16,), jnp.float32),
            pltpu.VMEM((KE, HID), jnp.float32),
            pltpu.VMEM((KE,), jnp.float32),
            pltpu.VMEM((391, 16), jnp.float32),
            pltpu.VMEM((3136,), jnp.float32),
            pltpu.VMEM_SHARED((NP, HID), jnp.float32),
            pltpu.VMEM_SHARED((NP,), jnp.float32),
            pltpu.SemaphoreType.DMA,
            pltpu.SemaphoreType.DMA,
            pltpu.SemaphoreType.DMA,
        ],
    )
    return f(src_pad, dst_pad, attrT_pad, aetab, xh2_pad, as2_pad, ad2_pad)



P5_CHUNKS = EP // NW // KE


def _p5_body(A_hbm, B_hbm, ei_hbm, out_hbm,
             ei0_v, ei1_v, rA0_v, rA1_v, rB0_v, rB1_v,
             semL0, semL1, semA0, semA1, semB0, semB1, semW0, semW1):
    c = lax.axis_index("c")
    s = lax.axis_index("s")
    tbase = (c * NS + s) * (EP // NW)
    ei_v = [ei0_v, ei1_v]
    rA_v = [rA0_v, rA1_v]
    rB_v = [rB0_v, rB1_v]
    semL = [semL0, semL1]
    semA = [semA0, semA1]
    semB = [semB0, semB1]
    semW = [semW0, semW1]

    def issue_L(i, b):
        pltpu.async_copy(ei_hbm.at[:, pl.ds(tbase + i * KE, KE)], ei_v[b], semL[b])

    def issue_G(b):
        pltpu.async_copy(A_hbm.at[ei_v[b].at[0]], rA_v[b], semA[b])
        pltpu.async_copy(B_hbm.at[ei_v[b].at[1]], rB_v[b], semB[b])

    issue_L(0, 0)
    issue_L(1, 1)
    pltpu.make_async_copy(ei_hbm.at[:, pl.ds(tbase, KE)], ei_v[0], semL[0]).wait()
    issue_G(0)

    def step(k2, carry):
        for b in range(2):
            i = k2 * 2 + b
            base = tbase + i * KE
            pltpu.make_async_copy(A_hbm.at[ei_v[b].at[0]], rA_v[b], semA[b]).wait()
            pltpu.make_async_copy(B_hbm.at[ei_v[b].at[1]], rB_v[b], semB[b]).wait()

            @pl.when(i + 1 < P5_CHUNKS)
            def _():
                pltpu.make_async_copy(
                    ei_hbm.at[:, pl.ds(tbase, KE)], ei_v[1 - b], semL[1 - b]).wait()

                @pl.when(i >= 1)
                def _():
                    pltpu.make_async_copy(
                        rA_v[1 - b], out_hbm.at[pl.ds(tbase, KE)], semW[1 - b]).wait()

                issue_G(1 - b)

            @pl.when(i + 2 < P5_CHUNKS)
            def _():
                issue_L(i + 2, b)

            def row(j, carry2):
                rA_v[b][j] = jnp.maximum(rA_v[b][j] + rB_v[b][j], 0.0)
                return carry2

            lax.fori_loop(0, KE, row, 0, unroll=4)
            pltpu.async_copy(rA_v[b], out_hbm.at[pl.ds(base, KE)], semW[b])
        return carry

    lax.fori_loop(0, P5_CHUNKS // 2, step, 0)
    for b in range(2):
        pltpu.make_async_copy(rA_v[b], out_hbm.at[pl.ds(tbase, KE)], semW[b]).wait()


def _p5_edge_gather(A_pad, B_pad, ei_pad):
    f = pl.kernel(
        _p5_body,
        out_type=jax.ShapeDtypeStruct((EP, HID), jnp.float32),
        mesh=_sc_mesh(),
        compiler_params=pltpu.CompilerParams(use_tc_tiling_on_sc=False, needs_layout_passes=False),
        scratch_types=[
            pltpu.VMEM((2, KE), jnp.int32),
            pltpu.VMEM((2, KE), jnp.int32),
            pltpu.VMEM((KE, HID), jnp.float32),
            pltpu.VMEM((KE, HID), jnp.float32),
            pltpu.VMEM((KE, HID), jnp.float32),
            pltpu.VMEM((KE, HID), jnp.float32),
            pltpu.SemaphoreType.DMA,
            pltpu.SemaphoreType.DMA,
            pltpu.SemaphoreType.DMA,
            pltpu.SemaphoreType.DMA,
            pltpu.SemaphoreType.DMA,
            pltpu.SemaphoreType.DMA,
            pltpu.SemaphoreType.DMA,
            pltpu.SemaphoreType.DMA,
        ],
    )
    return f(A_pad, B_pad, ei_pad)


def _mlp_body(hmid_ref, W4_ref, b4_ref, out_ref):
    out_ref[...] = jnp.dot(hmid_ref[...], W4_ref[...],
                           preferred_element_type=jnp.float32) + b4_ref[...]


OBLK = 8000


def _edge_mlp_pallas(hmid, W4, b4):
    return pl.pallas_call(
        _mlp_body,
        grid=(E // OBLK,),
        in_specs=[
            pl.BlockSpec((OBLK, HID), lambda i: (i, 0)),
            pl.BlockSpec((HID, 3), lambda i: (0, 0)),
            pl.BlockSpec((1, 3), lambda i: (0, 0)),
        ],
        out_specs=pl.BlockSpec((OBLK, 3), lambda i: (i, 0)),
        out_shape=jax.ShapeDtypeStruct((E, 3), jnp.float32),
    )(hmid, W4, b4.reshape(1, 3))



NBLK = 3128


def _p2_body(S0_ref, S1_ref, W01_ref, W23_ref, R01_ref, R23_ref, b1_ref,
             W2_ref, asv_ref, adv_ref, xh2_ref, as2_ref, ad2_ref):
    S0 = S0_ref[...]
    S1 = S1_ref[...]
    doth = functools.partial(jnp.dot, preferred_element_type=jnp.float32,
                             precision=lax.Precision.HIGHEST)
    dotd = functools.partial(jnp.dot, preferred_element_type=jnp.float32)
    numer = doth(S0, W01_ref[...]) + doth(S1, W23_ref[...])
    denomr = doth(S0, R01_ref[...]) + doth(S1, R23_ref[...])
    h1 = _elu(numer / (denomr + 1e-16) + b1_ref[...])
    xh2 = dotd(h1, W2_ref[...])
    xh2_ref[...] = xh2
    as2_ref[...] = doth(xh2, asv_ref[...])
    ad2_ref[...] = doth(xh2, adv_ref[...])


def _p2_combine(S0, S1, W01, W23, R01, R23, b1, W2, asv, adv):
    mat = lambda r, c: pl.BlockSpec((r, c), lambda i: (0, 0))
    return pl.pallas_call(
        _p2_body,
        grid=(NP // NBLK,),
        in_specs=[
            pl.BlockSpec((NBLK, 32), lambda i: (i, 0)),
            pl.BlockSpec((NBLK, 32), lambda i: (i, 0)),
            mat(32, 64), mat(32, 64), mat(32, 64), mat(32, 64),
            mat(1, 64), mat(64, HID), mat(HID, 1), mat(HID, 1),
        ],
        out_specs=[
            pl.BlockSpec((NBLK, HID), lambda i: (i, 0)),
            pl.BlockSpec((NBLK, 1), lambda i: (i, 0)),
            pl.BlockSpec((NBLK, 1), lambda i: (i, 0)),
        ],
        out_shape=[
            jax.ShapeDtypeStruct((NP, HID), jnp.float32),
            jax.ShapeDtypeStruct((NP, 1), jnp.float32),
            jax.ShapeDtypeStruct((NP, 1), jnp.float32),
        ],
    )(S0, S1, W01, W23, R01, R23, b1, W2, asv, adv)



def _p4_body(n0_ref, n1_ref, d0_ref, d1_ref, b2_ref, b3_ref, W3t_ref, W3b_ref,
             A_ref, B_ref):
    dot = functools.partial(jnp.dot, preferred_element_type=jnp.float32)
    numer = n0_ref[...] + n1_ref[...]
    denom = d0_ref[...] + d1_ref[...]
    h2 = _elu(numer / (denom + 1e-16) + b2_ref[...])
    A_ref[...] = dot(h2, W3t_ref[...]) + b3_ref[...]
    B_ref[...] = dot(h2, W3b_ref[...])


def _p4_combine(n0, n1, d0, d1, b2, b3, W3t, W3b):
    mat = lambda r, c: pl.BlockSpec((r, c), lambda i: (0, 0))
    return pl.pallas_call(
        _p4_body,
        grid=(NP // NBLK,),
        in_specs=[
            pl.BlockSpec((NBLK, HID), lambda i: (i, 0)),
            pl.BlockSpec((NBLK, HID), lambda i: (i, 0)),
            pl.BlockSpec((NBLK, 1), lambda i: (i, 0)),
            pl.BlockSpec((NBLK, 1), lambda i: (i, 0)),
            mat(1, HID), mat(1, HID), mat(HID, HID), mat(HID, HID),
        ],
        out_specs=[
            pl.BlockSpec((NBLK, HID), lambda i: (i, 0)),
            pl.BlockSpec((NBLK, HID), lambda i: (i, 0)),
        ],
        out_shape=[
            jax.ShapeDtypeStruct((NP, HID), jnp.float32),
            jax.ShapeDtypeStruct((NP, HID), jnp.float32),
        ],
    )(n0, n1, d0, d1, b2, b3, W3t, W3b)


def kernel(x, edge_index, edge_attr, type_emb, enc_W, enc_b, W1, att_src1, att_dst1, We1, att_e1, b1, W2, att_src2, att_dst2, We2, att_e2, b2, W3, b3, W4, b4):
    src, dst = edge_index[0], edge_index[1]
    t = x[:, 0]

    h0_table = jax.nn.relu(type_emb @ enc_W + enc_b)
    xh1_table = (h0_table @ W1).reshape(NUM_TYPES, HEADS, HID)
    bfr = lambda w: w.astype(jnp.bfloat16).astype(jnp.float32)
    as1_t = (xh1_table * att_src1[None]).sum(-1)
    ad1_t = (xh1_table * att_dst1[None]).sum(-1)
    Ae1 = (bfr(We1).reshape(EDGE_DIM, HEADS, HID) * att_e1[None]).sum(-1)
    Ae2 = (bfr(We2).reshape(EDGE_DIM, 1, HID) * att_e2[None]).sum(-1)
    Aecat = jnp.concatenate([Ae1, Ae2], axis=1)
    astab = as1_t.T
    adtab = ad1_t.T

    src_pad = jnp.concatenate([src, jnp.full((EP - E,), N, src.dtype)])
    dst_pad = jnp.concatenate([dst, jnp.full((EP - E,), N, dst.dtype)])
    ei_pad = jnp.concatenate([edge_index, jnp.full((2, EP - E), N, edge_index.dtype)], axis=1)
    x_pad = jnp.concatenate([t, jnp.zeros((NP - N,), t.dtype)])
    attrT_pad = jnp.concatenate(
        [bfr(edge_attr.T), jnp.zeros((EDGE_DIM, EP - E), jnp.float32)], axis=1)
    aetab = jnp.concatenate([Aecat.reshape(15), jnp.zeros((1,), jnp.float32)])

    S_out = _p1_layer1_scatter(x_pad, src_pad, dst_pad, attrT_pad, aetab, astab, adtab)
    S0 = S_out[0].reshape(NP, 32)
    S1 = S_out[1].reshape(NP, 32)

    eye4 = jnp.eye(HEADS, dtype=jnp.float32)
    mask = eye4[:, None, :, None]
    BigW = (mask * xh1_table.transpose(1, 0, 2)[:, :, None, :]).reshape(64, 64)
    R = jnp.broadcast_to(mask, (HEADS, NUM_TYPES, HEADS, HID)).reshape(64, 64)
    xh2_pad, as2_p, ad2_p = _p2_combine(
        S0, S1, BigW[:32], BigW[32:], R[:32], R[32:],
        b1.reshape(1, 64), W2, att_src2[0].reshape(HID, 1), att_dst2[0].reshape(HID, 1))

    numer_p, denom_p = _p3_layer2_scatter(
        src_pad, dst_pad, attrT_pad, aetab, xh2_pad, as2_p.reshape(NP), ad2_p.reshape(NP))

    A_pad, B_pad = _p4_combine(
        numer_p[0], numer_p[1], denom_p[0].reshape(NP, 1), denom_p[1].reshape(NP, 1),
        b2.reshape(1, HID), b3.reshape(1, HID), W3[:HID], W3[HID:])

    hmid = _p5_edge_gather(A_pad, B_pad, ei_pad)

    return _edge_mlp_pallas(hmid, W4, b4)

# --- scband reference (transcript-rebuilt; emitter-appended) ---
"""Pipeline reference for scband-gatedge-classifier-45741401703145 (READ-ONLY COPY).

The authoritative reference and input builder live on the scoring server;
editing this copy changes nothing except your own understanding.
"""

import jax, jax.numpy as jnp
import numpy as np

N = 50000
E = 800000
NUM_TYPES = 16
EMB = 64
HID = 16
HEADS = 4
EDGE_DIM = 3


def setup_inputs(seed: int = 0):
    key = jax.random.key(seed)
    ks = jax.random.split(key, 20)
    s = 0.1
    inp = {}
    inp["x"] = jax.random.randint(ks[0], (N, 1), 0, NUM_TYPES)
    inp["edge_index"] = jax.random.randint(ks[1], (2, E), 0, N)
    inp["edge_attr"] = jax.random.normal(ks[2], (E, EDGE_DIM), dtype=jnp.float32)
    inp["type_emb"] = jax.random.normal(ks[3], (NUM_TYPES, EMB), dtype=jnp.float32) * s
    inp["enc_W"] = jax.random.normal(ks[4], (EMB, HID), dtype=jnp.float32) * s
    inp["enc_b"] = jnp.zeros((HID,), dtype=jnp.float32)
    inp["W1"] = jax.random.normal(ks[5], (HID, HEADS * HID), dtype=jnp.float32) * s
    inp["att_src1"] = jax.random.normal(ks[6], (HEADS, HID), dtype=jnp.float32) * s
    inp["att_dst1"] = jax.random.normal(ks[7], (HEADS, HID), dtype=jnp.float32) * s
    inp["We1"] = jax.random.normal(ks[8], (EDGE_DIM, HEADS * HID), dtype=jnp.float32) * s
    inp["att_e1"] = jax.random.normal(ks[9], (HEADS, HID), dtype=jnp.float32) * s
    inp["b1"] = jnp.zeros((HEADS * HID,), dtype=jnp.float32)
    inp["W2"] = jax.random.normal(ks[10], (HEADS * HID, HID), dtype=jnp.float32) * s
    inp["att_src2"] = jax.random.normal(ks[11], (1, HID), dtype=jnp.float32) * s
    inp["att_dst2"] = jax.random.normal(ks[12], (1, HID), dtype=jnp.float32) * s
    inp["We2"] = jax.random.normal(ks[13], (EDGE_DIM, HID), dtype=jnp.float32) * s
    inp["att_e2"] = jax.random.normal(ks[14], (1, HID), dtype=jnp.float32) * s
    inp["b2"] = jnp.zeros((HID,), dtype=jnp.float32)
    inp["W3"] = jax.random.normal(ks[15], (2 * HID, HID), dtype=jnp.float32) * s
    inp["b3"] = jnp.zeros((HID,), dtype=jnp.float32)
    inp["W4"] = jax.random.normal(ks[16], (HID, 3), dtype=jnp.float32) * s
    inp["b4"] = jnp.zeros((3,), dtype=jnp.float32)
    return inp


def _gat_layer(h, src, dst, edge_attr, W, a_s, a_d, We, a_e, b, heads, out_ch, concat):
    n = h.shape[0]
    xh = (h @ W).reshape(n, heads, out_ch)
    eh = (edge_attr @ We).reshape(-1, heads, out_ch)
    alpha = (xh * a_s[None]).sum(-1)[src] + (xh * a_d[None]).sum(-1)[dst] + (eh * a_e[None]).sum(-1)
    alpha = jax.nn.leaky_relu(alpha, negative_slope=0.2)
    amax = jax.ops.segment_max(alpha, dst, num_segments=n)
    amax = jnp.where(jnp.isfinite(amax), amax, 0.0)
    ex = jnp.exp(alpha - amax[dst])
    denom = jax.ops.segment_sum(ex, dst, num_segments=n)
    coef = ex / (denom[dst] + 1e-16)
    out = jax.ops.segment_sum(xh[src] * coef[..., None], dst, num_segments=n)
    if concat:
        out = out.reshape(n, heads * out_ch)
    else:
        out = out.mean(axis=1)
    return out + b


def reference(x, edge_index, edge_attr, type_emb, enc_W, enc_b, W1, att_src1, att_dst1, We1, att_e1, b1, W2, att_src2, att_dst2, We2, att_e2, b2, W3, b3, W4, b4):
    src, dst = edge_index[0], edge_index[1]
    h = jnp.take(type_emb, x[:, 0], axis=0)
    h = jax.nn.relu(h @ enc_W + enc_b)
    h = _gat_layer(h, src, dst, edge_attr, W1, att_src1, att_dst1, We1, att_e1, b1, HEADS, HID, True)
    h = jax.nn.elu(h)
    h = _gat_layer(h, src, dst, edge_attr, W2, att_src2, att_dst2, We2, att_e2, b2, 1, HID, False)
    h = jax.nn.elu(h)
    ef = jnp.concatenate([h[src], h[dst]], axis=-1)
    hmid = jax.nn.relu(ef @ W3 + b3)
    return hmid @ W4 + b4

if __name__ == "__main__":
    import jax
    _d = setup_inputs()
    print(jax.jit(kernel)(*tuple(_d.values())))

</pallas_src>

<mosaic_0001>
#map = affine_map<(d0, d1) -> (0)>
#map1 = affine_map<(d0, d1) -> (0, 0)>
module attributes {stable_mosaic.version = 14 : i64} {
  func.func @_p1_body(%arg0: i32, %arg1: i32, %arg2: memref<50048xi32, #tpu.memory_space<hbm>>, %arg3: memref<819200xi32, #tpu.memory_space<hbm>>, %arg4: memref<819200xi32, #tpu.memory_space<hbm>>, %arg5: memref<3x819200xf32, #tpu.memory_space<hbm>>, %arg6: memref<16xf32, #tpu.memory_space<hbm>>, %arg7: memref<4x16xf32, #tpu.memory_space<hbm>>, %arg8: memref<4x16xf32, #tpu.memory_space<hbm>>, %arg9: memref<2x1601536xf32, #tpu.memory_space<hbm>>, %arg10: memref<800xi32, #tpu.memory_space<vmem>>, %arg11: memref<800xi32, #tpu.memory_space<vmem>>, %arg12: memref<800xi32, #tpu.memory_space<vmem>>, %arg13: memref<800xi32, #tpu.memory_space<vmem>>, %arg14: memref<800xf32, #tpu.memory_space<vmem>>, %arg15: memref<800xf32, #tpu.memory_space<vmem>>, %arg16: memref<800xf32, #tpu.memory_space<vmem>>, %arg17: memref<16xf32, #tpu.memory_space<vmem>>, %arg18: memref<4x16xf32, #tpu.memory_space<vmem>>, %arg19: memref<4x16xf32, #tpu.memory_space<vmem>>, %arg20: memref<1600xf32, #tpu.memory_space<vmem>>, %arg21: memref<1600xi32, #tpu.memory_space<vmem>>, %arg22: memref<6256xf32, #tpu.memory_space<vmem>>, %arg23: memref<1601536xf32, #tpu.memory_space<vmem_shared>>, %arg24: memref<!tpu.dma_semaphore, #tpu.memory_space<semaphore_mem>>, %arg25: memref<!tpu.dma_semaphore, #tpu.memory_space<semaphore_mem>>) attributes {dimension_semantics = [#tpu.dimension_semantics<core_parallel>, #tpu.dimension_semantics<subcore_parallel>], iteration_bounds = array<i64: 2, 16>, scalar_prefetch = 0 : i64, scratch_operands = 16 : i64, tpu.core_type = #tpu.core_type<sc_vector_subcore>, window_params = [{transform_indices = #map}, {transform_indices = #map}, {transform_indices = #map}, {transform_indices = #map1}, {transform_indices = #map}, {transform_indices = #map1}, {transform_indices = #map1}, {transform_indices = #map1}]} {
    %scan3A = arith.constant 0 : i32
    %scan3A_0 = arith.constant 0 : i32
    %scan3A_1 = arith.constant 391 : i32
    %scan3A_2 = arith.addi %scan3A_0, %scan3A_1 : i32
    %scan3A_3 = arith.constant 1 : i32
    scf.for %scan3A_84 = %scan3A_0 to %scan3A_2 step %scan3A_3  : i32 {
      %broadcast_in_dim3A_85 = arith.constant 0.000000e+00 : f32
      %broadcast_in_dim3A_86 = vector.broadcast %broadcast_in_dim3A_85 : f32 to vector<16xf32>
      %mul3A_87 = arith.constant 16 : i32
      %mul3A_88 = arith.muli %scan3A_84, %mul3A_87 : i32
      %swap3A = arith.index_cast %mul3A_88 : i32 to index
      %swap3A_89 = tpu.vector_load %arg22[%swap3A] {strides = array<i32>} : memref<6256xf32, #tpu.memory_space<vmem>>, vector<16xf32>,
      tpu.vector_store %arg22[%swap3A], %broadcast_in_dim3A_86 {strides = array<i32>} : memref<6256xf32, #tpu.memory_space<vmem>>, vector<16xf32>,
    }
    %scan3A_4 = arith.constant 391 : i32
    %scan3A_5 = arith.constant 0 : i32
    %scan3A_6 = arith.constant 0 : i32
    %scan3A_7 = arith.constant 16 : i32
    %scan3A_8 = arith.addi %scan3A_6, %scan3A_7 : i32
    %scan3A_9 = arith.constant 1 : i32
    scf.for %scan3A_84 = %scan3A_6 to %scan3A_8 step %scan3A_9  : i32 {
      %mul3A_85 = arith.constant 100096 : i32
      %mul3A_86 = arith.muli %arg1, %mul3A_85 : i32
      %mul3A_87 = arith.constant 6256 : i32
      %mul3A_88 = arith.muli %scan3A_84, %mul3A_87 : i32
      %add3A_89 = arith.addi %mul3A_86, %mul3A_88 : i32
      "tpu.region"() ({
        %run_scoped3A = tpu.sem_alloc : memref<!tpu.dma_semaphore, #tpu.memory_space<semaphore_mem>>
        %dma_start3A = tpu.memref_slice %arg23[%add3A_89] : memref<1601536xf32, #tpu.memory_space<vmem_shared>> -> memref<6256xf32, #tpu.memory_space<vmem_shared>>
        %dma_start3A_90 = tpu.memref_slice %arg23[%add3A_89] : memref<1601536xf32, #tpu.memory_space<vmem_shared>> -> memref<6256xf32, #tpu.memory_space<vmem_shared>>
        tpu.enqueue_dma source(%arg22 : memref<6256xf32, #tpu.memory_space<vmem>>) target(%dma_start3A_90 : memref<6256xf32, #tpu.memory_space<vmem_shared>>) target_semaphore(%run_scoped3A : memref<!tpu.dma_semaphore, #tpu.memory_space<semaphore_mem>>)
        %dma_wait3A = tpu.memref_slice %arg23[%add3A_89] : memref<1601536xf32, #tpu.memory_space<vmem_shared>> -> memref<6256xf32, #tpu.memory_space<vmem_shared>>
        %dma_wait3A_91 = tpu.memref_slice %arg23[%add3A_89] : memref<1601536xf32, #tpu.memory_space<vmem_shared>> -> memref<6256xf32, #tpu.memory_space<vmem_shared>>
        tpu.wait_dma2 semaphore(%run_scoped3A : memref<!tpu.dma_semaphore, #tpu.memory_space<semaphore_mem>>) src(%arg22 : memref<6256xf32, #tpu.memory_space<vmem>>) dst(%dma_wait3A_91 : memref<6256xf32, #tpu.memory_space<vmem_shared>>)
        tpu.yield
      }) : () -> ()
    }
    %scan3A_10 = arith.constant 16 : i32
    "tpu.region"() ({
      %run_scoped3A = tpu.sem_alloc : memref<!tpu.dma_semaphore, #tpu.memory_space<semaphore_mem>>
      tpu.enqueue_dma source(%arg7 : memref<4x16xf32, #tpu.memory_space<hbm>>) target(%arg18 : memref<4x16xf32, #tpu.memory_space<vmem>>) target_semaphore(%run_scoped3A : memref<!tpu.dma_semaphore, #tpu.memory_space<semaphore_mem>>)
      tpu.wait_dma2 semaphore(%run_scoped3A : memref<!tpu.dma_semaphore, #tpu.memory_space<semaphore_mem>>) src(%arg7 : memref<4x16xf32, #tpu.memory_space<hbm>>) dst(%arg18 : memref<4x16xf32, #tpu.memory_space<vmem>>)
      tpu.yield
    }) : () -> ()
    "tpu.region"() ({
      %run_scoped3A = tpu.sem_alloc : memref<!tpu.dma_semaphore, #tpu.memory_space<semaphore_mem>>
      tpu.enqueue_dma source(%arg8 : memref<4x16xf32, #tpu.memory_space<hbm>>) target(%arg19 : memref<4x16xf32, #tpu.memory_space<vmem>>) target_semaphore(%run_scoped3A : memref<!tpu.dma_semaphore, #tpu.memory_space<semaphore_mem>>)
      tpu.wait_dma2 semaphore(%run_scoped3A : memref<!tpu.dma_semaphore, #tpu.memory_space<semaphore_mem>>) src(%arg8 : memref<4x16xf32, #tpu.memory_space<hbm>>) dst(%arg19 : memref<4x16xf32, #tpu.memory_space<vmem>>)
      tpu.yield
    }) : () -> ()
    "tpu.region"() ({
      %run_scoped3A = tpu.sem_alloc : memref<!tpu.dma_semaphore, #tpu.memory_space<semaphore_mem>>
      tpu.enqueue_dma source(%arg6 : memref<16xf32, #tpu.memory_space<hbm>>) target(%arg17 : memref<16xf32, #tpu.memory_space<vmem>>) target_semaphore(%run_scoped3A : memref<!tpu.dma_semaphore, #tpu.memory_space<semaphore_mem>>)
      tpu.wait_dma2 semaphore(%run_scoped3A : memref<!tpu.dma_semaphore, #tpu.memory_space<semaphore_mem>>) src(%arg6 : memref<16xf32, #tpu.memory_space<hbm>>) dst(%arg17 : memref<16xf32, #tpu.memory_space<vmem>>)
      tpu.yield
    }) : () -> ()
    %mul3A = arith.constant 2 : i32
    %mul3A_11 = arith.muli %mul3A, %arg0 : i32
    %add3A = arith.constant 0 : i32
    %add3A_12 = arith.addi %add3A, %mul3A_11 : i32
    %add3A_13 = arith.constant 0 : i32
    %add3A_14 = arith.addi %add3A_12, %add3A_13 : i32
    %broadcast_in_dim3A = arith.constant 0 : i32
    %broadcast_in_dim3A_15 = vector.broadcast %broadcast_in_dim3A : i32 to vector<16xi32>
    %add3A_16 = vector.broadcast %add3A_14 : i32 to vector<16xi32>
    %add3A_17 = arith.addi %broadcast_in_dim3A_15, %add3A_16 : vector<16xi32>
    %gather3A = tpu.vector_load_idx %arg17[%add3A_17] : memref<16xf32, #tpu.memory_space<vmem>>[vector<16xi32>], vector<16xf32>,
    %mul3A_18 = arith.constant 2 : i32
    %mul3A_19 = arith.muli %mul3A_18, %arg0 : i32
    %add3A_20 = arith.constant 0 : i32
    %add3A_21 = arith.addi %add3A_20, %mul3A_19 : i32
    %add3A_22 = arith.constant 1 : i32
    %add3A_23 = arith.addi %add3A_21, %add3A_22 : i32
    %broadcast_in_dim3A_24 = arith.constant 0 : i32
    %broadcast_in_dim3A_25 = vector.broadcast %broadcast_in_dim3A_24 : i32 to vector<16xi32>
    %add3A_26 = vector.broadcast %add3A_23 : i32 to vector<16xi32>
    %add3A_27 = arith.addi %broadcast_in_dim3A_25, %add3A_26 : vector<16xi32>
    %gather3A_28 = tpu.vector_load_idx %arg17[%add3A_27] : memref<16xf32, #tpu.memory_space<vmem>>[vector<16xi32>], vector<16xf32>,
    %mul3A_29 = arith.constant 2 : i32
    %mul3A_30 = arith.muli %mul3A_29, %arg0 : i32
    %add3A_31 = arith.constant 5 : i32
    %add3A_32 = arith.addi %add3A_31, %mul3A_30 : i32
    %add3A_33 = arith.constant 0 : i32
    %add3A_34 = arith.addi %add3A_32, %add3A_33 : i32
    %broadcast_in_dim3A_35 = arith.constant 0 : i32
    %broadcast_in_dim3A_36 = vector.broadcast %broadcast_in_dim3A_35 : i32 to vector<16xi32>
    %add3A_37 = vector.broadcast %add3A_34 : i32 to vector<16xi32>
    %add3A_38 = arith.addi %broadcast_in_dim3A_36, %add3A_37 : vector<16xi32>
    %gather3A_39 = tpu.vector_load_idx %arg17[%add3A_38] : memref<16xf32, #tpu.memory_space<vmem>>[vector<16xi32>], vector<16xf32>,
    %mul3A_40 = arith.constant 2 : i32
    %mul3A_41 = arith.muli %mul3A_40, %arg0 : i32
    %add3A_42 = arith.constant 5 : i32
    %add3A_43 = arith.addi %add3A_42, %mul3A_41 : i32
    %add3A_44 = arith.constant 1 : i32
    %add3A_45 = arith.addi %add3A_43, %add3A_44 : i32
    %broadcast_in_dim3A_46 = arith.constant 0 : i32
    %broadcast_in_dim3A_47 = vector.broadcast %broadcast_in_dim3A_46 : i32 to vector<16xi32>
    %add3A_48 = vector.broadcast %add3A_45 : i32 to vector<16xi32>
    %add3A_49 = arith.addi %broadcast_in_dim3A_47, %add3A_48 : vector<16xi32>
    %gather3A_50 = tpu.vector_load_idx %arg17[%add3A_49] : memref<16xf32, #tpu.memory_space<vmem>>[vector<16xi32>], vector<16xf32>,
    %mul3A_51 = arith.constant 2 : i32
    %mul3A_52 = arith.muli %mul3A_51, %arg0 : i32
    %add3A_53 = arith.constant 10 : i32
    %add3A_54 = arith.addi %add3A_53, %mul3A_52 : i32
    %add3A_55 = arith.constant 0 : i32
    %add3A_56 = arith.addi %add3A_54, %add3A_55 : i32
    %broadcast_in_dim3A_57 = arith.constant 0 : i32
    %broadcast_in_dim3A_58 = vector.broadcast %broadcast_in_dim3A_57 : i32 to vector<16xi32>
    %add3A_59 = vector.broadcast %add3A_56 : i32 to vector<16xi32>
    %add3A_60 = arith.addi %broadcast_in_dim3A_58, %add3A_59 : vector<16xi32>
    %gather3A_61 = tpu.vector_load_idx %arg17[%add3A_60] : memref<16xf32, #tpu.memory_space<vmem>>[vector<16xi32>], vector<16xf32>,
    %mul3A_62 = arith.constant 2 : i32
    %mul3A_63 = arith.muli %mul3A_62, %arg0 : i32
    %add3A_64 = arith.constant 10 : i32
    %add3A_65 = arith.addi %add3A_64, %mul3A_63 : i32
    %add3A_66 = arith.constant 1 : i32
    %add3A_67 = arith.addi %add3A_65, %add3A_66 : i32
    %broadcast_in_dim3A_68 = arith.constant 0 : i32
    %broadcast_in_dim3A_69 = vector.broadcast %broadcast_in_dim3A_68 : i32 to vector<16xi32>
    %add3A_70 = vector.broadcast %add3A_67 : i32 to vector<16xi32>
    %add3A_71 = arith.addi %broadcast_in_dim3A_69, %add3A_70 : vector<16xi32>
    %gather3A_72 = tpu.vector_load_idx %arg17[%add3A_71] : memref<16xf32, #tpu.memory_space<vmem>>[vector<16xi32>], vector<16xf32>,
    %barrier3A = arith.constant 0 : index
    tpu.barrier barrier_id(%barrier3A)
    %scan3A_73 = arith.constant 0 : i32
    %scan3A_74 = arith.constant 0 : i32
    %scan3A_75 = arith.constant 64 : i32
    %scan3A_76 = arith.addi %scan3A_74, %scan3A_75 : i32
    %scan3A_77 = arith.constant 1 : i32
    scf.for %scan3A_84 = %scan3A_74 to %scan3A_76 step %scan3A_77  : i32 {
      %mul3A_85 = arith.constant 51200 : i32
      %mul3A_86 = arith.muli %arg1, %mul3A_85 : i32
      %mul3A_87 = arith.constant 800 : i32
      %mul3A_88 = arith.muli %scan3A_84, %mul3A_87 : i32
      %add3A_89 = arith.addi %mul3A_86, %mul3A_88 : i32
      "tpu.region"() ({
        %run_scoped3A_104 = tpu.sem_alloc : memref<!tpu.dma_semaphore, #tpu.memory_space<semaphore_mem>>
        %dma_start3A_105 = tpu.memref_slice %arg3[%add3A_89] : memref<819200xi32, #tpu.memory_space<hbm>> -> memref<800xi32, #tpu.memory_space<hbm>>
        %dma_start3A_106 = tpu.memref_slice %arg3[%add3A_89] : memref<819200xi32, #tpu.memory_space<hbm>> -> memref<800xi32, #tpu.memory_space<hbm>>
        tpu.enqueue_dma source(%dma_start3A_106 : memref<800xi32, #tpu.memory_space<hbm>>) target(%arg10 : memref<800xi32, #tpu.memory_space<vmem>>) target_semaphore(%run_scoped3A_104 : memref<!tpu.dma_semaphore, #tpu.memory_space<semaphore_mem>>)
        %dma_wait3A_107 = tpu.memref_slice %arg3[%add3A_89] : memref<819200xi32, #tpu.memory_space<hbm>> -> memref<800xi32, #tpu.memory_space<hbm>>
        %dma_wait3A_108 = tpu.memref_slice %arg3[%add3A_89] : memref<819200xi32, #tpu.memory_space<hbm>> -> memref<800xi32, #tpu.memory_space<hbm>>
        tpu.wait_dma2 semaphore(%run_scoped3A_104 : memref<!tpu.dma_semaphore, #tpu.memory_space<semaphore_mem>>) src(%dma_wait3A_108 : memref<800xi32, #tpu.memory_space<hbm>>) dst(%arg10 : memref<800xi32, #tpu.memory_space<vmem>>)
        tpu.yield
      }) : () -> ()
      "tpu.region"() ({
        %run_scoped3A_104 = tpu.sem_alloc : memref<!tpu.dma_semaphore, #tpu.memory_space<semaphore_mem>>
        %dma_start3A_105 = tpu.memref_slice %arg4[%add3A_89] : memref<819200xi32, #tpu.memory_space<hbm>> -> memref<800xi32, #tpu.memory_space<hbm>>
        %dma_start3A_106 = tpu.memref_slice %arg4[%add3A_89] : memref<819200xi32, #tpu.memory_space<hbm>> -> memref<800xi32, #tpu.memory_space<hbm>>
        tpu.enqueue_dma source(%dma_start3A_106 : memref<800xi32, #tpu.memory_space<hbm>>) target(%arg11 : memref<800xi32, #tpu.memory_space<vmem>>) target_semaphore(%run_scoped3A_104 : memref<!tpu.dma_semaphore, #tpu.memory_space<semaphore_mem>>)
        %dma_wait3A_107 = tpu.memref_slice %arg4[%add3A_89] : memref<819200xi32, #tpu.memory_space<hbm>> -> memref<800xi32, #tpu.memory_space<hbm>>
        %dma_wait3A_108 = tpu.memref_slice %arg4[%add3A_89] : memref<819200xi32, #tpu.memory_space<hbm>> -> memref<800xi32, #tpu.memory_space<hbm>>
        tpu.wait_dma2 semaphore(%run_scoped3A_104 : memref<!tpu.dma_semaphore, #tpu.memory_space<semaphore_mem>>) src(%dma_wait3A_108 : memref<800xi32, #tpu.memory_space<hbm>>) dst(%arg11 : memref<800xi32, #tpu.memory_space<vmem>>)
        tpu.yield
      }) : () -> ()
      %dma_start3A = arith.constant 0 : i32
      %dma_start3A_90 = tpu.memref_slice %arg2[%dma_start3A] : memref<50048xi32, #tpu.memory_space<hbm>> -> memref<50048xi32, #tpu.memory_space<hbm>>
      tpu.enqueue_indirect_dma source(%dma_start3A_90 : memref<50048xi32, #tpu.memory_space<hbm>>) target(%arg12 : memref<800xi32, #tpu.memory_space<vmem>>) offsets(%arg10 : memref<800xi32, #tpu.memory_space<vmem>>) semaphore(%arg24 : memref<!tpu.dma_semaphore, #tpu.memory_space<semaphore_mem>>)
      %dma_start3A_91 = arith.constant 0 : i32
      %dma_start3A_92 = tpu.memref_slice %arg2[%dma_start3A_91] : memref<50048xi32, #tpu.memory_space<hbm>> -> memref<50048xi32, #tpu.memory_space<hbm>>
      tpu.enqueue_indirect_dma source(%dma_start3A_92 : memref<50048xi32, #tpu.memory_space<hbm>>) target(%arg13 : memref<800xi32, #tpu.memory_space<vmem>>) offsets(%arg11 : memref<800xi32, #tpu.memory_space<vmem>>) semaphore(%arg25 : memref<!tpu.dma_semaphore, #tpu.memory_space<semaphore_mem>>)
      %run_scoped3A = arith.constant 0 : i32
      "tpu.region"() ({
        %run_scoped3A_104 = tpu.sem_alloc : memref<!tpu.dma_semaphore, #tpu.memory_space<semaphore_mem>>
        %dma_start3A_105 = tpu.memref_slice %arg5[%run_scoped3A, %add3A_89] : memref<3x819200xf32, #tpu.memory_space<hbm>> -> memref<1x800xf32, #tpu.memory_space<hbm>>
        %dma_start3A_106 = tpu.memref_squeeze %dma_start3A_105 : memref<1x800xf32, #tpu.memory_space<hbm>> -> memref<800xf32, #tpu.memory_space<hbm>>
        %dma_start3A_107 = tpu.memref_slice %arg5[%run_scoped3A, %add3A_89] : memref<3x819200xf32, #tpu.memory_space<hbm>> -> memref<1x800xf32, #tpu.memory_space<hbm>>
        %dma_start3A_108 = tpu.memref_squeeze %dma_start3A_107 : memref<1x800xf32, #tpu.memory_space<hbm>> -> memref<800xf32, #tpu.memory_space<hbm>>
        tpu.enqueue_dma source(%dma_start3A_108 : memref<800xf32, #tpu.memory_space<hbm>>) target(%arg14 : memref<800xf32, #tpu.memory_space<vmem>>) target_semaphore(%run_scoped3A_104 : memref<!tpu.dma_semaphore, #tpu.memory_space<semaphore_mem>>)
        %dma_wait3A_109 = tpu.memref_slice %arg5[%run_scoped3A, %add3A_89] : memref<3x819200xf32, #tpu.memory_space<hbm>> -> memref<1x800xf32, #tpu.memory_space<hbm>>
        %dma_wait3A_110 = tpu.memref_squeeze %dma_wait3A_109 : memref<1x800xf32, #tpu.memory_space<hbm>> -> memref<800xf32, #tpu.memory_space<hbm>>
        %dma_wait3A_111 = tpu.memref_slice %arg5[%run_scoped3A, %add3A_89] : memref<3x819200xf32, #tpu.memory_space<hbm>> -> memref<1x800xf32, #tpu.memory_space<hbm>>
        %dma_wait3A_112 = tpu.memref_squeeze %dma_wait3A_111 : memref<1x800xf32, #tpu.memory_space<hbm>> -> memref<800xf32, #tpu.memory_space<hbm>>
        tpu.wait_dma2 semaphore(%run_scoped3A_104 : memref<!tpu.dma_semaphore, #tpu.memory_space<semaphore_mem>>) src(%dma_wait3A_112 : memref<800xf32, #tpu.memory_space<hbm>>) dst(%arg14 : memref<800xf32, #tpu.memory_space<vmem>>)
        tpu.yield
      }) : () -> ()
      %run_scoped3A_93 = arith.constant 1 : i32
      "tpu.region"() ({
        %run_scoped3A_104 = tpu.sem_alloc : memref<!tpu.dma_semaphore, #tpu.memory_space<semaphore_mem>>
        %dma_start3A_105 = tpu.memref_slice %arg5[%run_scoped3A_93, %add3A_89] : memref<3x819200xf32, #tpu.memory_space<hbm>> -> memref<1x800xf32, #tpu.memory_space<hbm>>
        %dma_start3A_106 = tpu.memref_squeeze %dma_start3A_105 : memref<1x800xf32, #tpu.memory_space<hbm>> -> memref<800xf32, #tpu.memory_space<hbm>>
        %dma_start3A_107 = tpu.memref_slice %arg5[%run_scoped3A_93, %add3A_89] : memref<3x819200xf32, #tpu.memory_space<hbm>> -> memref<1x800xf32, #tpu.memory_space<hbm>>
        %dma_start3A_108 = tpu.memref_squeeze %dma_start3A_107 : memref<1x800xf32, #tpu.memory_space<hbm>> -> memref<800xf32, #tpu.memory_space<hbm>>
        tpu.enqueue_dma source(%dma_start3A_108 : memref<800xf32, #tpu.memory_space<hbm>>) target(%arg15 : memref<800xf32, #tpu.memory_space<vmem>>) target_semaphore(%run_scoped3A_104 : memref<!tpu.dma_semaphore, #tpu.memory_space<semaphore_mem>>)
        %dma_wait3A_109 = tpu.memref_slice %arg5[%run_scoped3A_93, %add3A_89] : memref<3x819200xf32, #tpu.memory_space<hbm>> -> memref<1x800xf32, #tpu.memory_space<hbm>>
        %dma_wait3A_110 = tpu.memref_squeeze %dma_wait3A_109 : memref<1x800xf32, #tpu.memory_space<hbm>> -> memref<800xf32, #tpu.memory_space<hbm>>
        %dma_wait3A_111 = tpu.memref_slice %arg5[%run_scoped3A_93, %add3A_89] : memref<3x819200xf32, #tpu.memory_space<hbm>> -> memref<1x800xf32, #tpu.memory_space<hbm>>
        %dma_wait3A_112 = tpu.memref_squeeze %dma_wait3A_111 : memref<1x800xf32, #tpu.memory_space<hbm>> -> memref<800xf32, #tpu.memory_space<hbm>>
        tpu.wait_dma2 semaphore(%run_scoped3A_104 : memref<!tpu.dma_semaphore, #tpu.memory_space<semaphore_mem>>) src(%dma_wait3A_112 : memref<800xf32, #tpu.memory_space<hbm>>) dst(%arg15 : memref<800xf32, #tpu.memory_space<vmem>>)
        tpu.yield
      }) : () -> ()
      %run_scoped3A_94 = arith.constant 2 : i32
      "tpu.region"() ({
        %run_scoped3A_104 = tpu.sem_alloc : memref<!tpu.dma_semaphore, #tpu.memory_space<semaphore_mem>>
        %dma_start3A_105 = tpu.memref_slice %arg5[%run_scoped3A_94, %add3A_89] : memref<3x819200xf32, #tpu.memory_space<hbm>> -> memref<1x800xf32, #tpu.memory_space<hbm>>
        %dma_start3A_106 = tpu.memref_squeeze %dma_start3A_105 : memref<1x800xf32, #tpu.memory_space<hbm>> -> memref<800xf32, #tpu.memory_space<hbm>>
        %dma_start3A_107 = tpu.memref_slice %arg5[%run_scoped3A_94, %add3A_89] : memref<3x819200xf32, #tpu.memory_space<hbm>> -> memref<1x800xf32, #tpu.memory_space<hbm>>
        %dma_start3A_108 = tpu.memref_squeeze %dma_start3A_107 : memref<1x800xf32, #tpu.memory_space<hbm>> -> memref<800xf32, #tpu.memory_space<hbm>>
        tpu.enqueue_dma source(%dma_start3A_108 : memref<800xf32, #tpu.memory_space<hbm>>) target(%arg16 : memref<800xf32, #tpu.memory_space<vmem>>) target_semaphore(%run_scoped3A_104 : memref<!tpu.dma_semaphore, #tpu.memory_space<semaphore_mem>>)
        %dma_wait3A_109 = tpu.memref_slice %arg5[%run_scoped3A_94, %add3A_89] : memref<3x819200xf32, #tpu.memory_space<hbm>> -> memref<1x800xf32, #tpu.memory_space<hbm>>
        %dma_wait3A_110 = tpu.memref_squeeze %dma_wait3A_109 : memref<1x800xf32, #tpu.memory_space<hbm>> -> memref<800xf32, #tpu.memory_space<hbm>>
        %dma_wait3A_111 = tpu.memref_slice %arg5[%run_scoped3A_94, %add3A_89] : memref<3x819200xf32, #tpu.memory_space<hbm>> -> memref<1x800xf32, #tpu.memory_space<hbm>>
        %dma_wait3A_112 = tpu.memref_squeeze %dma_wait3A_111 : memref<1x800xf32, #tpu.memory_space<hbm>> -> memref<800xf32, #tpu.memory_space<hbm>>
        tpu.wait_dma2 semaphore(%run_scoped3A_104 : memref<!tpu.dma_semaphore, #tpu.memory_space<semaphore_mem>>) src(%dma_wait3A_112 : memref<800xf32, #tpu.memory_space<hbm>>) dst(%arg16 : memref<800xf32, #tpu.memory_space<vmem>>)
        tpu.yield
      }) : () -> ()
      %dma_wait3A = arith.constant 0 : i32
      %dma_wait3A_95 = tpu.memref_slice %arg2[%dma_wait3A] : memref<50048xi32, #tpu.memory_space<hbm>> -> memref<50048xi32, #tpu.memory_space<hbm>>
      tpu.wait_indirect_dma semaphore(%arg24 : memref<!tpu.dma_semaphore, #tpu.memory_space<semaphore_mem>>) src(%dma_wait3A_95 : memref<50048xi32, #tpu.memory_space<hbm>>) dst(%arg12 : memref<800xi32, #tpu.memory_space<vmem>>)
      %dma_wait3A_96 = arith.constant 0 : i32
      %dma_wait3A_97 = tpu.memref_slice %arg2[%dma_wait3A_96] : memref<50048xi32, #tpu.memory_space<hbm>> -> memref<50048xi32, #tpu.memory_space<hbm>>
      tpu.wait_indirect_dma semaphore(%arg25 : memref<!tpu.dma_semaphore, #tpu.memory_space<semaphore_mem>>) src(%dma_wait3A_97 : memref<50048xi32, #tpu.memory_space<hbm>>) dst(%arg13 : memref<800xi32, #tpu.memory_space<vmem>>)
      %scan3A_98 = arith.constant 0 : i32
      %scan3A_99 = arith.constant 0 : i32
      %scan3A_100 = arith.constant 50 : i32
      %scan3A_101 = arith.addi %scan3A_99, %scan3A_100 : i32
      %scan3A_102 = arith.constant 1 : i32
      scf.for %scan3A_104 = %scan3A_99 to %scan3A_101 step %scan3A_102  : i32 {
        %mul3A_105 = arith.constant 16 : i32
        %mul3A_106 = arith.muli %scan3A_104, %mul3A_105 : i32
        %get3A = arith.index_cast %mul3A_106 : i32 to index
        %get3A_107 = tpu.vector_load %arg12[%get3A] {strides = array<i32>} : memref<800xi32, #tpu.memory_space<vmem>>, vector<16xi32>,
        %get3A_108 = arith.index_cast %mul3A_106 : i32 to index
        %get3A_109 = tpu.vector_load %arg13[%get3A_108] {strides = array<i32>} : memref<800xi32, #tpu.memory_space<vmem>>, vector<16xi32>,
        %get3A_110 = arith.index_cast %mul3A_106 : i32 to index
        %get3A_111 = tpu.vector_load %arg11[%get3A_110] {strides = array<i32>} : memref<800xi32, #tpu.memory_space<vmem>>, vector<16xi32>,
        %get3A_112 = arith.index_cast %mul3A_106 : i32 to index
        %get3A_113 = tpu.vector_load %arg14[%get3A_112] {strides = array<i32>} : memref<800xf32, #tpu.memory_space<vmem>>, vector<16xf32>,
        %get3A_114 = arith.index_cast %mul3A_106 : i32 to index
        %get3A_115 = tpu.vector_load %arg15[%get3A_114] {strides = array<i32>} : memref<800xf32, #tpu.memory_space<vmem>>, vector<16xf32>,
        %get3A_116 = arith.index_cast %mul3A_106 : i32 to index
        %get3A_117 = tpu.vector_load %arg16[%get3A_116] {strides = array<i32>} : memref<800xf32, #tpu.memory_space<vmem>>, vector<16xf32>,
        %mul3A_118 = arith.constant 2 : i32
        %mul3A_119 = arith.muli %mul3A_118, %arg0 : i32
        %add3A_120 = arith.constant 0 : i32
        %add3A_121 = arith.addi %mul3A_119, %add3A_120 : i32
        %broadcast_in_dim3A_122 = arith.constant 0 : i32
        %broadcast_in_dim3A_123 = vector.broadcast %broadcast_in_dim3A_122 : i32 to vector<16xi32>
        %add3A_124 = vector.broadcast %add3A_121 : i32 to vector<16xi32>
        %add3A_125 = arith.addi %broadcast_in_dim3A_123, %add3A_124 : vector<16xi32>
        %gather3A_126 = tpu.vector_load_idx %arg18[%add3A_125, %get3A_107] : memref<4x16xf32, #tpu.memory_space<vmem>>[vector<16xi32>, vector<16xi32>], vector<16xf32>,
        %gather3A_127 = tpu.vector_load_idx %arg19[%add3A_125, %get3A_109] : memref<4x16xf32, #tpu.memory_space<vmem>>[vector<16xi32>, vector<16xi32>], vector<16xf32>,
        %mul3A_128 = arith.mulf %get3A_113, %gather3A : vector<16xf32>
        %mul3A_129 = arith.mulf %get3A_115, %gather3A_39 : vector<16xf32>
        %add3A_130 = arith.addf %mul3A_128, %mul3A_129 : vector<16xf32>
        %mul3A_131 = arith.mulf %get3A_117, %gather3A_61 : vector<16xf32>
        %add3A_132 = arith.addf %add3A_130, %mul3A_131 : vector<16xf32>
        %add3A_133 = arith.addf %gather3A_126, %gather3A_127 : vector<16xf32>
        %add3A_134 = arith.addf %add3A_133, %add3A_132 : vector<16xf32>
        %mul3A_135 = arith.constant 2.000000e-01 : f32
        %mul3A_136 = vector.broadcast %mul3A_135 : f32 to vector<16xf32>
        %mul3A_137 = arith.mulf %mul3A_136, %add3A_134 : vector<16xf32>
        %max3A = arith.maximumf %add3A_134, %mul3A_137 : vector<16xf32>
        %exp3A = math.exp %max3A : vector<16xf32>
        %mul3A_138 = arith.constant 32 : i32
        %mul3A_139 = vector.broadcast %mul3A_138 : i32 to vector<16xi32>
        %mul3A_140 = arith.muli %get3A_111, %mul3A_139 : vector<16xi32>
        %add3A_141 = arith.addi %mul3A_140, %get3A_107 : vector<16xi32>
        %add3A_142 = arith.constant 0 : i32
        %add3A_143 = vector.broadcast %add3A_142 : i32 to vector<16xi32>
        %add3A_144 = arith.addi %add3A_141, %add3A_143 : vector<16xi32>
        %mul3A_145 = arith.constant 2 : i32
        %mul3A_146 = arith.muli %scan3A_104, %mul3A_145 : i32
        %add3A_147 = arith.constant 0 : i32
        %add3A_148 = arith.addi %mul3A_146, %add3A_147 : i32
        %mul3A_149 = arith.constant 16 : i32
        %mul3A_150 = arith.muli %add3A_148, %mul3A_149 : i32
        %swap3A = arith.index_cast %mul3A_150 : i32 to index
        %swap3A_151 = tpu.vector_load %arg20[%swap3A] {strides = array<i32>} : memref<1600xf32, #tpu.memory_space<vmem>>, vector<16xf32>,
        tpu.vector_store %arg20[%swap3A], %exp3A {strides = array<i32>} : memref<1600xf32, #tpu.memory_space<vmem>>, vector<16xf32>,
        %swap3A_152 = arith.index_cast %mul3A_150 : i32 to index
        %swap3A_153 = tpu.vector_load %arg21[%swap3A_152] {strides = array<i32>} : memref<1600xi32, #tpu.memory_space<vmem>>, vector<16xi32>,
        tpu.vector_store %arg21[%swap3A_152], %add3A_144 {strides = array<i32>} : memref<1600xi32, #tpu.memory_space<vmem>>, vector<16xi32>,
        %mul3A_154 = arith.constant 2 : i32
        %mul3A_155 = arith.muli %mul3A_154, %arg0 : i32
        %add3A_156 = arith.constant 1 : i32
        %add3A_157 = arith.addi %mul3A_155, %add3A_156 : i32
        %broadcast_in_dim3A_158 = arith.constant 0 : i32
        %broadcast_in_dim3A_159 = vector.broadcast %broadcast_in_dim3A_158 : i32 to vector<16xi32>
        %add3A_160 = vector.broadcast %add3A_157 : i32 to vector<16xi32>
        %add3A_161 = arith.addi %broadcast_in_dim3A_159, %add3A_160 : vector<16xi32>
        %gather3A_162 = tpu.vector_load_idx %arg18[%add3A_161, %get3A_107] : memref<4x16xf32, #tpu.memory_space<vmem>>[vector<16xi32>, vector<16xi32>], vector<16xf32>,
        %gather3A_163 = tpu.vector_load_idx %arg19[%add3A_161, %get3A_109] : memref<4x16xf32, #tpu.memory_space<vmem>>[vector<16xi32>, vector<16xi32>], vector<16xf32>,
        %mul3A_164 = arith.mulf %get3A_113, %gather3A_28 : vector<16xf32>
        %mul3A_165 = arith.mulf %get3A_115, %gather3A_50 : vector<16xf32>
        %add3A_166 = arith.addf %mul3A_164, %mul3A_165 : vector<16xf32>
        %mul3A_167 = arith.mulf %get3A_117, %gather3A_72 : vector<16xf32>
        %add3A_168 = arith.addf %add3A_166, %mul3A_167 : vector<16xf32>
        %add3A_169 = arith.addf %gather3A_162, %gather3A_163 : vector<16xf32>
        %add3A_170 = arith.addf %add3A_169, %add3A_168 : vector<16xf32>
        %mul3A_171 = arith.constant 2.000000e-01 : f32
        %mul3A_172 = vector.broadcast %mul3A_171 : f32 to vector<16xf32>
        %mul3A_173 = arith.mulf %mul3A_172, %add3A_170 : vector<16xf32>
        %max3A_174 = arith.maximumf %add3A_170, %mul3A_173 : vector<16xf32>
        %exp3A_175 = math.exp %max3A_174 : vector<16xf32>
        %mul3A_176 = arith.constant 32 : i32
        %mul3A_177 = vector.broadcast %mul3A_176 : i32 to vector<16xi32>
        %mul3A_178 = arith.muli %get3A_111, %mul3A_177 : vector<16xi32>
        %add3A_179 = arith.addi %mul3A_178, %get3A_107 : vector<16xi32>
        %add3A_180 = arith.constant 16 : i32
        %add3A_181 = vector.broadcast %add3A_180 : i32 to vector<16xi32>
        %add3A_182 = arith.addi %add3A_179, %add3A_181 : vector<16xi32>
        %mul3A_183 = arith.constant 2 : i32
        %mul3A_184 = arith.muli %scan3A_104, %mul3A_183 : i32
        %add3A_185 = arith.constant 1 : i32
        %add3A_186 = arith.addi %mul3A_184, %add3A_185 : i32
        %mul3A_187 = arith.constant 16 : i32
        %mul3A_188 = arith.muli %add3A_186, %mul3A_187 : i32
        %swap3A_189 = arith.index_cast %mul3A_188 : i32 to index
        %swap3A_190 = tpu.vector_load %arg20[%swap3A_189] {strides = array<i32>} : memref<1600xf32, #tpu.memory_space<vmem>>, vector<16xf32>,
        tpu.vector_store %arg20[%swap3A_189], %exp3A_175 {strides = array<i32>} : memref<1600xf32, #tpu.memory_space<vmem>>, vector<16xf32>,
        %swap3A_191 = arith.index_cast %mul3A_188 : i32 to index
        %swap3A_192 = tpu.vector_load %arg21[%swap3A_191] {strides = array<i32>} : memref<1600xi32, #tpu.memory_space<vmem>>, vector<16xi32>,
        tpu.vector_store %arg21[%swap3A_191], %add3A_182 {strides = array<i32>} : memref<1600xi32, #tpu.memory_space<vmem>>, vector<16xi32>,
      }
      %scan3A_103 = arith.constant 50 : i32
      "tpu.region"() ({
        %run_scoped3A_104 = tpu.sem_alloc : memref<!tpu.dma_semaphore, #tpu.memory_space<semaphore_mem>>
        %dma_start3A_105 = arith.constant 0 : i32
        %dma_start3A_106 = tpu.memref_slice %arg23[%dma_start3A_105] : memref<1601536xf32, #tpu.memory_space<vmem_shared>> -> memref<1601536xf32, #tpu.memory_space<vmem_shared>>
        tpu.enqueue_indirect_dma source(%arg20 : memref<1600xf32, #tpu.memory_space<vmem>>) target(%dma_start3A_106 : memref<1601536xf32, #tpu.memory_space<vmem_shared>>) offsets(%arg21 : memref<1600xi32, #tpu.memory_space<vmem>>) semaphore(%run_scoped3A_104 : memref<!tpu.dma_semaphore, #tpu.memory_space<semaphore_mem>>) {add = true}
        %dma_wait3A_107 = arith.constant 0 : i32
        %dma_wait3A_108 = tpu.memref_slice %arg23[%dma_wait3A_107] : memref<1601536xf32, #tpu.memory_space<vmem_shared>> -> memref<1601536xf32, #tpu.memory_space<vmem_shared>>
        tpu.wait_indirect_dma semaphore(%run_scoped3A_104 : memref<!tpu.dma_semaphore, #tpu.memory_space<semaphore_mem>>) src(%arg20 : memref<1600xf32, #tpu.memory_space<vmem>>) dst(%dma_wait3A_108 : memref<1601536xf32, #tpu.memory_space<vmem_shared>>)
        tpu.yield
      }) : () -> ()
    }
    %scan3A_78 = arith.constant 64 : i32
    %barrier3A_79 = arith.constant 0 : index
    tpu.barrier barrier_id(%barrier3A_79)
    %mul3A_80 = arith.constant 100096 : i32
    %mul3A_81 = arith.muli %arg1, %mul3A_80 : i32
    %mul3A_82 = arith.constant 100096 : i32
    %mul3A_83 = arith.muli %arg1, %mul3A_82 : i32
    "tpu.region"() ({
      %run_scoped3A = tpu.sem_alloc : memref<!tpu.dma_semaphore, #tpu.memory_space<semaphore_mem>>
      %dma_start3A = tpu.memref_slice %arg9[%arg0, %mul3A_83] : memref<2x1601536xf32, #tpu.memory_space<hbm>> -> memref<1x100096xf32, #tpu.memory_space<hbm>>
      %dma_start3A_84 = tpu.memref_squeeze %dma_start3A : memref<1x100096xf32, #tpu.memory_space<hbm>> -> memref<100096xf32, #tpu.memory_space<hbm>>
      %dma_start3A_85 = tpu.memref_slice %arg23[%mul3A_81] : memref<1601536xf32, #tpu.memory_space<vmem_shared>> -> memref<100096xf32, #tpu.memory_space<vmem_shared>>
      tpu.enqueue_dma source(%dma_start3A_85 : memref<100096xf32, #tpu.memory_space<vmem_shared>>) target(%dma_start3A_84 : memref<100096xf32, #tpu.memory_space<hbm>>) target_semaphore(%run_scoped3A : memref<!tpu.dma_semaphore, #tpu.memory_space<semaphore_mem>>)
      %dma_wait3A = tpu.memref_slice %arg9[%arg0, %mul3A_83] : memref<2x1601536xf32, #tpu.memory_space<hbm>> -> memref<1x100096xf32, #tpu.memory_space<hbm>>
      %dma_wait3A_86 = tpu.memref_squeeze %dma_wait3A : memref<1x100096xf32, #tpu.memory_space<hbm>> -> memref<100096xf32, #tpu.memory_space<hbm>>
      %dma_wait3A_87 = tpu.memref_slice %arg23[%mul3A_81] : memref<1601536xf32, #tpu.memory_space<vmem_shared>> -> memref<100096xf32, #tpu.memory_space<vmem_shared>>
      tpu.wait_dma2 semaphore(%run_scoped3A : memref<!tpu.dma_semaphore, #tpu.memory_space<semaphore_mem>>) src(%dma_wait3A_87 : memref<100096xf32, #tpu.memory_space<vmem_shared>>) dst(%dma_wait3A_86 : memref<100096xf32, #tpu.memory_space<hbm>>)
      tpu.yield
    }) : () -> ()
    return
  }
}

#map = affine_map<(d0, d1) -> (0)>
#map1 = affine_map<(d0, d1) -> (0, 0)>
#map2 = affine_map<(d0, d1) -> (0, 0, 0)>
module attributes {stable_mosaic.version = 14 : i64} {
  func.func @_p3_body(%arg0: i32, %arg1: i32, %arg2: memref<819200xi32, #tpu.memory_space<hbm>>, %arg3: memref<819200xi32, #tpu.memory_space<hbm>>, %arg4: memref<3x819200xf32, #tpu.memory_space<hbm>>, %arg5: memref<16xf32, #tpu.memory_space<hbm>>, %arg6: memref<50048x16xf32, #tpu.memory_space<hbm>>, %arg7: memref<50048xf32, #tpu.memory_space<hbm>>, %arg8: memref<50048xf32, #tpu.memory_space<hbm>>, %arg9: memref<2x50048x16xf32, #tpu.memory_space<hbm>>, %arg10: memref<2x50048xf32, #tpu.memory_space<hbm>>, %arg11: memref<1600xi32, #tpu.memory_space<vmem>>, %arg12: memref<1600xi32, #tpu.memory_space<vmem>>, %arg13: memref<1600xf32, #tpu.memory_space<vmem>>, %arg14: memref<1600xf32, #tpu.memory_space<vmem>>, %arg15: memref<1600xf32, #tpu.memory_space<vmem>>, %arg16: memref<1600xf32, #tpu.memory_space<vmem>>, %arg17: memref<1600xf32, #tpu.memory_space<vmem>>, %arg18: memref<16xf32, #tpu.memory_space<vmem>>, %arg19: memref<1600x16xf32, #tpu.memory_space<vmem>>, %arg20: memref<1600xf32, #tpu.memory_space<vmem>>, %arg21: memref<391x16xf32, #tpu.memory_space<vmem>>, %arg22: memref<3136xf32, #tpu.memory_space<vmem>>, %arg23: memref<50048x16xf32, #tpu.memory_space<vmem_shared>>, %arg24: memref<50048xf32, #tpu.memory_space<vmem_shared>>, %arg25: memref<!tpu.dma_semaphore, #tpu.memory_space<semaphore_mem>>, %arg26: memref<!tpu.dma_semaphore, #tpu.memory_space<semaphore_mem>>, %arg27: memref<!tpu.dma_semaphore, #tpu.memory_space<semaphore_mem>>) attributes {dimension_semantics = [#tpu.dimension_semantics<core_parallel>, #tpu.dimension_semantics<subcore_parallel>], iteration_bounds = array<i64: 2, 16>, scalar_prefetch = 0 : i64, scratch_operands = 17 : i64, tpu.core_type = #tpu.core_type<sc_vector_subcore>, window_params = [{transform_indices = #map}, {transform_indices = #map}, {transform_indices = #map1}, {transform_indices = #map}, {transform_indices = #map1}, {transform_indices = #map}, {transform_indices = #map}, {transform_indices = #map2}, {transform_indices = #map1}]} {
    %scan3A = arith.constant 0 : i32
    %scan3A_0 = arith.constant 0 : i32
    %scan3A_1 = arith.constant 391 : i32
    %scan3A_2 = arith.addi %scan3A_0, %scan3A_1 : i32
    %scan3A_3 = arith.constant 1 : i32
    scf.for %scan3A_48 = %scan3A_0 to %scan3A_2 step %scan3A_3  : i32 {
      %broadcast_in_dim3A_49 = arith.constant 0.000000e+00 : f32
      %broadcast_in_dim3A_50 = vector.broadcast %broadcast_in_dim3A_49 : f32 to vector<16xf32>
      %swap3A = arith.index_cast %scan3A_48 : i32 to index
      %swap3A_51 = arith.constant 0 : index
      %swap3A_52 = tpu.vector_load %arg21[%swap3A, %swap3A_51] {strides = array<i32>} : memref<391x16xf32, #tpu.memory_space<vmem>>, vector<16xf32>,
      tpu.vector_store %arg21[%swap3A, %swap3A_51], %broadcast_in_dim3A_50 {strides = array<i32>} : memref<391x16xf32, #tpu.memory_space<vmem>>, vector<16xf32>,
    }
    %scan3A_4 = arith.constant 391 : i32
    %scan3A_5 = arith.constant 0 : i32
    %scan3A_6 = arith.constant 0 : i32
    %scan3A_7 = arith.constant 196 : i32
    %scan3A_8 = arith.addi %scan3A_6, %scan3A_7 : i32
    %scan3A_9 = arith.constant 1 : i32
    scf.for %scan3A_48 = %scan3A_6 to %scan3A_8 step %scan3A_9  : i32 {
      %broadcast_in_dim3A_49 = arith.constant 0.000000e+00 : f32
      %broadcast_in_dim3A_50 = vector.broadcast %broadcast_in_dim3A_49 : f32 to vector<16xf32>
      %mul3A_51 = arith.constant 16 : i32
      %mul3A_52 = arith.muli %scan3A_48, %mul3A_51 : i32
      %swap3A = arith.index_cast %mul3A_52 : i32 to index
      %swap3A_53 = tpu.vector_load %arg22[%swap3A] {strides = array<i32>} : memref<3136xf32, #tpu.memory_space<vmem>>, vector<16xf32>,
      tpu.vector_store %arg22[%swap3A], %broadcast_in_dim3A_50 {strides = array<i32>} : memref<3136xf32, #tpu.memory_space<vmem>>, vector<16xf32>,
    }
    %scan3A_10 = arith.constant 196 : i32
    %scan3A_11 = arith.constant 0 : i32
    %scan3A_12 = arith.constant 0 : i32
    %scan3A_13 = arith.constant 8 : i32
    %scan3A_14 = arith.addi %scan3A_12, %scan3A_13 : i32
    %scan3A_15 = arith.constant 1 : i32
    scf.for %scan3A_48 = %scan3A_12 to %scan3A_14 step %scan3A_15  : i32 {
      %mul3A_49 = arith.constant 3128 : i32
      %mul3A_50 = arith.muli %arg1, %mul3A_49 : i32
      %mul3A_51 = arith.constant 391 : i32
      %mul3A_52 = arith.muli %scan3A_48, %mul3A_51 : i32
      %add3A_53 = arith.addi %mul3A_50, %mul3A_52 : i32
      "tpu.region"() ({
        %run_scoped3A = tpu.sem_alloc : memref<!tpu.dma_semaphore, #tpu.memory_space<semaphore_mem>>
        %dma_start3A = arith.constant 0 : i32
        %dma_start3A_54 = tpu.memref_slice %arg23[%add3A_53, %dma_start3A] : memref<50048x16xf32, #tpu.memory_space<vmem_shared>> -> memref<391x16xf32, #tpu.memory_space<vmem_shared>>
        %dma_start3A_55 = arith.constant 0 : i32
        %dma_start3A_56 = tpu.memref_slice %arg23[%add3A_53, %dma_start3A_55] : memref<50048x16xf32, #tpu.memory_space<vmem_shared>> -> memref<391x16xf32, #tpu.memory_space<vmem_shared>>
        tpu.enqueue_dma source(%arg21 : memref<391x16xf32, #tpu.memory_space<vmem>>) target(%dma_start3A_56 : memref<391x16xf32, #tpu.memory_space<vmem_shared>>) target_semaphore(%run_scoped3A : memref<!tpu.dma_semaphore, #tpu.memory_space<semaphore_mem>>)
        %dma_wait3A = arith.constant 0 : i32
        %dma_wait3A_57 = tpu.memref_slice %arg23[%add3A_53, %dma_wait3A] : memref<50048x16xf32, #tpu.memory_space<vmem_shared>> -> memref<391x16xf32, #tpu.memory_space<vmem_shared>>
        %dma_wait3A_58 = arith.constant 0 : i32
        %dma_wait3A_59 = tpu.memref_slice %arg23[%add3A_53, %dma_wait3A_58] : memref<50048x16xf32, #tpu.memory_space<vmem_shared>> -> memref<391x16xf32, #tpu.memory_space<vmem_shared>>
        tpu.wait_dma2 semaphore(%run_scoped3A : memref<!tpu.dma_semaphore, #tpu.memory_space<semaphore_mem>>) src(%arg21 : memref<391x16xf32, #tpu.memory_space<vmem>>) dst(%dma_wait3A_59 : memref<391x16xf32, #tpu.memory_space<vmem_shared>>)
        tpu.yield
      }) : () -> ()
    }
    %scan3A_16 = arith.constant 8 : i32
    %mul3A = arith.constant 3128 : i32
    %mul3A_17 = arith.muli %arg1, %mul3A : i32
    "tpu.region"() ({
      %run_scoped3A = tpu.sem_alloc : memref<!tpu.dma_semaphore, #tpu.memory_space<semaphore_mem>>
      %dma_start3A = arith.constant 0 : i32
      %dma_start3A_48 = tpu.memref_slice %arg22[%dma_start3A] : memref<3136xf32, #tpu.memory_space<vmem>> -> memref<3128xf32, #tpu.memory_space<vmem>>
      %dma_start3A_49 = tpu.memref_slice %arg24[%mul3A_17] : memref<50048xf32, #tpu.memory_space<vmem_shared>> -> memref<3128xf32, #tpu.memory_space<vmem_shared>>
      %dma_start3A_50 = tpu.memref_slice %arg24[%mul3A_17] : memref<50048xf32, #tpu.memory_space<vmem_shared>> -> memref<3128xf32, #tpu.memory_space<vmem_shared>>
      %dma_start3A_51 = arith.constant 0 : i32
      %dma_start3A_52 = tpu.memref_slice %arg22[%dma_start3A_51] : memref<3136xf32, #tpu.memory_space<vmem>> -> memref<3128xf32, #tpu.memory_space<vmem>>
      tpu.enqueue_dma source(%dma_start3A_52 : memref<3128xf32, #tpu.memory_space<vmem>>) target(%dma_start3A_50 : memref<3128xf32, #tpu.memory_space<vmem_shared>>) target_semaphore(%run_scoped3A : memref<!tpu.dma_semaphore, #tpu.memory_space<semaphore_mem>>)
      %dma_wait3A = arith.constant 0 : i32
      %dma_wait3A_53 = tpu.memref_slice %arg22[%dma_wait3A] : memref<3136xf32, #tpu.memory_space<vmem>> -> memref<3128xf32, #tpu.memory_space<vmem>>
      %dma_wait3A_54 = tpu.memref_slice %arg24[%mul3A_17] : memref<50048xf32, #tpu.memory_space<vmem_shared>> -> memref<3128xf32, #tpu.memory_space<vmem_shared>>
      %dma_wait3A_55 = tpu.memref_slice %arg24[%mul3A_17] : memref<50048xf32, #tpu.memory_space<vmem_shared>> -> memref<3128xf32, #tpu.memory_space<vmem_shared>>
      %dma_wait3A_56 = arith.constant 0 : i32
      %dma_wait3A_57 = tpu.memref_slice %arg22[%dma_wait3A_56] : memref<3136xf32, #tpu.memory_space<vmem>> -> memref<3128xf32, #tpu.memory_space<vmem>>
      tpu.wait_dma2 semaphore(%run_scoped3A : memref<!tpu.dma_semaphore, #tpu.memory_space<semaphore_mem>>) src(%dma_wait3A_57 : memref<3128xf32, #tpu.memory_space<vmem>>) dst(%dma_wait3A_55 : memref<3128xf32, #tpu.memory_space<vmem_shared>>)
      tpu.yield
    }) : () -> ()
    "tpu.region"() ({
      %run_scoped3A = tpu.sem_alloc : memref<!tpu.dma_semaphore, #tpu.memory_space<semaphore_mem>>
      tpu.enqueue_dma source(%arg5 : memref<16xf32, #tpu.memory_space<hbm>>) target(%arg18 : memref<16xf32, #tpu.memory_space<vmem>>) target_semaphore(%run_scoped3A : memref<!tpu.dma_semaphore, #tpu.memory_space<semaphore_mem>>)
      tpu.wait_dma2 semaphore(%run_scoped3A : memref<!tpu.dma_semaphore, #tpu.memory_space<semaphore_mem>>) src(%arg5 : memref<16xf32, #tpu.memory_space<hbm>>) dst(%arg18 : memref<16xf32, #tpu.memory_space<vmem>>)
      tpu.yield
    }) : () -> ()
    %broadcast_in_dim3A = arith.constant 0 : i32
    %broadcast_in_dim3A_18 = vector.broadcast %broadcast_in_dim3A : i32 to vector<16xi32>
    %add3A = arith.constant 4 : i32
    %add3A_19 = vector.broadcast %add3A : i32 to vector<16xi32>
    %add3A_20 = arith.addi %broadcast_in_dim3A_18, %add3A_19 : vector<16xi32>
    %gather3A = tpu.vector_load_idx %arg18[%add3A_20] : memref<16xf32, #tpu.memory_space<vmem>>[vector<16xi32>], vector<16xf32>,
    %broadcast_in_dim3A_21 = arith.constant 0 : i32
    %broadcast_in_dim3A_22 = vector.broadcast %broadcast_in_dim3A_21 : i32 to vector<16xi32>
    %add3A_23 = arith.constant 9 : i32
    %add3A_24 = vector.broadcast %add3A_23 : i32 to vector<16xi32>
    %add3A_25 = arith.addi %broadcast_in_dim3A_22, %add3A_24 : vector<16xi32>
    %gather3A_26 = tpu.vector_load_idx %arg18[%add3A_25] : memref<16xf32, #tpu.memory_space<vmem>>[vector<16xi32>], vector<16xf32>,
    %broadcast_in_dim3A_27 = arith.constant 0 : i32
    %broadcast_in_dim3A_28 = vector.broadcast %broadcast_in_dim3A_27 : i32 to vector<16xi32>
    %add3A_29 = arith.constant 14 : i32
    %add3A_30 = vector.broadcast %add3A_29 : i32 to vector<16xi32>
    %add3A_31 = arith.addi %broadcast_in_dim3A_28, %add3A_30 : vector<16xi32>
    %gather3A_32 = tpu.vector_load_idx %arg18[%add3A_31] : memref<16xf32, #tpu.memory_space<vmem>>[vector<16xi32>], vector<16xf32>,
    %barrier3A = arith.constant 0 : index
    tpu.barrier barrier_id(%barrier3A)
    %scan3A_33 = arith.constant 0 : i32
    %scan3A_34 = arith.constant 0 : i32
    %scan3A_35 = arith.constant 16 : i32
    %scan3A_36 = arith.addi %scan3A_34, %scan3A_35 : i32
    %scan3A_37 = arith.constant 1 : i32
    scf.for %scan3A_48 = %scan3A_34 to %scan3A_36 step %scan3A_37  : i32 {
      %mul3A_49 = arith.constant 16 : i32
      %mul3A_50 = arith.muli %arg0, %mul3A_49 : i32
      %add3A_51 = arith.addi %mul3A_50, %arg1 : i32
      %mul3A_52 = arith.constant 25600 : i32
      %mul3A_53 = arith.muli %add3A_51, %mul3A_52 : i32
      %mul3A_54 = arith.constant 1600 : i32
      %mul3A_55 = arith.muli %scan3A_48, %mul3A_54 : i32
      %add3A_56 = arith.addi %mul3A_53, %mul3A_55 : i32
      "tpu.region"() ({
        %run_scoped3A_77 = tpu.sem_alloc : memref<!tpu.dma_semaphore, #tpu.memory_space<semaphore_mem>>
        %dma_start3A_78 = tpu.memref_slice %arg2[%add3A_56] : memref<819200xi32, #tpu.memory_space<hbm>> -> memref<1600xi32, #tpu.memory_space<hbm>>
        %dma_start3A_79 = tpu.memref_slice %arg2[%add3A_56] : memref<819200xi32, #tpu.memory_space<hbm>> -> memref<1600xi32, #tpu.memory_space<hbm>>
        tpu.enqueue_dma source(%dma_start3A_79 : memref<1600xi32, #tpu.memory_space<hbm>>) target(%arg11 : memref<1600xi32, #tpu.memory_space<vmem>>) target_semaphore(%run_scoped3A_77 : memref<!tpu.dma_semaphore, #tpu.memory_space<semaphore_mem>>)
        %dma_wait3A_80 = tpu.memref_slice %arg2[%add3A_56] : memref<819200xi32, #tpu.memory_space<hbm>> -> memref<1600xi32, #tpu.memory_space<hbm>>
        %dma_wait3A_81 = tpu.memref_slice %arg2[%add3A_56] : memref<819200xi32, #tpu.memory_space<hbm>> -> memref<1600xi32, #tpu.memory_space<hbm>>
        tpu.wait_dma2 semaphore(%run_scoped3A_77 : memref<!tpu.dma_semaphore, #tpu.memory_space<semaphore_mem>>) src(%dma_wait3A_81 : memref<1600xi32, #tpu.memory_space<hbm>>) dst(%arg11 : memref<1600xi32, #tpu.memory_space<vmem>>)
        tpu.yield
      }) : () -> ()
      "tpu.region"() ({
        %run_scoped3A_77 = tpu.sem_alloc : memref<!tpu.dma_semaphore, #tpu.memory_space<semaphore_mem>>
        %dma_start3A_78 = tpu.memref_slice %arg3[%add3A_56] : memref<819200xi32, #tpu.memory_space<hbm>> -> memref<1600xi32, #tpu.memory_space<hbm>>
        %dma_start3A_79 = tpu.memref_slice %arg3[%add3A_56] : memref<819200xi32, #tpu.memory_space<hbm>> -> memref<1600xi32, #tpu.memory_space<hbm>>
        tpu.enqueue_dma source(%dma_start3A_79 : memref<1600xi32, #tpu.memory_space<hbm>>) target(%arg12 : memref<1600xi32, #tpu.memory_space<vmem>>) target_semaphore(%run_scoped3A_77 : memref<!tpu.dma_semaphore, #tpu.memory_space<semaphore_mem>>)
        %dma_wait3A_80 = tpu.memref_slice %arg3[%add3A_56] : memref<819200xi32, #tpu.memory_space<hbm>> -> memref<1600xi32, #tpu.memory_space<hbm>>
        %dma_wait3A_81 = tpu.memref_slice %arg3[%add3A_56] : memref<819200xi32, #tpu.memory_space<hbm>> -> memref<1600xi32, #tpu.memory_space<hbm>>
        tpu.wait_dma2 semaphore(%run_scoped3A_77 : memref<!tpu.dma_semaphore, #tpu.memory_space<semaphore_mem>>) src(%dma_wait3A_81 : memref<1600xi32, #tpu.memory_space<hbm>>) dst(%arg12 : memref<1600xi32, #tpu.memory_space<vmem>>)
        tpu.yield
      }) : () -> ()
      %dma_start3A = arith.constant 0 : i32
      %dma_start3A_57 = tpu.memref_slice %arg7[%dma_start3A] : memref<50048xf32, #tpu.memory_space<hbm>> -> memref<50048xf32, #tpu.memory_space<hbm>>
      tpu.enqueue_indirect_dma source(%dma_start3A_57 : memref<50048xf32, #tpu.memory_space<hbm>>) target(%arg13 : memref<1600xf32, #tpu.memory_space<vmem>>) offsets(%arg11 : memref<1600xi32, #tpu.memory_space<vmem>>) semaphore(%arg25 : memref<!tpu.dma_semaphore, #tpu.memory_space<semaphore_mem>>)
      %dma_start3A_58 = arith.constant 0 : i32
      %dma_start3A_59 = tpu.memref_slice %arg8[%dma_start3A_58] : memref<50048xf32, #tpu.memory_space<hbm>> -> memref<50048xf32, #tpu.memory_space<hbm>>
      tpu.enqueue_indirect_dma source(%dma_start3A_59 : memref<50048xf32, #tpu.memory_space<hbm>>) target(%arg14 : memref<1600xf32, #tpu.memory_space<vmem>>) offsets(%arg12 : memref<1600xi32, #tpu.memory_space<vmem>>) semaphore(%arg26 : memref<!tpu.dma_semaphore, #tpu.memory_space<semaphore_mem>>)
      %dma_start3A_60 = arith.constant 0 : i32
      %dma_start3A_61 = arith.constant 0 : i32
      %dma_start3A_62 = tpu.memref_slice %arg6[%dma_start3A_60, %dma_start3A_61] : memref<50048x16xf32, #tpu.memory_space<hbm>> -> memref<50048x16xf32, #tpu.memory_space<hbm>>
      tpu.enqueue_indirect_dma source(%dma_start3A_62 : memref<50048x16xf32, #tpu.memory_space<hbm>>) target(%arg19 : memref<1600x16xf32, #tpu.memory_space<vmem>>) offsets(%arg11 : memref<1600xi32, #tpu.memory_space<vmem>>) semaphore(%arg27 : memref<!tpu.dma_semaphore, #tpu.memory_space<semaphore_mem>>)
      %run_scoped3A = arith.constant 0 : i32
      "tpu.region"() ({
        %run_scoped3A_77 = tpu.sem_alloc : memref<!tpu.dma_semaphore, #tpu.memory_space<semaphore_mem>>
        %dma_start3A_78 = tpu.memref_slice %arg4[%run_scoped3A, %add3A_56] : memref<3x819200xf32, #tpu.memory_space<hbm>> -> memref<1x1600xf32, #tpu.memory_space<hbm>>
        %dma_start3A_79 = tpu.memref_squeeze %dma_start3A_78 : memref<1x1600xf32, #tpu.memory_space<hbm>> -> memref<1600xf32, #tpu.memory_space<hbm>>
        %dma_start3A_80 = tpu.memref_slice %arg4[%run_scoped3A, %add3A_56] : memref<3x819200xf32, #tpu.memory_space<hbm>> -> memref<1x1600xf32, #tpu.memory_space<hbm>>
        %dma_start3A_81 = tpu.memref_squeeze %dma_start3A_80 : memref<1x1600xf32, #tpu.memory_space<hbm>> -> memref<1600xf32, #tpu.memory_space<hbm>>
        tpu.enqueue_dma source(%dma_start3A_81 : memref<1600xf32, #tpu.memory_space<hbm>>) target(%arg15 : memref<1600xf32, #tpu.memory_space<vmem>>) target_semaphore(%run_scoped3A_77 : memref<!tpu.dma_semaphore, #tpu.memory_space<semaphore_mem>>)
        %dma_wait3A_82 = tpu.memref_slice %arg4[%run_scoped3A, %add3A_56] : memref<3x819200xf32, #tpu.memory_space<hbm>> -> memref<1x1600xf32, #tpu.memory_space<hbm>>
        %dma_wait3A_83 = tpu.memref_squeeze %dma_wait3A_82 : memref<1x1600xf32, #tpu.memory_space<hbm>> -> memref<1600xf32, #tpu.memory_space<hbm>>
        %dma_wait3A_84 = tpu.memref_slice %arg4[%run_scoped3A, %add3A_56] : memref<3x819200xf32, #tpu.memory_space<hbm>> -> memref<1x1600xf32, #tpu.memory_space<hbm>>
        %dma_wait3A_85 = tpu.memref_squeeze %dma_wait3A_84 : memref<1x1600xf32, #tpu.memory_space<hbm>> -> memref<1600xf32, #tpu.memory_space<hbm>>
        tpu.wait_dma2 semaphore(%run_scoped3A_77 : memref<!tpu.dma_semaphore, #tpu.memory_space<semaphore_mem>>) src(%dma_wait3A_85 : memref<1600xf32, #tpu.memory_space<hbm>>) dst(%arg15 : memref<1600xf32, #tpu.memory_space<vmem>>)
        tpu.yield
      }) : () -> ()
      %run_scoped3A_63 = arith.constant 1 : i32
      "tpu.region"() ({
        %run_scoped3A_77 = tpu.sem_alloc : memref<!tpu.dma_semaphore, #tpu.memory_space<semaphore_mem>>
        %dma_start3A_78 = tpu.memref_slice %arg4[%run_scoped3A_63, %add3A_56] : memref<3x819200xf32, #tpu.memory_space<hbm>> -> memref<1x1600xf32, #tpu.memory_space<hbm>>
        %dma_start3A_79 = tpu.memref_squeeze %dma_start3A_78 : memref<1x1600xf32, #tpu.memory_space<hbm>> -> memref<1600xf32, #tpu.memory_space<hbm>>
        %dma_start3A_80 = tpu.memref_slice %arg4[%run_scoped3A_63, %add3A_56] : memref<3x819200xf32, #tpu.memory_space<hbm>> -> memref<1x1600xf32, #tpu.memory_space<hbm>>
        %dma_start3A_81 = tpu.memref_squeeze %dma_start3A_80 : memref<1x1600xf32, #tpu.memory_space<hbm>> -> memref<1600xf32, #tpu.memory_space<hbm>>
        tpu.enqueue_dma source(%dma_start3A_81 : memref<1600xf32, #tpu.memory_space<hbm>>) target(%arg16 : memref<1600xf32, #tpu.memory_space<vmem>>) target_semaphore(%run_scoped3A_77 : memref<!tpu.dma_semaphore, #tpu.memory_space<semaphore_mem>>)
        %dma_wait3A_82 = tpu.memref_slice %arg4[%run_scoped3A_63, %add3A_56] : memref<3x819200xf32, #tpu.memory_space<hbm>> -> memref<1x1600xf32, #tpu.memory_space<hbm>>
        %dma_wait3A_83 = tpu.memref_squeeze %dma_wait3A_82 : memref<1x1600xf32, #tpu.memory_space<hbm>> -> memref<1600xf32, #tpu.memory_space<hbm>>
        %dma_wait3A_84 = tpu.memref_slice %arg4[%run_scoped3A_63, %add3A_56] : memref<3x819200xf32, #tpu.memory_space<hbm>> -> memref<1x1600xf32, #tpu.memory_space<hbm>>
        %dma_wait3A_85 = tpu.memref_squeeze %dma_wait3A_84 : memref<1x1600xf32, #tpu.memory_space<hbm>> -> memref<1600xf32, #tpu.memory_space<hbm>>
        tpu.wait_dma2 semaphore(%run_scoped3A_77 : memref<!tpu.dma_semaphore, #tpu.memory_space<semaphore_mem>>) src(%dma_wait3A_85 : memref<1600xf32, #tpu.memory_space<hbm>>) dst(%arg16 : memref<1600xf32, #tpu.memory_space<vmem>>)
        tpu.yield
      }) : () -> ()
      %run_scoped3A_64 = arith.constant 2 : i32
      "tpu.region"() ({
        %run_scoped3A_77 = tpu.sem_alloc : memref<!tpu.dma_semaphore, #tpu.memory_space<semaphore_mem>>
        %dma_start3A_78 = tpu.memref_slice %arg4[%run_scoped3A_64, %add3A_56] : memref<3x819200xf32, #tpu.memory_space<hbm>> -> memref<1x1600xf32, #tpu.memory_space<hbm>>
        %dma_start3A_79 = tpu.memref_squeeze %dma_start3A_78 : memref<1x1600xf32, #tpu.memory_space<hbm>> -> memref<1600xf32, #tpu.memory_space<hbm>>
        %dma_start3A_80 = tpu.memref_slice %arg4[%run_scoped3A_64, %add3A_56] : memref<3x819200xf32, #tpu.memory_space<hbm>> -> memref<1x1600xf32, #tpu.memory_space<hbm>>
        %dma_start3A_81 = tpu.memref_squeeze %dma_start3A_80 : memref<1x1600xf32, #tpu.memory_space<hbm>> -> memref<1600xf32, #tpu.memory_space<hbm>>
        tpu.enqueue_dma source(%dma_start3A_81 : memref<1600xf32, #tpu.memory_space<hbm>>) target(%arg17 : memref<1600xf32, #tpu.memory_space<vmem>>) target_semaphore(%run_scoped3A_77 : memref<!tpu.dma_semaphore, #tpu.memory_space<semaphore_mem>>)
        %dma_wait3A_82 = tpu.memref_slice %arg4[%run_scoped3A_64, %add3A_56] : memref<3x819200xf32, #tpu.memory_space<hbm>> -> memref<1x1600xf32, #tpu.memory_space<hbm>>
        %dma_wait3A_83 = tpu.memref_squeeze %dma_wait3A_82 : memref<1x1600xf32, #tpu.memory_space<hbm>> -> memref<1600xf32, #tpu.memory_space<hbm>>
        %dma_wait3A_84 = tpu.memref_slice %arg4[%run_scoped3A_64, %add3A_56] : memref<3x819200xf32, #tpu.memory_space<hbm>> -> memref<1x1600xf32, #tpu.memory_space<hbm>>
        %dma_wait3A_85 = tpu.memref_squeeze %dma_wait3A_84 : memref<1x1600xf32, #tpu.memory_space<hbm>> -> memref<1600xf32, #tpu.memory_space<hbm>>
        tpu.wait_dma2 semaphore(%run_scoped3A_77 : memref<!tpu.dma_semaphore, #tpu.memory_space<semaphore_mem>>) src(%dma_wait3A_85 : memref<1600xf32, #tpu.memory_space<hbm>>) dst(%arg17 : memref<1600xf32, #tpu.memory_space<vmem>>)
        tpu.yield
      }) : () -> ()
      %dma_wait3A = arith.constant 0 : i32
      %dma_wait3A_65 = tpu.memref_slice %arg7[%dma_wait3A] : memref<50048xf32, #tpu.memory_space<hbm>> -> memref<50048xf32, #tpu.memory_space<hbm>>
      tpu.wait_indirect_dma semaphore(%arg25 : memref<!tpu.dma_semaphore, #tpu.memory_space<semaphore_mem>>) src(%dma_wait3A_65 : memref<50048xf32, #tpu.memory_space<hbm>>) dst(%arg13 : memref<1600xf32, #tpu.memory_space<vmem>>)
      %dma_wait3A_66 = arith.constant 0 : i32
      %dma_wait3A_67 = tpu.memref_slice %arg8[%dma_wait3A_66] : memref<50048xf32, #tpu.memory_space<hbm>> -> memref<50048xf32, #tpu.memory_space<hbm>>
      tpu.wait_indirect_dma semaphore(%arg26 : memref<!tpu.dma_semaphore, #tpu.memory_space<semaphore_mem>>) src(%dma_wait3A_67 : memref<50048xf32, #tpu.memory_space<hbm>>) dst(%arg14 : memref<1600xf32, #tpu.memory_space<vmem>>)
      %dma_wait3A_68 = arith.constant 0 : i32
      %dma_wait3A_69 = arith.constant 0 : i32
      %dma_wait3A_70 = tpu.memref_slice %arg6[%dma_wait3A_68, %dma_wait3A_69] : memref<50048x16xf32, #tpu.memory_space<hbm>> -> memref<50048x16xf32, #tpu.memory_space<hbm>>
      tpu.wait_indirect_dma semaphore(%arg27 : memref<!tpu.dma_semaphore, #tpu.memory_space<semaphore_mem>>) src(%dma_wait3A_70 : memref<50048x16xf32, #tpu.memory_space<hbm>>) dst(%arg19 : memref<1600x16xf32, #tpu.memory_space<vmem>>)
      %scan3A_71 = arith.constant 0 : i32
      %scan3A_72 = arith.constant 0 : i32
      %scan3A_73 = arith.constant 100 : i32
      %scan3A_74 = arith.addi %scan3A_72, %scan3A_73 : i32
      %scan3A_75 = arith.constant 1 : i32
      scf.for %scan3A_77 = %scan3A_72 to %scan3A_74 step %scan3A_75  : i32 {
        %mul3A_78 = arith.constant 16 : i32
        %mul3A_79 = arith.muli %scan3A_77, %mul3A_78 : i32
        %mul3A_80 = arith.constant 16 : i32
        %mul3A_81 = arith.muli %scan3A_77, %mul3A_80 : i32
        %broadcast_in_dim3A_82 = arith.constant 0 : i32
        %broadcast_in_dim3A_83 = vector.broadcast %broadcast_in_dim3A_82 : i32 to vector<16xi32>
        %add3A_84 = vector.broadcast %mul3A_81 : i32 to vector<16xi32>
        %add3A_85 = arith.addi %broadcast_in_dim3A_83, %add3A_84 : vector<16xi32>
        %iota3A = tpu.iota {dimensions = array<i32: 0>} : vector<16xi32>
        %add3A_86 = arith.addi %add3A_85, %iota3A : vector<16xi32>
        %get3A = arith.index_cast %mul3A_79 : i32 to index
        %get3A_87 = tpu.vector_load %arg15[%get3A] {strides = array<i32>} : memref<1600xf32, #tpu.memory_space<vmem>>, vector<16xf32>,
        %mul3A_88 = arith.mulf %get3A_87, %gather3A : vector<16xf32>
        %get3A_89 = arith.index_cast %mul3A_79 : i32 to index
        %get3A_90 = tpu.vector_load %arg16[%get3A_89] {strides = array<i32>} : memref<1600xf32, #tpu.memory_space<vmem>>, vector<16xf32>,
        %mul3A_91 = arith.mulf %get3A_90, %gather3A_26 : vector<16xf32>
        %add3A_92 = arith.addf %mul3A_88, %mul3A_91 : vector<16xf32>
        %get3A_93 = arith.index_cast %mul3A_79 : i32 to index
        %get3A_94 = tpu.vector_load %arg17[%get3A_93] {strides = array<i32>} : memref<1600xf32, #tpu.memory_space<vmem>>, vector<16xf32>,
        %mul3A_95 = arith.mulf %get3A_94, %gather3A_32 : vector<16xf32>
        %add3A_96 = arith.addf %add3A_92, %mul3A_95 : vector<16xf32>
        %get3A_97 = arith.index_cast %mul3A_79 : i32 to index
        %get3A_98 = tpu.vector_load %arg13[%get3A_97] {strides = array<i32>} : memref<1600xf32, #tpu.memory_space<vmem>>, vector<16xf32>,
        %get3A_99 = arith.index_cast %mul3A_79 : i32 to index
        %get3A_100 = tpu.vector_load %arg14[%get3A_99] {strides = array<i32>} : memref<1600xf32, #tpu.memory_space<vmem>>, vector<16xf32>,
        %add3A_101 = arith.addf %get3A_98, %get3A_100 : vector<16xf32>
        %add3A_102 = arith.addf %add3A_101, %add3A_96 : vector<16xf32>
        %mul3A_103 = arith.constant 2.000000e-01 : f32
        %mul3A_104 = vector.broadcast %mul3A_103 : f32 to vector<16xf32>
        %mul3A_105 = arith.mulf %mul3A_104, %add3A_102 : vector<16xf32>
        %max3A = arith.maximumf %add3A_102, %mul3A_105 : vector<16xf32>
        %exp3A = math.exp %max3A : vector<16xf32>
        %swap3A = arith.index_cast %mul3A_79 : i32 to index
        %swap3A_106 = tpu.vector_load %arg20[%swap3A] {strides = array<i32>} : memref<1600xf32, #tpu.memory_space<vmem>>, vector<16xf32>,
        tpu.vector_store %arg20[%swap3A], %exp3A {strides = array<i32>} : memref<1600xf32, #tpu.memory_space<vmem>>, vector<16xf32>,
        %broadcast_in_dim3A_107 = arith.constant 0 : i32
        %broadcast_in_dim3A_108 = vector.broadcast %broadcast_in_dim3A_107 : i32 to vector<16xi32>
        %add3A_109 = arith.constant 0 : i32
        %add3A_110 = vector.broadcast %add3A_109 : i32 to vector<16xi32>
        %add3A_111 = arith.addi %broadcast_in_dim3A_108, %add3A_110 : vector<16xi32>
        %gather3A_112 = tpu.vector_load_idx %arg19[%add3A_86, %add3A_111] : memref<1600x16xf32, #tpu.memory_space<vmem>>[vector<16xi32>, vector<16xi32>], vector<16xf32>,
        %broadcast_in_dim3A_113 = arith.constant 0 : i32
        %broadcast_in_dim3A_114 = vector.broadcast %broadcast_in_dim3A_113 : i32 to vector<16xi32>
        %add3A_115 = arith.constant 0 : i32
        %add3A_116 = vector.broadcast %add3A_115 : i32 to vector<16xi32>
        %add3A_117 = arith.addi %broadcast_in_dim3A_114, %add3A_116 : vector<16xi32>
        %mul3A_118 = arith.mulf %gather3A_112, %exp3A : vector<16xf32>
        tpu.vector_store_idx %arg19[%add3A_86, %add3A_117], %mul3A_118 : memref<1600x16xf32, #tpu.memory_space<vmem>>[vector<16xi32>, vector<16xi32>], vector<16xf32>,
        %broadcast_in_dim3A_119 = arith.constant 0 : i32
        %broadcast_in_dim3A_120 = vector.broadcast %broadcast_in_dim3A_119 : i32 to vector<16xi32>
        %add3A_121 = arith.constant 1 : i32
        %add3A_122 = vector.broadcast %add3A_121 : i32 to vector<16xi32>
        %add3A_123 = arith.addi %broadcast_in_dim3A_120, %add3A_122 : vector<16xi32>
        %gather3A_124 = tpu.vector_load_idx %arg19[%add3A_86, %add3A_123] : memref<1600x16xf32, #tpu.memory_space<vmem>>[vector<16xi32>, vector<16xi32>], vector<16xf32>,
        %broadcast_in_dim3A_125 = arith.constant 0 : i32
        %broadcast_in_dim3A_126 = vector.broadcast %broadcast_in_dim3A_125 : i32 to vector<16xi32>
        %add3A_127 = arith.constant 1 : i32
        %add3A_128 = vector.broadcast %add3A_127 : i32 to vector<16xi32>
        %add3A_129 = arith.addi %broadcast_in_dim3A_126, %add3A_128 : vector<16xi32>
        %mul3A_130 = arith.mulf %gather3A_124, %exp3A : vector<16xf32>
        tpu.vector_store_idx %arg19[%add3A_86, %add3A_129], %mul3A_130 : memref<1600x16xf32, #tpu.memory_space<vmem>>[vector<16xi32>, vector<16xi32>], vector<16xf32>,
        %broadcast_in_dim3A_131 = arith.constant 0 : i32
        %broadcast_in_dim3A_132 = vector.broadcast %broadcast_in_dim3A_131 : i32 to vector<16xi32>
        %add3A_133 = arith.constant 2 : i32
        %add3A_134 = vector.broadcast %add3A_133 : i32 to vector<16xi32>
        %add3A_135 = arith.addi %broadcast_in_dim3A_132, %add3A_134 : vector<16xi32>
        %gather3A_136 = tpu.vector_load_idx %arg19[%add3A_86, %add3A_135] : memref<1600x16xf32, #tpu.memory_space<vmem>>[vector<16xi32>, vector<16xi32>], vector<16xf32>,
        %broadcast_in_dim3A_137 = arith.constant 0 : i32
        %broadcast_in_dim3A_138 = vector.broadcast %broadcast_in_dim3A_137 : i32 to vector<16xi32>
        %add3A_139 = arith.constant 2 : i32
        %add3A_140 = vector.broadcast %add3A_139 : i32 to vector<16xi32>
        %add3A_141 = arith.addi %broadcast_in_dim3A_138, %add3A_140 : vector<16xi32>
        %mul3A_142 = arith.mulf %gather3A_136, %exp3A : vector<16xf32>
        tpu.vector_store_idx %arg19[%add3A_86, %add3A_141], %mul3A_142 : memref<1600x16xf32, #tpu.memory_space<vmem>>[vector<16xi32>, vector<16xi32>], vector<16xf32>,
        %broadcast_in_dim3A_143 = arith.constant 0 : i32
        %broadcast_in_dim3A_144 = vector.broadcast %broadcast_in_dim3A_143 : i32 to vector<16xi32>
        %add3A_145 = arith.constant 3 : i32
        %add3A_146 = vector.broadcast %add3A_145 : i32 to vector<16xi32>
        %add3A_147 = arith.addi %broadcast_in_dim3A_144, %add3A_146 : vector<16xi32>
        %gather3A_148 = tpu.vector_load_idx %arg19[%add3A_86, %add3A_147] : memref<1600x16xf32, #tpu.memory_space<vmem>>[vector<16xi32>, vector<16xi32>], vector<16xf32>,
        %broadcast_in_dim3A_149 = arith.constant 0 : i32
        %broadcast_in_dim3A_150 = vector.broadcast %broadcast_in_dim3A_149 : i32 to vector<16xi32>
        %add3A_151 = arith.constant 3 : i32
        %add3A_152 = vector.broadcast %add3A_151 : i32 to vector<16xi32>
        %add3A_153 = arith.addi %broadcast_in_dim3A_150, %add3A_152 : vector<16xi32>
        %mul3A_154 = arith.mulf %gather3A_148, %exp3A : vector<16xf32>
        tpu.vector_store_idx %arg19[%add3A_86, %add3A_153], %mul3A_154 : memref<1600x16xf32, #tpu.memory_space<vmem>>[vector<16xi32>, vector<16xi32>], vector<16xf32>,
        %broadcast_in_dim3A_155 = arith.constant 0 : i32
        %broadcast_in_dim3A_156 = vector.broadcast %broadcast_in_dim3A_155 : i32 to vector<16xi32>
        %add3A_157 = arith.constant 4 : i32
        %add3A_158 = vector.broadcast %add3A_157 : i32 to vector<16xi32>
        %add3A_159 = arith.addi %broadcast_in_dim3A_156, %add3A_158 : vector<16xi32>
        %gather3A_160 = tpu.vector_load_idx %arg19[%add3A_86, %add3A_159] : memref<1600x16xf32, #tpu.memory_space<vmem>>[vector<16xi32>, vector<16xi32>], vector<16xf32>,
        %broadcast_in_dim3A_161 = arith.constant 0 : i32
        %broadcast_in_dim3A_162 = vector.broadcast %broadcast_in_dim3A_161 : i32 to vector<16xi32>
        %add3A_163 = arith.constant 4 : i32
        %add3A_164 = vector.broadcast %add3A_163 : i32 to vector<16xi32>
        %add3A_165 = arith.addi %broadcast_in_dim3A_162, %add3A_164 : vector<16xi32>
        %mul3A_166 = arith.mulf %gather3A_160, %exp3A : vector<16xf32>
        tpu.vector_store_idx %arg19[%add3A_86, %add3A_165], %mul3A_166 : memref<1600x16xf32, #tpu.memory_space<vmem>>[vector<16xi32>, vector<16xi32>], vector<16xf32>,
        %broadcast_in_dim3A_167 = arith.constant 0 : i32
        %broadcast_in_dim3A_168 = vector.broadcast %broadcast_in_dim3A_167 : i32 to vector<16xi32>
        %add3A_169 = arith.constant 5 : i32
        %add3A_170 = vector.broadcast %add3A_169 : i32 to vector<16xi32>
        %add3A_171 = arith.addi %broadcast_in_dim3A_168, %add3A_170 : vector<16xi32>
        %gather3A_172 = tpu.vector_load_idx %arg19[%add3A_86, %add3A_171] : memref<1600x16xf32, #tpu.memory_space<vmem>>[vector<16xi32>, vector<16xi32>], vector<16xf32>,
        %broadcast_in_dim3A_173 = arith.constant 0 : i32
        %broadcast_in_dim3A_174 = vector.broadcast %broadcast_in_dim3A_173 : i32 to vector<16xi32>
        %add3A_175 = arith.constant 5 : i32
        %add3A_176 = vector.broadcast %add3A_175 : i32 to vector<16xi32>
        %add3A_177 = arith.addi %broadcast_in_dim3A_174, %add3A_176 : vector<16xi32>
        %mul3A_178 = arith.mulf %gather3A_172, %exp3A : vector<16xf32>
        tpu.vector_store_idx %arg19[%add3A_86, %add3A_177], %mul3A_178 : memref<1600x16xf32, #tpu.memory_space<vmem>>[vector<16xi32>, vector<16xi32>], vector<16xf32>,
        %broadcast_in_dim3A_179 = arith.constant 0 : i32
        %broadcast_in_dim3A_180 = vector.broadcast %broadcast_in_dim3A_179 : i32 to vector<16xi32>
        %add3A_181 = arith.constant 6 : i32
        %add3A_182 = vector.broadcast %add3A_181 : i32 to vector<16xi32>
        %add3A_183 = arith.addi %broadcast_in_dim3A_180, %add3A_182 : vector<16xi32>
        %gather3A_184 = tpu.vector_load_idx %arg19[%add3A_86, %add3A_183] : memref<1600x16xf32, #tpu.memory_space<vmem>>[vector<16xi32>, vector<16xi32>], vector<16xf32>,
        %broadcast_in_dim3A_185 = arith.constant 0 : i32
        %broadcast_in_dim3A_186 = vector.broadcast %broadcast_in_dim3A_185 : i32 to vector<16xi32>
        %add3A_187 = arith.constant 6 : i32
        %add3A_188 = vector.broadcast %add3A_187 : i32 to vector<16xi32>
        %add3A_189 = arith.addi %broadcast_in_dim3A_186, %add3A_188 : vector<16xi32>
        %mul3A_190 = arith.mulf %gather3A_184, %exp3A : vector<16xf32>
        tpu.vector_store_idx %arg19[%add3A_86, %add3A_189], %mul3A_190 : memref<1600x16xf32, #tpu.memory_space<vmem>>[vector<16xi32>, vector<16xi32>], vector<16xf32>,
        %broadcast_in_dim3A_191 = arith.constant 0 : i32
        %broadcast_in_dim3A_192 = vector.broadcast %broadcast_in_dim3A_191 : i32 to vector<16xi32>
        %add3A_193 = arith.constant 7 : i32
        %add3A_194 = vector.broadcast %add3A_193 : i32 to vector<16xi32>
        %add3A_195 = arith.addi %broadcast_in_dim3A_192, %add3A_194 : vector<16xi32>
        %gather3A_196 = tpu.vector_load_idx %arg19[%add3A_86, %add3A_195] : memref<1600x16xf32, #tpu.memory_space<vmem>>[vector<16xi32>, vector<16xi32>], vector<16xf32>,
        %broadcast_in_dim3A_197 = arith.constant 0 : i32
        %broadcast_in_dim3A_198 = vector.broadcast %broadcast_in_dim3A_197 : i32 to vector<16xi32>
        %add3A_199 = arith.constant 7 : i32
        %add3A_200 = vector.broadcast %add3A_199 : i32 to vector<16xi32>
        %add3A_201 = arith.addi %broadcast_in_dim3A_198, %add3A_200 : vector<16xi32>
        %mul3A_202 = arith.mulf %gather3A_196, %exp3A : vector<16xf32>
        tpu.vector_store_idx %arg19[%add3A_86, %add3A_201], %mul3A_202 : memref<1600x16xf32, #tpu.memory_space<vmem>>[vector<16xi32>, vector<16xi32>], vector<16xf32>,
        %broadcast_in_dim3A_203 = arith.constant 0 : i32
        %broadcast_in_dim3A_204 = vector.broadcast %broadcast_in_dim3A_203 : i32 to vector<16xi32>
        %add3A_205 = arith.constant 8 : i32
        %add3A_206 = vector.broadcast %add3A_205 : i32 to vector<16xi32>
        %add3A_207 = arith.addi %broadcast_in_dim3A_204, %add3A_206 : vector<16xi32>
        %gather3A_208 = tpu.vector_load_idx %arg19[%add3A_86, %add3A_207] : memref<1600x16xf32, #tpu.memory_space<vmem>>[vector<16xi32>, vector<16xi32>], vector<16xf32>,
        %broadcast_in_dim3A_209 = arith.constant 0 : i32
        %broadcast_in_dim3A_210 = vector.broadcast %broadcast_in_dim3A_209 : i32 to vector<16xi32>
        %add3A_211 = arith.constant 8 : i32
        %add3A_212 = vector.broadcast %add3A_211 : i32 to vector<16xi32>
        %add3A_213 = arith.addi %broadcast_in_dim3A_210, %add3A_212 : vector<16xi32>
        %mul3A_214 = arith.mulf %gather3A_208, %exp3A : vector<16xf32>
        tpu.vector_store_idx %arg19[%add3A_86, %add3A_213], %mul3A_214 : memref<1600x16xf32, #tpu.memory_space<vmem>>[vector<16xi32>, vector<16xi32>], vector<16xf32>,
        %broadcast_in_dim3A_215 = arith.constant 0 : i32
        %broadcast_in_dim3A_216 = vector.broadcast %broadcast_in_dim3A_215 : i32 to vector<16xi32>
        %add3A_217 = arith.constant 9 : i32
        %add3A_218 = vector.broadcast %add3A_217 : i32 to vector<16xi32>
        %add3A_219 = arith.addi %broadcast_in_dim3A_216, %add3A_218 : vector<16xi32>
        %gather3A_220 = tpu.vector_load_idx %arg19[%add3A_86, %add3A_219] : memref<1600x16xf32, #tpu.memory_space<vmem>>[vector<16xi32>, vector<16xi32>], vector<16xf32>,
        %broadcast_in_dim3A_221 = arith.constant 0 : i32
        %broadcast_in_dim3A_222 = vector.broadcast %broadcast_in_dim3A_221 : i32 to vector<16xi32>
        %add3A_223 = arith.constant 9 : i32
        %add3A_224 = vector.broadcast %add3A_223 : i32 to vector<16xi32>
        %add3A_225 = arith.addi %broadcast_in_dim3A_222, %add3A_224 : vector<16xi32>
        %mul3A_226 = arith.mulf %gather3A_220, %exp3A : vector<16xf32>
        tpu.vector_store_idx %arg19[%add3A_86, %add3A_225], %mul3A_226 : memref<1600x16xf32, #tpu.memory_space<vmem>>[vector<16xi32>, vector<16xi32>], vector<16xf32>,
        %broadcast_in_dim3A_227 = arith.constant 0 : i32
        %broadcast_in_dim3A_228 = vector.broadcast %broadcast_in_dim3A_227 : i32 to vector<16xi32>
        %add3A_229 = arith.constant 10 : i32
        %add3A_230 = vector.broadcast %add3A_229 : i32 to vector<16xi32>
        %add3A_231 = arith.addi %broadcast_in_dim3A_228, %add3A_230 : vector<16xi32>
        %gather3A_232 = tpu.vector_load_idx %arg19[%add3A_86, %add3A_231] : memref<1600x16xf32, #tpu.memory_space<vmem>>[vector<16xi32>, vector<16xi32>], vector<16xf32>,
        %broadcast_in_dim3A_233 = arith.constant 0 : i32
        %broadcast_in_dim3A_234 = vector.broadcast %broadcast_in_dim3A_233 : i32 to vector<16xi32>
        %add3A_235 = arith.constant 10 : i32
        %add3A_236 = vector.broadcast %add3A_235 : i32 to vector<16xi32>
        %add3A_237 = arith.addi %broadcast_in_dim3A_234, %add3A_236 : vector<16xi32>
        %mul3A_238 = arith.mulf %gather3A_232, %exp3A : vector<16xf32>
        tpu.vector_store_idx %arg19[%add3A_86, %add3A_237], %mul3A_238 : memref<1600x16xf32, #tpu.memory_space<vmem>>[vector<16xi32>, vector<16xi32>], vector<16xf32>,
        %broadcast_in_dim3A_239 = arith.constant 0 : i32
        %broadcast_in_dim3A_240 = vector.broadcast %broadcast_in_dim3A_239 : i32 to vector<16xi32>
        %add3A_241 = arith.constant 11 : i32
        %add3A_242 = vector.broadcast %add3A_241 : i32 to vector<16xi32>
        %add3A_243 = arith.addi %broadcast_in_dim3A_240, %add3A_242 : vector<16xi32>
        %gather3A_244 = tpu.vector_load_idx %arg19[%add3A_86, %add3A_243] : memref<1600x16xf32, #tpu.memory_space<vmem>>[vector<16xi32>, vector<16xi32>], vector<16xf32>,
        %broadcast_in_dim3A_245 = arith.constant 0 : i32
        %broadcast_in_dim3A_246 = vector.broadcast %broadcast_in_dim3A_245 : i32 to vector<16xi32>
        %add3A_247 = arith.constant 11 : i32
        %add3A_248 = vector.broadcast %add3A_247 : i32 to vector<16xi32>
        %add3A_249 = arith.addi %broadcast_in_dim3A_246, %add3A_248 : vector<16xi32>
        %mul3A_250 = arith.mulf %gather3A_244, %exp3A : vector<16xf32>
        tpu.vector_store_idx %arg19[%add3A_86, %add3A_249], %mul3A_250 : memref<1600x16xf32, #tpu.memory_space<vmem>>[vector<16xi32>, vector<16xi32>], vector<16xf32>,
        %broadcast_in_dim3A_251 = arith.constant 0 : i32
        %broadcast_in_dim3A_252 = vector.broadcast %broadcast_in_dim3A_251 : i32 to vector<16xi32>
        %add3A_253 = arith.constant 12 : i32
        %add3A_254 = vector.broadcast %add3A_253 : i32 to vector<16xi32>
        %add3A_255 = arith.addi %broadcast_in_dim3A_252, %add3A_254 : vector<16xi32>
        %gather3A_256 = tpu.vector_load_idx %arg19[%add3A_86, %add3A_255] : memref<1600x16xf32, #tpu.memory_space<vmem>>[vector<16xi32>, vector<16xi32>], vector<16xf32>,
        %broadcast_in_dim3A_257 = arith.constant 0 : i32
        %broadcast_in_dim3A_258 = vector.broadcast %broadcast_in_dim3A_257 : i32 to vector<16xi32>
        %add3A_259 = arith.constant 12 : i32
        %add3A_260 = vector.broadcast %add3A_259 : i32 to vector<16xi32>
        %add3A_261 = arith.addi %broadcast_in_dim3A_258, %add3A_260 : vector<16xi32>
        %mul3A_262 = arith.mulf %gather3A_256, %exp3A : vector<16xf32>
        tpu.vector_store_idx %arg19[%add3A_86, %add3A_261], %mul3A_262 : memref<1600x16xf32, #tpu.memory_space<vmem>>[vector<16xi32>, vector<16xi32>], vector<16xf32>,
        %broadcast_in_dim3A_263 = arith.constant 0 : i32
        %broadcast_in_dim3A_264 = vector.broadcast %broadcast_in_dim3A_263 : i32 to vector<16xi32>
        %add3A_265 = arith.constant 13 : i32
        %add3A_266 = vector.broadcast %add3A_265 : i32 to vector<16xi32>
        %add3A_267 = arith.addi %broadcast_in_dim3A_264, %add3A_266 : vector<16xi32>
        %gather3A_268 = tpu.vector_load_idx %arg19[%add3A_86, %add3A_267] : memref<1600x16xf32, #tpu.memory_space<vmem>>[vector<16xi32>, vector<16xi32>], vector<16xf32>,
        %broadcast_in_dim3A_269 = arith.constant 0 : i32
        %broadcast_in_dim3A_270 = vector.broadcast %broadcast_in_dim3A_269 : i32 to vector<16xi32>
        %add3A_271 = arith.constant 13 : i32
        %add3A_272 = vector.broadcast %add3A_271 : i32 to vector<16xi32>
        %add3A_273 = arith.addi %broadcast_in_dim3A_270, %add3A_272 : vector<16xi32>
        %mul3A_274 = arith.mulf %gather3A_268, %exp3A : vector<16xf32>
        tpu.vector_store_idx %arg19[%add3A_86, %add3A_273], %mul3A_274 : memref<1600x16xf32, #tpu.memory_space<vmem>>[vector<16xi32>, vector<16xi32>], vector<16xf32>,
        %broadcast_in_dim3A_275 = arith.constant 0 : i32
        %broadcast_in_dim3A_276 = vector.broadcast %broadcast_in_dim3A_275 : i32 to vector<16xi32>
        %add3A_277 = arith.constant 14 : i32
        %add3A_278 = vector.broadcast %add3A_277 : i32 to vector<16xi32>
        %add3A_279 = arith.addi %broadcast_in_dim3A_276, %add3A_278 : vector<16xi32>
        %gather3A_280 = tpu.vector_load_idx %arg19[%add3A_86, %add3A_279] : memref<1600x16xf32, #tpu.memory_space<vmem>>[vector<16xi32>, vector<16xi32>], vector<16xf32>,
        %broadcast_in_dim3A_281 = arith.constant 0 : i32
        %broadcast_in_dim3A_282 = vector.broadcast %broadcast_in_dim3A_281 : i32 to vector<16xi32>
        %add3A_283 = arith.constant 14 : i32
        %add3A_284 = vector.broadcast %add3A_283 : i32 to vector<16xi32>
        %add3A_285 = arith.addi %broadcast_in_dim3A_282, %add3A_284 : vector<16xi32>
        %mul3A_286 = arith.mulf %gather3A_280, %exp3A : vector<16xf32>
        tpu.vector_store_idx %arg19[%add3A_86, %add3A_285], %mul3A_286 : memref<1600x16xf32, #tpu.memory_space<vmem>>[vector<16xi32>, vector<16xi32>], vector<16xf32>,
        %broadcast_in_dim3A_287 = arith.constant 0 : i32
        %broadcast_in_dim3A_288 = vector.broadcast %broadcast_in_dim3A_287 : i32 to vector<16xi32>
        %add3A_289 = arith.constant 15 : i32
        %add3A_290 = vector.broadcast %add3A_289 : i32 to vector<16xi32>
        %add3A_291 = arith.addi %broadcast_in_dim3A_288, %add3A_290 : vector<16xi32>
        %gather3A_292 = tpu.vector_load_idx %arg19[%add3A_86, %add3A_291] : memref<1600x16xf32, #tpu.memory_space<vmem>>[vector<16xi32>, vector<16xi32>], vector<16xf32>,
        %broadcast_in_dim3A_293 = arith.constant 0 : i32
        %broadcast_in_dim3A_294 = vector.broadcast %broadcast_in_dim3A_293 : i32 to vector<16xi32>
        %add3A_295 = arith.constant 15 : i32
        %add3A_296 = vector.broadcast %add3A_295 : i32 to vector<16xi32>
        %add3A_297 = arith.addi %broadcast_in_dim3A_294, %add3A_296 : vector<16xi32>
        %mul3A_298 = arith.mulf %gather3A_292, %exp3A : vector<16xf32>
        tpu.vector_store_idx %arg19[%add3A_86, %add3A_297], %mul3A_298 : memref<1600x16xf32, #tpu.memory_space<vmem>>[vector<16xi32>, vector<16xi32>], vector<16xf32>,
      }
      %scan3A_76 = arith.constant 100 : i32
      "tpu.region"() ({
        %run_scoped3A_77 = tpu.sem_alloc : memref<!tpu.dma_semaphore, #tpu.memory_space<semaphore_mem>>
        %dma_start3A_78 = arith.constant 0 : i32
        %dma_start3A_79 = arith.constant 0 : i32
        %dma_start3A_80 = tpu.memref_slice %arg23[%dma_start3A_78, %dma_start3A_79] : memref<50048x16xf32, #tpu.memory_space<vmem_shared>> -> memref<50048x16xf32, #tpu.memory_space<vmem_shared>>
        tpu.enqueue_indirect_dma source(%arg19 : memref<1600x16xf32, #tpu.memory_space<vmem>>) target(%dma_start3A_80 : memref<50048x16xf32, #tpu.memory_space<vmem_shared>>) offsets(%arg12 : memref<1600xi32, #tpu.memory_space<vmem>>) semaphore(%run_scoped3A_77 : memref<!tpu.dma_semaphore, #tpu.memory_space<semaphore_mem>>) {add = true}
        %dma_wait3A_81 = arith.constant 0 : i32
        %dma_wait3A_82 = arith.constant 0 : i32
        %dma_wait3A_83 = tpu.memref_slice %arg23[%dma_wait3A_81, %dma_wait3A_82] : memref<50048x16xf32, #tpu.memory_space<vmem_shared>> -> memref<50048x16xf32, #tpu.memory_space<vmem_shared>>
        tpu.wait_indirect_dma semaphore(%run_scoped3A_77 : memref<!tpu.dma_semaphore, #tpu.memory_space<semaphore_mem>>) src(%arg19 : memref<1600x16xf32, #tpu.memory_space<vmem>>) dst(%dma_wait3A_83 : memref<50048x16xf32, #tpu.memory_space<vmem_shared>>)
        tpu.yield
      }) : () -> ()
      "tpu.region"() ({
        %run_scoped3A_77 = tpu.sem_alloc : memref<!tpu.dma_semaphore, #tpu.memory_space<semaphore_mem>>
        %dma_start3A_78 = arith.constant 0 : i32
        %dma_start3A_79 = tpu.memref_slice %arg24[%dma_start3A_78] : memref<50048xf32, #tpu.memory_space<vmem_shared>> -> memref<50048xf32, #tpu.memory_space<vmem_shared>>
        tpu.enqueue_indirect_dma source(%arg20 : memref<1600xf32, #tpu.memory_space<vmem>>) target(%dma_start3A_79 : memref<50048xf32, #tpu.memory_space<vmem_shared>>) offsets(%arg12 : memref<1600xi32, #tpu.memory_space<vmem>>) semaphore(%run_scoped3A_77 : memref<!tpu.dma_semaphore, #tpu.memory_space<semaphore_mem>>) {add = true}
        %dma_wait3A_80 = arith.constant 0 : i32
        %dma_wait3A_81 = tpu.memref_slice %arg24[%dma_wait3A_80] : memref<50048xf32, #tpu.memory_space<vmem_shared>> -> memref<50048xf32, #tpu.memory_space<vmem_shared>>
        tpu.wait_indirect_dma semaphore(%run_scoped3A_77 : memref<!tpu.dma_semaphore, #tpu.memory_space<semaphore_mem>>) src(%arg20 : memref<1600xf32, #tpu.memory_space<vmem>>) dst(%dma_wait3A_81 : memref<50048xf32, #tpu.memory_space<vmem_shared>>)
        tpu.yield
      }) : () -> ()
    }
    %scan3A_38 = arith.constant 16 : i32
    %barrier3A_39 = arith.constant 0 : index
    tpu.barrier barrier_id(%barrier3A_39)
    %mul3A_40 = arith.constant 3128 : i32
    %mul3A_41 = arith.muli %arg1, %mul3A_40 : i32
    %mul3A_42 = arith.constant 3128 : i32
    %mul3A_43 = arith.muli %arg1, %mul3A_42 : i32
    "tpu.region"() ({
      %run_scoped3A = tpu.sem_alloc : memref<!tpu.dma_semaphore, #tpu.memory_space<semaphore_mem>>
      %dma_start3A = arith.constant 0 : i32
      %dma_start3A_48 = tpu.memref_slice %arg9[%arg0, %mul3A_43, %dma_start3A] : memref<2x50048x16xf32, #tpu.memory_space<hbm>> -> memref<1x3128x16xf32, #tpu.memory_space<hbm>>
      %dma_start3A_49 = tpu.memref_squeeze %dma_start3A_48 : memref<1x3128x16xf32, #tpu.memory_space<hbm>> -> memref<3128x16xf32, #tpu.memory_space<hbm>>
      %dma_start3A_50 = arith.constant 0 : i32
      %dma_start3A_51 = tpu.memref_slice %arg23[%mul3A_41, %dma_start3A_50] : memref<50048x16xf32, #tpu.memory_space<vmem_shared>> -> memref<3128x16xf32, #tpu.memory_space<vmem_shared>>
      tpu.enqueue_dma source(%dma_start3A_51 : memref<3128x16xf32, #tpu.memory_space<vmem_shared>>) target(%dma_start3A_49 : memref<3128x16xf32, #tpu.memory_space<hbm>>) target_semaphore(%run_scoped3A : memref<!tpu.dma_semaphore, #tpu.memory_space<semaphore_mem>>)
      %dma_wait3A = arith.constant 0 : i32
      %dma_wait3A_52 = tpu.memref_slice %arg9[%arg0, %mul3A_43, %dma_wait3A] : memref<2x50048x16xf32, #tpu.memory_space<hbm>> -> memref<1x3128x16xf32, #tpu.memory_space<hbm>>
      %dma_wait3A_53 = tpu.memref_squeeze %dma_wait3A_52 : memref<1x3128x16xf32, #tpu.memory_space<hbm>> -> memref<3128x16xf32, #tpu.memory_space<hbm>>
      %dma_wait3A_54 = arith.constant 0 : i32
      %dma_wait3A_55 = tpu.memref_slice %arg23[%mul3A_41, %dma_wait3A_54] : memref<50048x16xf32, #tpu.memory_space<vmem_shared>> -> memref<3128x16xf32, #tpu.memory_space<vmem_shared>>
      tpu.wait_dma2 semaphore(%run_scoped3A : memref<!tpu.dma_semaphore, #tpu.memory_space<semaphore_mem>>) src(%dma_wait3A_55 : memref<3128x16xf32, #tpu.memory_space<vmem_shared>>) dst(%dma_wait3A_53 : memref<3128x16xf32, #tpu.memory_space<hbm>>)
      tpu.yield
    }) : () -> ()
    %mul3A_44 = arith.constant 3128 : i32
    %mul3A_45 = arith.muli %arg1, %mul3A_44 : i32
    %mul3A_46 = arith.constant 3128 : i32
    %mul3A_47 = arith.muli %arg1, %mul3A_46 : i32
    "tpu.region"() ({
      %run_scoped3A = tpu.sem_alloc : memref<!tpu.dma_semaphore, #tpu.memory_space<semaphore_mem>>
      %dma_start3A = tpu.memref_slice %arg10[%arg0, %mul3A_47] : memref<2x50048xf32, #tpu.memory_space<hbm>> -> memref<1x3128xf32, #tpu.memory_space<hbm>>
      %dma_start3A_48 = tpu.memref_squeeze %dma_start3A : memref<1x3128xf32, #tpu.memory_space<hbm>> -> memref<3128xf32, #tpu.memory_space<hbm>>
      %dma_start3A_49 = tpu.memref_slice %arg24[%mul3A_45] : memref<50048xf32, #tpu.memory_space<vmem_shared>> -> memref<3128xf32, #tpu.memory_space<vmem_shared>>
      tpu.enqueue_dma source(%dma_start3A_49 : memref<3128xf32, #tpu.memory_space<vmem_shared>>) target(%dma_start3A_48 : memref<3128xf32, #tpu.memory_space<hbm>>) target_semaphore(%run_scoped3A : memref<!tpu.dma_semaphore, #tpu.memory_space<semaphore_mem>>)
      %dma_wait3A = tpu.memref_slice %arg10[%arg0, %mul3A_47] : memref<2x50048xf32, #tpu.memory_space<hbm>> -> memref<1x3128xf32, #tpu.memory_space<hbm>>
      %dma_wait3A_50 = tpu.memref_squeeze %dma_wait3A : memref<1x3128xf32, #tpu.memory_space<hbm>> -> memref<3128xf32, #tpu.memory_space<hbm>>
      %dma_wait3A_51 = tpu.memref_slice %arg24[%mul3A_45] : memref<50048xf32, #tpu.memory_space<vmem_shared>> -> memref<3128xf32, #tpu.memory_space<vmem_shared>>
      tpu.wait_dma2 semaphore(%run_scoped3A : memref<!tpu.dma_semaphore, #tpu.memory_space<semaphore_mem>>) src(%dma_wait3A_51 : memref<3128xf32, #tpu.memory_space<vmem_shared>>) dst(%dma_wait3A_50 : memref<3128xf32, #tpu.memory_space<hbm>>)
      tpu.yield
    }) : () -> ()
    return
  }
}

#map = affine_map<(d0, d1) -> (0, 0)>
module attributes {stable_mosaic.version = 14 : i64} {
  func.func @_p5_body(%arg0: i32, %arg1: i32, %arg2: memref<50048x16xf32, #tpu.memory_space<hbm>>, %arg3: memref<50048x16xf32, #tpu.memory_space<hbm>>, %arg4: memref<2x819200xi32, #tpu.memory_space<hbm>>, %arg5: memref<819200x16xf32, #tpu.memory_space<hbm>>, %arg6: memref<2x1600xi32, #tpu.memory_space<vmem>>, %arg7: memref<2x1600xi32, #tpu.memory_space<vmem>>, %arg8: memref<1600x16xf32, #tpu.memory_space<vmem>>, %arg9: memref<1600x16xf32, #tpu.memory_space<vmem>>, %arg10: memref<1600x16xf32, #tpu.memory_space<vmem>>, %arg11: memref<1600x16xf32, #tpu.memory_space<vmem>>, %arg12: memref<!tpu.dma_semaphore, #tpu.memory_space<semaphore_mem>>, %arg13: memref<!tpu.dma_semaphore, #tpu.memory_space<semaphore_mem>>, %arg14: memref<!tpu.dma_semaphore, #tpu.memory_space<semaphore_mem>>, %arg15: memref<!tpu.dma_semaphore, #tpu.memory_space<semaphore_mem>>, %arg16: memref<!tpu.dma_semaphore, #tpu.memory_space<semaphore_mem>>, %arg17: memref<!tpu.dma_semaphore, #tpu.memory_space<semaphore_mem>>, %arg18: memref<!tpu.dma_semaphore, #tpu.memory_space<semaphore_mem>>, %arg19: memref<!tpu.dma_semaphore, #tpu.memory_space<semaphore_mem>>) attributes {dimension_semantics = [#tpu.dimension_semantics<core_parallel>, #tpu.dimension_semantics<subcore_parallel>], iteration_bounds = array<i64: 2, 16>, scalar_prefetch = 0 : i64, scratch_operands = 14 : i64, tpu.core_type = #tpu.core_type<sc_vector_subcore>, window_params = [{transform_indices = #map}, {transform_indices = #map}, {transform_indices = #map}, {transform_indices = #map}]} {
    %mul3A = arith.constant 16 : i32
    %mul3A_0 = arith.muli %arg0, %mul3A : i32
    %add3A = arith.addi %mul3A_0, %arg1 : i32
    %mul3A_1 = arith.constant 25600 : i32
    %mul3A_2 = arith.muli %add3A, %mul3A_1 : i32
    %add3A_3 = arith.constant 0 : i32
    %add3A_4 = arith.addi %mul3A_2, %add3A_3 : i32
    %dma_start3A = arith.constant 0 : i32
    %dma_start3A_5 = tpu.memref_slice %arg4[%dma_start3A, %add3A_4] : memref<2x819200xi32, #tpu.memory_space<hbm>> -> memref<2x1600xi32, #tpu.memory_space<hbm>>
    %dma_start3A_6 = arith.constant 0 : i32
    %dma_start3A_7 = tpu.memref_slice %arg4[%dma_start3A_6, %add3A_4] : memref<2x819200xi32, #tpu.memory_space<hbm>> -> memref<2x1600xi32, #tpu.memory_space<hbm>>
    tpu.enqueue_dma source(%dma_start3A_7 : memref<2x1600xi32, #tpu.memory_space<hbm>>) target(%arg6 : memref<2x1600xi32, #tpu.memory_space<vmem>>) target_semaphore(%arg12 : memref<!tpu.dma_semaphore, #tpu.memory_space<semaphore_mem>>)
    %add3A_8 = arith.constant 1600 : i32
    %add3A_9 = arith.addi %mul3A_2, %add3A_8 : i32
    %dma_start3A_10 = arith.constant 0 : i32
    %dma_start3A_11 = tpu.memref_slice %arg4[%dma_start3A_10, %add3A_9] : memref<2x819200xi32, #tpu.memory_space<hbm>> -> memref<2x1600xi32, #tpu.memory_space<hbm>>
    %dma_start3A_12 = arith.constant 0 : i32
    %dma_start3A_13 = tpu.memref_slice %arg4[%dma_start3A_12, %add3A_9] : memref<2x819200xi32, #tpu.memory_space<hbm>> -> memref<2x1600xi32, #tpu.memory_space<hbm>>
    tpu.enqueue_dma source(%dma_start3A_13 : memref<2x1600xi32, #tpu.memory_space<hbm>>) target(%arg7 : memref<2x1600xi32, #tpu.memory_space<vmem>>) target_semaphore(%arg13 : memref<!tpu.dma_semaphore, #tpu.memory_space<semaphore_mem>>)
    %dma_wait3A = arith.constant 0 : i32
    %dma_wait3A_14 = tpu.memref_slice %arg4[%dma_wait3A, %mul3A_2] : memref<2x819200xi32, #tpu.memory_space<hbm>> -> memref<2x1600xi32, #tpu.memory_space<hbm>>
    %dma_wait3A_15 = arith.constant 0 : i32
    %dma_wait3A_16 = tpu.memref_slice %arg4[%dma_wait3A_15, %mul3A_2] : memref<2x819200xi32, #tpu.memory_space<hbm>> -> memref<2x1600xi32, #tpu.memory_space<hbm>>
    tpu.wait_dma2 semaphore(%arg12 : memref<!tpu.dma_semaphore, #tpu.memory_space<semaphore_mem>>) src(%dma_wait3A_16 : memref<2x1600xi32, #tpu.memory_space<hbm>>) dst(%arg6 : memref<2x1600xi32, #tpu.memory_space<vmem>>)
    %dma_start3A_17 = arith.constant 0 : i32
    %dma_start3A_18 = arith.constant 0 : i32
    %dma_start3A_19 = tpu.memref_slice %arg6[%dma_start3A_17, %dma_start3A_18] : memref<2x1600xi32, #tpu.memory_space<vmem>> -> memref<1x1600xi32, #tpu.memory_space<vmem>>
    %dma_start3A_20 = tpu.memref_squeeze %dma_start3A_19 : memref<1x1600xi32, #tpu.memory_space<vmem>> -> memref<1600xi32, #tpu.memory_space<vmem>>
    %dma_start3A_21 = arith.constant 0 : i32
    %dma_start3A_22 = arith.constant 0 : i32
    %dma_start3A_23 = tpu.memref_slice %arg2[%dma_start3A_21, %dma_start3A_22] : memref<50048x16xf32, #tpu.memory_space<hbm>> -> memref<50048x16xf32, #tpu.memory_space<hbm>>
    tpu.enqueue_indirect_dma source(%dma_start3A_23 : memref<50048x16xf32, #tpu.memory_space<hbm>>) target(%arg8 : memref<1600x16xf32, #tpu.memory_space<vmem>>) offsets(%dma_start3A_20 : memref<1600xi32, #tpu.memory_space<vmem>>) semaphore(%arg14 : memref<!tpu.dma_semaphore, #tpu.memory_space<semaphore_mem>>)
    %dma_start3A_24 = arith.constant 1 : i32
    %dma_start3A_25 = arith.constant 0 : i32
    %dma_start3A_26 = tpu.memref_slice %arg6[%dma_start3A_24, %dma_start3A_25] : memref<2x1600xi32, #tpu.memory_space<vmem>> -> memref<1x1600xi32, #tpu.memory_space<vmem>>
    %dma_start3A_27 = tpu.memref_squeeze %dma_start3A_26 : memref<1x1600xi32, #tpu.memory_space<vmem>> -> memref<1600xi32, #tpu.memory_space<vmem>>
    %dma_start3A_28 = arith.constant 0 : i32
    %dma_start3A_29 = arith.constant 0 : i32
    %dma_start3A_30 = tpu.memref_slice %arg3[%dma_start3A_28, %dma_start3A_29] : memref<50048x16xf32, #tpu.memory_space<hbm>> -> memref<50048x16xf32, #tpu.memory_space<hbm>>
    tpu.enqueue_indirect_dma source(%dma_start3A_30 : memref<50048x16xf32, #tpu.memory_space<hbm>>) target(%arg10 : memref<1600x16xf32, #tpu.memory_space<vmem>>) offsets(%dma_start3A_27 : memref<1600xi32, #tpu.memory_space<vmem>>) semaphore(%arg16 : memref<!tpu.dma_semaphore, #tpu.memory_space<semaphore_mem>>)
    %scan3A = arith.constant 0 : i32
    %scan3A_31 = arith.constant 0 : i32
    %scan3A_32 = arith.constant 8 : i32
    %scan3A_33 = arith.addi %scan3A_31, %scan3A_32 : i32
    %scan3A_34 = arith.constant 1 : i32
    scf.for %scan3A_44 = %scan3A_31 to %scan3A_33 step %scan3A_34  : i32 {
      %mul3A_45 = arith.constant 2 : i32
      %mul3A_46 = arith.muli %scan3A_44, %mul3A_45 : i32
      %add3A_47 = arith.constant 0 : i32
      %add3A_48 = arith.addi %mul3A_46, %add3A_47 : i32
      %mul3A_49 = arith.constant 1600 : i32
      %mul3A_50 = arith.muli %add3A_48, %mul3A_49 : i32
      %add3A_51 = arith.addi %mul3A_2, %mul3A_50 : i32
      %dma_wait3A_52 = arith.constant 0 : i32
      %dma_wait3A_53 = arith.constant 0 : i32
      %dma_wait3A_54 = tpu.memref_slice %arg6[%dma_wait3A_52, %dma_wait3A_53] : memref<2x1600xi32, #tpu.memory_space<vmem>> -> memref<1x1600xi32, #tpu.memory_space<vmem>>
      %dma_wait3A_55 = tpu.memref_squeeze %dma_wait3A_54 : memref<1x1600xi32, #tpu.memory_space<vmem>> -> memref<1600xi32, #tpu.memory_space<vmem>>
      %dma_wait3A_56 = arith.constant 0 : i32
      %dma_wait3A_57 = arith.constant 0 : i32
      %dma_wait3A_58 = tpu.memref_slice %arg2[%dma_wait3A_56, %dma_wait3A_57] : memref<50048x16xf32, #tpu.memory_space<hbm>> -> memref<50048x16xf32, #tpu.memory_space<hbm>>
      tpu.wait_indirect_dma semaphore(%arg14 : memref<!tpu.dma_semaphore, #tpu.memory_space<semaphore_mem>>) src(%dma_wait3A_58 : memref<50048x16xf32, #tpu.memory_space<hbm>>) dst(%arg8 : memref<1600x16xf32, #tpu.memory_space<vmem>>)
      %dma_wait3A_59 = arith.constant 1 : i32
      %dma_wait3A_60 = arith.constant 0 : i32
      %dma_wait3A_61 = tpu.memref_slice %arg6[%dma_wait3A_59, %dma_wait3A_60] : memref<2x1600xi32, #tpu.memory_space<vmem>> -> memref<1x1600xi32, #tpu.memory_space<vmem>>
      %dma_wait3A_62 = tpu.memref_squeeze %dma_wait3A_61 : memref<1x1600xi32, #tpu.memory_space<vmem>> -> memref<1600xi32, #tpu.memory_space<vmem>>
      %dma_wait3A_63 = arith.constant 0 : i32
      %dma_wait3A_64 = arith.constant 0 : i32
      %dma_wait3A_65 = tpu.memref_slice %arg3[%dma_wait3A_63, %dma_wait3A_64] : memref<50048x16xf32, #tpu.memory_space<hbm>> -> memref<50048x16xf32, #tpu.memory_space<hbm>>
      tpu.wait_indirect_dma semaphore(%arg16 : memref<!tpu.dma_semaphore, #tpu.memory_space<semaphore_mem>>) src(%dma_wait3A_65 : memref<50048x16xf32, #tpu.memory_space<hbm>>) dst(%arg10 : memref<1600x16xf32, #tpu.memory_space<vmem>>)
      %add3A_66 = arith.constant 1 : i32
      %add3A_67 = arith.addi %add3A_48, %add3A_66 : i32
      %lt3A = arith.constant 16 : i32
      %lt3A_68 = arith.cmpi slt, %add3A_67, %lt3A : i32
      %convert_element_type3A = arith.extui %lt3A_68 : i1 to i32
      %cond3A = arith.constant 0 : i32
      %cond3A_69 = arith.cmpi ne, %convert_element_type3A, %cond3A : i32
      scf.if %cond3A_69 {
        %dma_wait3A_132 = arith.constant 0 : i32
        %dma_wait3A_133 = tpu.memref_slice %arg4[%dma_wait3A_132, %mul3A_2] : memref<2x819200xi32, #tpu.memory_space<hbm>> -> memref<2x1600xi32, #tpu.memory_space<hbm>>
        %dma_wait3A_134 = arith.constant 0 : i32
        %dma_wait3A_135 = tpu.memref_slice %arg4[%dma_wait3A_134, %mul3A_2] : memref<2x819200xi32, #tpu.memory_space<hbm>> -> memref<2x1600xi32, #tpu.memory_space<hbm>>
        tpu.wait_dma2 semaphore(%arg13 : memref<!tpu.dma_semaphore, #tpu.memory_space<semaphore_mem>>) src(%dma_wait3A_135 : memref<2x1600xi32, #tpu.memory_space<hbm>>) dst(%arg7 : memref<2x1600xi32, #tpu.memory_space<vmem>>)
        %ge3A = arith.constant 1 : i32
        %ge3A_136 = arith.cmpi sge, %add3A_48, %ge3A : i32
        %convert_element_type3A_137 = arith.extui %ge3A_136 : i1 to i32
        %cond3A_138 = arith.constant 0 : i32
        %cond3A_139 = arith.cmpi ne, %convert_element_type3A_137, %cond3A_138 : i32
        scf.if %cond3A_139 {
          %dma_wait3A_154 = arith.constant 0 : i32
          %dma_wait3A_155 = tpu.memref_slice %arg5[%mul3A_2, %dma_wait3A_154] : memref<819200x16xf32, #tpu.memory_space<hbm>> -> memref<1600x16xf32, #tpu.memory_space<hbm>>
          %dma_wait3A_156 = arith.constant 0 : i32
          %dma_wait3A_157 = tpu.memref_slice %arg5[%mul3A_2, %dma_wait3A_156] : memref<819200x16xf32, #tpu.memory_space<hbm>> -> memref<1600x16xf32, #tpu.memory_space<hbm>>
          tpu.wait_dma2 semaphore(%arg19 : memref<!tpu.dma_semaphore, #tpu.memory_space<semaphore_mem>>) src(%arg9 : memref<1600x16xf32, #tpu.memory_space<vmem>>) dst(%dma_wait3A_157 : memref<1600x16xf32, #tpu.memory_space<hbm>>)
        } else {
        }
        %dma_start3A_140 = arith.constant 0 : i32
        %dma_start3A_141 = arith.constant 0 : i32
        %dma_start3A_142 = tpu.memref_slice %arg7[%dma_start3A_140, %dma_start3A_141] : memref<2x1600xi32, #tpu.memory_space<vmem>> -> memref<1x1600xi32, #tpu.memory_space<vmem>>
        %dma_start3A_143 = tpu.memref_squeeze %dma_start3A_142 : memref<1x1600xi32, #tpu.memory_space<vmem>> -> memref<1600xi32, #tpu.memory_space<vmem>>
        %dma_start3A_144 = arith.constant 0 : i32
        %dma_start3A_145 = arith.constant 0 : i32
        %dma_start3A_146 = tpu.memref_slice %arg2[%dma_start3A_144, %dma_start3A_145] : memref<50048x16xf32, #tpu.memory_space<hbm>> -> memref<50048x16xf32, #tpu.memory_space<hbm>>
        tpu.enqueue_indirect_dma source(%dma_start3A_146 : memref<50048x16xf32, #tpu.memory_space<hbm>>) target(%arg9 : memref<1600x16xf32, #tpu.memory_space<vmem>>) offsets(%dma_start3A_143 : memref<1600xi32, #tpu.memory_space<vmem>>) semaphore(%arg15 : memref<!tpu.dma_semaphore, #tpu.memory_space<semaphore_mem>>)
        %dma_start3A_147 = arith.constant 1 : i32
        %dma_start3A_148 = arith.constant 0 : i32
        %dma_start3A_149 = tpu.memref_slice %arg7[%dma_start3A_147, %dma_start3A_148] : memref<2x1600xi32, #tpu.memory_space<vmem>> -> memref<1x1600xi32, #tpu.memory_space<vmem>>
        %dma_start3A_150 = tpu.memref_squeeze %dma_start3A_149 : memref<1x1600xi32, #tpu.memory_space<vmem>> -> memref<1600xi32, #tpu.memory_space<vmem>>
        %dma_start3A_151 = arith.constant 0 : i32
        %dma_start3A_152 = arith.constant 0 : i32
        %dma_start3A_153 = tpu.memref_slice %arg3[%dma_start3A_151, %dma_start3A_152] : memref<50048x16xf32, #tpu.memory_space<hbm>> -> memref<50048x16xf32, #tpu.memory_space<hbm>>
        tpu.enqueue_indirect_dma source(%dma_start3A_153 : memref<50048x16xf32, #tpu.memory_space<hbm>>) target(%arg11 : memref<1600x16xf32, #tpu.memory_space<vmem>>) offsets(%dma_start3A_150 : memref<1600xi32, #tpu.memory_space<vmem>>) semaphore(%arg17 : memref<!tpu.dma_semaphore, #tpu.memory_space<semaphore_mem>>)
      } else {
      }
      %add3A_70 = arith.constant 2 : i32
      %add3A_71 = arith.addi %add3A_48, %add3A_70 : i32
      %lt3A_72 = arith.constant 16 : i32
      %lt3A_73 = arith.cmpi slt, %add3A_71, %lt3A_72 : i32
      %convert_element_type3A_74 = arith.extui %lt3A_73 : i1 to i32
      %cond3A_75 = arith.constant 0 : i32
      %cond3A_76 = arith.cmpi ne, %convert_element_type3A_74, %cond3A_75 : i32
      scf.if %cond3A_76 {
        %add3A_132 = arith.constant 2 : i32
        %add3A_133 = arith.addi %add3A_48, %add3A_132 : i32
        %mul3A_134 = arith.constant 1600 : i32
        %mul3A_135 = arith.muli %add3A_133, %mul3A_134 : i32
        %add3A_136 = arith.addi %mul3A_2, %mul3A_135 : i32
        %dma_start3A_137 = arith.constant 0 : i32
        %dma_start3A_138 = tpu.memref_slice %arg4[%dma_start3A_137, %add3A_136] : memref<2x819200xi32, #tpu.memory_space<hbm>> -> memref<2x1600xi32, #tpu.memory_space<hbm>>
        %dma_start3A_139 = arith.constant 0 : i32
        %dma_start3A_140 = tpu.memref_slice %arg4[%dma_start3A_139, %add3A_136] : memref<2x819200xi32, #tpu.memory_space<hbm>> -> memref<2x1600xi32, #tpu.memory_space<hbm>>
        tpu.enqueue_dma source(%dma_start3A_140 : memref<2x1600xi32, #tpu.memory_space<hbm>>) target(%arg6 : memref<2x1600xi32, #tpu.memory_space<vmem>>) target_semaphore(%arg12 : memref<!tpu.dma_semaphore, #tpu.memory_space<semaphore_mem>>)
      } else {
      }
      %scan3A_77 = arith.constant 0 : i32
      %scan3A_78 = arith.constant 0 : i32
      %scan3A_79 = arith.constant 1600 : i32
      %scan3A_80 = arith.addi %scan3A_78, %scan3A_79 : i32
      %scan3A_81 = arith.constant 4 : i32
      scf.for %scan3A_132 = %scan3A_78 to %scan3A_80 step %scan3A_81  : i32 {
        %get3A = arith.index_cast %scan3A_132 : i32 to index
        %get3A_133 = arith.constant 0 : index
        %get3A_134 = tpu.vector_load %arg8[%get3A, %get3A_133] {strides = array<i32>} : memref<1600x16xf32, #tpu.memory_space<vmem>>, vector<16xf32>,
        %get3A_135 = arith.index_cast %scan3A_132 : i32 to index
        %get3A_136 = arith.constant 0 : index
        %get3A_137 = tpu.vector_load %arg10[%get3A_135, %get3A_136] {strides = array<i32>} : memref<1600x16xf32, #tpu.memory_space<vmem>>, vector<16xf32>,
        %add3A_138 = arith.addf %get3A_134, %get3A_137 : vector<16xf32>
        %max3A = arith.constant 0.000000e+00 : f32
        %max3A_139 = vector.broadcast %max3A : f32 to vector<16xf32>
        %max3A_140 = arith.maximumf %add3A_138, %max3A_139 : vector<16xf32>
        %swap3A = arith.index_cast %scan3A_132 : i32 to index
        %swap3A_141 = arith.constant 0 : index
        %swap3A_142 = tpu.vector_load %arg8[%swap3A, %swap3A_141] {strides = array<i32>} : memref<1600x16xf32, #tpu.memory_space<vmem>>, vector<16xf32>,
        tpu.vector_store %arg8[%swap3A, %swap3A_141], %max3A_140 {strides = array<i32>} : memref<1600x16xf32, #tpu.memory_space<vmem>>, vector<16xf32>,
        %scan3A_143 = arith.constant 1 : i32
        %scan3A_144 = arith.addi %scan3A_132, %scan3A_143 : i32
        %get3A_145 = arith.index_cast %scan3A_144 : i32 to index
        %get3A_146 = arith.constant 0 : index
        %get3A_147 = tpu.vector_load %arg8[%get3A_145, %get3A_146] {strides = array<i32>} : memref<1600x16xf32, #tpu.memory_space<vmem>>, vector<16xf32>,
        %get3A_148 = arith.index_cast %scan3A_144 : i32 to index
        %get3A_149 = arith.constant 0 : index
        %get3A_150 = tpu.vector_load %arg10[%get3A_148, %get3A_149] {strides = array<i32>} : memref<1600x16xf32, #tpu.memory_space<vmem>>, vector<16xf32>,
        %add3A_151 = arith.addf %get3A_147, %get3A_150 : vector<16xf32>
        %max3A_152 = arith.constant 0.000000e+00 : f32
        %max3A_153 = vector.broadcast %max3A_152 : f32 to vector<16xf32>
        %max3A_154 = arith.maximumf %add3A_151, %max3A_153 : vector<16xf32>
        %swap3A_155 = arith.index_cast %scan3A_144 : i32 to index
        %swap3A_156 = arith.constant 0 : index
        %swap3A_157 = tpu.vector_load %arg8[%swap3A_155, %swap3A_156] {strides = array<i32>} : memref<1600x16xf32, #tpu.memory_space<vmem>>, vector<16xf32>,
        tpu.vector_store %arg8[%swap3A_155, %swap3A_156], %max3A_154 {strides = array<i32>} : memref<1600x16xf32, #tpu.memory_space<vmem>>, vector<16xf32>,
        %scan3A_158 = arith.constant 2 : i32
        %scan3A_159 = arith.addi %scan3A_132, %scan3A_158 : i32
        %get3A_160 = arith.index_cast %scan3A_159 : i32 to index
        %get3A_161 = arith.constant 0 : index
        %get3A_162 = tpu.vector_load %arg8[%get3A_160, %get3A_161] {strides = array<i32>} : memref<1600x16xf32, #tpu.memory_space<vmem>>, vector<16xf32>,
        %get3A_163 = arith.index_cast %scan3A_159 : i32 to index
        %get3A_164 = arith.constant 0 : index
        %get3A_165 = tpu.vector_load %arg10[%get3A_163, %get3A_164] {strides = array<i32>} : memref<1600x16xf32, #tpu.memory_space<vmem>>, vector<16xf32>,
        %add3A_166 = arith.addf %get3A_162, %get3A_165 : vector<16xf32>
        %max3A_167 = arith.constant 0.000000e+00 : f32
        %max3A_168 = vector.broadcast %max3A_167 : f32 to vector<16xf32>
        %max3A_169 = arith.maximumf %add3A_166, %max3A_168 : vector<16xf32>
        %swap3A_170 = arith.index_cast %scan3A_159 : i32 to index
        %swap3A_171 = arith.constant 0 : index
        %swap3A_172 = tpu.vector_load %arg8[%swap3A_170, %swap3A_171] {strides = array<i32>} : memref<1600x16xf32, #tpu.memory_space<vmem>>, vector<16xf32>,
        tpu.vector_store %arg8[%swap3A_170, %swap3A_171], %max3A_169 {strides = array<i32>} : memref<1600x16xf32, #tpu.memory_space<vmem>>, vector<16xf32>,
        %scan3A_173 = arith.constant 3 : i32
        %scan3A_174 = arith.addi %scan3A_132, %scan3A_173 : i32
        %get3A_175 = arith.index_cast %scan3A_174 : i32 to index
        %get3A_176 = arith.constant 0 : index
        %get3A_177 = tpu.vector_load %arg8[%get3A_175, %get3A_176] {strides = array<i32>} : memref<1600x16xf32, #tpu.memory_space<vmem>>, vector<16xf32>,
        %get3A_178 = arith.index_cast %scan3A_174 : i32 to index
        %get3A_179 = arith.constant 0 : index
        %get3A_180 = tpu.vector_load %arg10[%get3A_178, %get3A_179] {strides = array<i32>} : memref<1600x16xf32, #tpu.memory_space<vmem>>, vector<16xf32>,
        %add3A_181 = arith.addf %get3A_177, %get3A_180 : vector<16xf32>
        %max3A_182 = arith.constant 0.000000e+00 : f32
        %max3A_183 = vector.broadcast %max3A_182 : f32 to vector<16xf32>
        %max3A_184 = arith.maximumf %add3A_181, %max3A_183 : vector<16xf32>
        %swap3A_185 = arith.index_cast %scan3A_174 : i32 to index
        %swap3A_186 = arith.constant 0 : index
        %swap3A_187 = tpu.vector_load %arg8[%swap3A_185, %swap3A_186] {strides = array<i32>} : memref<1600x16xf32, #tpu.memory_space<vmem>>, vector<16xf32>,
        tpu.vector_store %arg8[%swap3A_185, %swap3A_186], %max3A_184 {strides = array<i32>} : memref<1600x16xf32, #tpu.memory_space<vmem>>, vector<16xf32>,
      }
      %scan3A_82 = arith.constant 1600 : i32
      %dma_start3A_83 = arith.constant 0 : i32
      %dma_start3A_84 = tpu.memref_slice %arg5[%add3A_51, %dma_start3A_83] : memref<819200x16xf32, #tpu.memory_space<hbm>> -> memref<1600x16xf32, #tpu.memory_space<hbm>>
      %dma_start3A_85 = arith.constant 0 : i32
      %dma_start3A_86 = tpu.memref_slice %arg5[%add3A_51, %dma_start3A_85] : memref<819200x16xf32, #tpu.memory_space<hbm>> -> memref<1600x16xf32, #tpu.memory_space<hbm>>
      tpu.enqueue_dma source(%arg8 : memref<1600x16xf32, #tpu.memory_space<vmem>>) target(%dma_start3A_86 : memref<1600x16xf32, #tpu.memory_space<hbm>>) target_semaphore(%arg18 : memref<!tpu.dma_semaphore, #tpu.memory_space<semaphore_mem>>)
      %mul3A_87 = arith.constant 2 : i32
      %mul3A_88 = arith.muli %scan3A_44, %mul3A_87 : i32
      %add3A_89 = arith.constant 1 : i32
      %add3A_90 = arith.addi %mul3A_88, %add3A_89 : i32
      %mul3A_91 = arith.constant 1600 : i32
      %mul3A_92 = arith.muli %add3A_90, %mul3A_91 : i32
      %add3A_93 = arith.addi %mul3A_2, %mul3A_92 : i32
      %dma_wait3A_94 = arith.constant 0 : i32
      %dma_wait3A_95 = arith.constant 0 : i32
      %dma_wait3A_96 = tpu.memref_slice %arg7[%dma_wait3A_94, %dma_wait3A_95] : memref<2x1600xi32, #tpu.memory_space<vmem>> -> memref<1x1600xi32, #tpu.memory_space<vmem>>
      %dma_wait3A_97 = tpu.memref_squeeze %dma_wait3A_96 : memref<1x1600xi32, #tpu.memory_space<vmem>> -> memref<1600xi32, #tpu.memory_space<vmem>>
      %dma_wait3A_98 = arith.constant 0 : i32
      %dma_wait3A_99 = arith.constant 0 : i32
      %dma_wait3A_100 = tpu.memref_slice %arg2[%dma_wait3A_98, %dma_wait3A_99] : memref<50048x16xf32, #tpu.memory_space<hbm>> -> memref<50048x16xf32, #tpu.memory_space<hbm>>
      tpu.wait_indirect_dma semaphore(%arg15 : memref<!tpu.dma_semaphore, #tpu.memory_space<semaphore_mem>>) src(%dma_wait3A_100 : memref<50048x16xf32, #tpu.memory_space<hbm>>) dst(%arg9 : memref<1600x16xf32, #tpu.memory_space<vmem>>)
      %dma_wait3A_101 = arith.constant 1 : i32
      %dma_wait3A_102 = arith.constant 0 : i32
      %dma_wait3A_103 = tpu.memref_slice %arg7[%dma_wait3A_101, %dma_wait3A_102] : memref<2x1600xi32, #tpu.memory_space<vmem>> -> memref<1x1600xi32, #tpu.memory_space<vmem>>
      %dma_wait3A_104 = tpu.memref_squeeze %dma_wait3A_103 : memref<1x1600xi32, #tpu.memory_space<vmem>> -> memref<1600xi32, #tpu.memory_space<vmem>>
      %dma_wait3A_105 = arith.constant 0 : i32
      %dma_wait3A_106 = arith.constant 0 : i32
      %dma_wait3A_107 = tpu.memref_slice %arg3[%dma_wait3A_105, %dma_wait3A_106] : memref<50048x16xf32, #tpu.memory_space<hbm>> -> memref<50048x16xf32, #tpu.memory_space<hbm>>
      tpu.wait_indirect_dma semaphore(%arg17 : memref<!tpu.dma_semaphore, #tpu.memory_space<semaphore_mem>>) src(%dma_wait3A_107 : memref<50048x16xf32, #tpu.memory_space<hbm>>) dst(%arg11 : memref<1600x16xf32, #tpu.memory_space<vmem>>)
      %add3A_108 = arith.constant 1 : i32
      %add3A_109 = arith.addi %add3A_90, %add3A_108 : i32
      %lt3A_110 = arith.constant 16 : i32
      %lt3A_111 = arith.cmpi slt, %add3A_109, %lt3A_110 : i32
      %convert_element_type3A_112 = arith.extui %lt3A_111 : i1 to i32
      %cond3A_113 = arith.constant 0 : i32
      %cond3A_114 = arith.cmpi ne, %convert_element_type3A_112, %cond3A_113 : i32
      scf.if %cond3A_114 {
        %dma_wait3A_132 = arith.constant 0 : i32
        %dma_wait3A_133 = tpu.memref_slice %arg4[%dma_wait3A_132, %mul3A_2] : memref<2x819200xi32, #tpu.memory_space<hbm>> -> memref<2x1600xi32, #tpu.memory_space<hbm>>
        %dma_wait3A_134 = arith.constant 0 : i32
        %dma_wait3A_135 = tpu.memref_slice %arg4[%dma_wait3A_134, %mul3A_2] : memref<2x819200xi32, #tpu.memory_space<hbm>> -> memref<2x1600xi32, #tpu.memory_space<hbm>>
        tpu.wait_dma2 semaphore(%arg12 : memref<!tpu.dma_semaphore, #tpu.memory_space<semaphore_mem>>) src(%dma_wait3A_135 : memref<2x1600xi32, #tpu.memory_space<hbm>>) dst(%arg6 : memref<2x1600xi32, #tpu.memory_space<vmem>>)
        %ge3A = arith.constant 1 : i32
        %ge3A_136 = arith.cmpi sge, %add3A_90, %ge3A : i32
        %convert_element_type3A_137 = arith.extui %ge3A_136 : i1 to i32
        %cond3A_138 = arith.constant 0 : i32
        %cond3A_139 = arith.cmpi ne, %convert_element_type3A_137, %cond3A_138 : i32
        scf.if %cond3A_139 {
          %dma_wait3A_154 = arith.constant 0 : i32
          %dma_wait3A_155 = tpu.memref_slice %arg5[%mul3A_2, %dma_wait3A_154] : memref<819200x16xf32, #tpu.memory_space<hbm>> -> memref<1600x16xf32, #tpu.memory_space<hbm>>
          %dma_wait3A_156 = arith.constant 0 : i32
          %dma_wait3A_157 = tpu.memref_slice %arg5[%mul3A_2, %dma_wait3A_156] : memref<819200x16xf32, #tpu.memory_space<hbm>> -> memref<1600x16xf32, #tpu.memory_space<hbm>>
          tpu.wait_dma2 semaphore(%arg18 : memref<!tpu.dma_semaphore, #tpu.memory_space<semaphore_mem>>) src(%arg8 : memref<1600x16xf32, #tpu.memory_space<vmem>>) dst(%dma_wait3A_157 : memref<1600x16xf32, #tpu.memory_space<hbm>>)
        } else {
        }
        %dma_start3A_140 = arith.constant 0 : i32
        %dma_start3A_141 = arith.constant 0 : i32
        %dma_start3A_142 = tpu.memref_slice %arg6[%dma_start3A_140, %dma_start3A_141] : memref<2x1600xi32, #tpu.memory_space<vmem>> -> memref<1x1600xi32, #tpu.memory_space<vmem>>
        %dma_start3A_143 = tpu.memref_squeeze %dma_start3A_142 : memref<1x1600xi32, #tpu.memory_space<vmem>> -> memref<1600xi32, #tpu.memory_space<vmem>>
        %dma_start3A_144 = arith.constant 0 : i32
        %dma_start3A_145 = arith.constant 0 : i32
        %dma_start3A_146 = tpu.memref_slice %arg2[%dma_start3A_144, %dma_start3A_145] : memref<50048x16xf32, #tpu.memory_space<hbm>> -> memref<50048x16xf32, #tpu.memory_space<hbm>>
        tpu.enqueue_indirect_dma source(%dma_start3A_146 : memref<50048x16xf32, #tpu.memory_space<hbm>>) target(%arg8 : memref<1600x16xf32, #tpu.memory_space<vmem>>) offsets(%dma_start3A_143 : memref<1600xi32, #tpu.memory_space<vmem>>) semaphore(%arg14 : memref<!tpu.dma_semaphore, #tpu.memory_space<semaphore_mem>>)
        %dma_start3A_147 = arith.constant 1 : i32
        %dma_start3A_148 = arith.constant 0 : i32
        %dma_start3A_149 = tpu.memref_slice %arg6[%dma_start3A_147, %dma_start3A_148] : memref<2x1600xi32, #tpu.memory_space<vmem>> -> memref<1x1600xi32, #tpu.memory_space<vmem>>
        %dma_start3A_150 = tpu.memref_squeeze %dma_start3A_149 : memref<1x1600xi32, #tpu.memory_space<vmem>> -> memref<1600xi32, #tpu.memory_space<vmem>>
        %dma_start3A_151 = arith.constant 0 : i32
        %dma_start3A_152 = arith.constant 0 : i32
        %dma_start3A_153 = tpu.memref_slice %arg3[%dma_start3A_151, %dma_start3A_152] : memref<50048x16xf32, #tpu.memory_space<hbm>> -> memref<50048x16xf32, #tpu.memory_space<hbm>>
        tpu.enqueue_indirect_dma source(%dma_start3A_153 : memref<50048x16xf32, #tpu.memory_space<hbm>>) target(%arg10 : memref<1600x16xf32, #tpu.memory_space<vmem>>) offsets(%dma_start3A_150 : memref<1600xi32, #tpu.memory_space<vmem>>) semaphore(%arg16 : memref<!tpu.dma_semaphore, #tpu.memory_space<semaphore_mem>>)
      } else {
      }
      %add3A_115 = arith.constant 2 : i32
      %add3A_116 = arith.addi %add3A_90, %add3A_115 : i32
      %lt3A_117 = arith.constant 16 : i32
      %lt3A_118 = arith.cmpi slt, %add3A_116, %lt3A_117 : i32
      %convert_element_type3A_119 = arith.extui %lt3A_118 : i1 to i32
      %cond3A_120 = arith.constant 0 : i32
      %cond3A_121 = arith.cmpi ne, %convert_element_type3A_119, %cond3A_120 : i32
      scf.if %cond3A_121 {
        %add3A_132 = arith.constant 2 : i32
        %add3A_133 = arith.addi %add3A_90, %add3A_132 : i32
        %mul3A_134 = arith.constant 1600 : i32
        %mul3A_135 = arith.muli %add3A_133, %mul3A_134 : i32
        %add3A_136 = arith.addi %mul3A_2, %mul3A_135 : i32
        %dma_start3A_137 = arith.constant 0 : i32
        %dma_start3A_138 = tpu.memref_slice %arg4[%dma_start3A_137, %add3A_136] : memref<2x819200xi32, #tpu.memory_space<hbm>> -> memref<2x1600xi32, #tpu.memory_space<hbm>>
        %dma_start3A_139 = arith.constant 0 : i32
        %dma_start3A_140 = tpu.memref_slice %arg4[%dma_start3A_139, %add3A_136] : memref<2x819200xi32, #tpu.memory_space<hbm>> -> memref<2x1600xi32, #tpu.memory_space<hbm>>
        tpu.enqueue_dma source(%dma_start3A_140 : memref<2x1600xi32, #tpu.memory_space<hbm>>) target(%arg7 : memref<2x1600xi32, #tpu.memory_space<vmem>>) target_semaphore(%arg13 : memref<!tpu.dma_semaphore, #tpu.memory_space<semaphore_mem>>)
      } else {
      }
      %scan3A_122 = arith.constant 0 : i32
      %scan3A_123 = arith.constant 0 : i32
      %scan3A_124 = arith.constant 1600 : i32
      %scan3A_125 = arith.addi %scan3A_123, %scan3A_124 : i32
      %scan3A_126 = arith.constant 4 : i32
      scf.for %scan3A_132 = %scan3A_123 to %scan3A_125 step %scan3A_126  : i32 {
        %get3A = arith.index_cast %scan3A_132 : i32 to index
        %get3A_133 = arith.constant 0 : index
        %get3A_134 = tpu.vector_load %arg9[%get3A, %get3A_133] {strides = array<i32>} : memref<1600x16xf32, #tpu.memory_space<vmem>>, vector<16xf32>,
        %get3A_135 = arith.index_cast %scan3A_132 : i32 to index
        %get3A_136 = arith.constant 0 : index
        %get3A_137 = tpu.vector_load %arg11[%get3A_135, %get3A_136] {strides = array<i32>} : memref<1600x16xf32, #tpu.memory_space<vmem>>, vector<16xf32>,
        %add3A_138 = arith.addf %get3A_134, %get3A_137 : vector<16xf32>
        %max3A = arith.constant 0.000000e+00 : f32
        %max3A_139 = vector.broadcast %max3A : f32 to vector<16xf32>
        %max3A_140 = arith.maximumf %add3A_138, %max3A_139 : vector<16xf32>
        %swap3A = arith.index_cast %scan3A_132 : i32 to index
        %swap3A_141 = arith.constant 0 : index
        %swap3A_142 = tpu.vector_load %arg9[%swap3A, %swap3A_141] {strides = array<i32>} : memref<1600x16xf32, #tpu.memory_space<vmem>>, vector<16xf32>,
        tpu.vector_store %arg9[%swap3A, %swap3A_141], %max3A_140 {strides = array<i32>} : memref<1600x16xf32, #tpu.memory_space<vmem>>, vector<16xf32>,
        %scan3A_143 = arith.constant 1 : i32
        %scan3A_144 = arith.addi %scan3A_132, %scan3A_143 : i32
        %get3A_145 = arith.index_cast %scan3A_144 : i32 to index
        %get3A_146 = arith.constant 0 : index
        %get3A_147 = tpu.vector_load %arg9[%get3A_145, %get3A_146] {strides = array<i32>} : memref<1600x16xf32, #tpu.memory_space<vmem>>, vector<16xf32>,
        %get3A_148 = arith.index_cast %scan3A_144 : i32 to index
        %get3A_149 = arith.constant 0 : index
        %get3A_150 = tpu.vector_load %arg11[%get3A_148, %get3A_149] {strides = array<i32>} : memref<1600x16xf32, #tpu.memory_space<vmem>>, vector<16xf32>,
        %add3A_151 = arith.addf %get3A_147, %get3A_150 : vector<16xf32>
        %max3A_152 = arith.constant 0.000000e+00 : f32
        %max3A_153 = vector.broadcast %max3A_152 : f32 to vector<16xf32>
        %max3A_154 = arith.maximumf %add3A_151, %max3A_153 : vector<16xf32>
        %swap3A_155 = arith.index_cast %scan3A_144 : i32 to index
        %swap3A_156 = arith.constant 0 : index
        %swap3A_157 = tpu.vector_load %arg9[%swap3A_155, %swap3A_156] {strides = array<i32>} : memref<1600x16xf32, #tpu.memory_space<vmem>>, vector<16xf32>,
        tpu.vector_store %arg9[%swap3A_155, %swap3A_156], %max3A_154 {strides = array<i32>} : memref<1600x16xf32, #tpu.memory_space<vmem>>, vector<16xf32>,
        %scan3A_158 = arith.constant 2 : i32
        %scan3A_159 = arith.addi %scan3A_132, %scan3A_158 : i32
        %get3A_160 = arith.index_cast %scan3A_159 : i32 to index
        %get3A_161 = arith.constant 0 : index
        %get3A_162 = tpu.vector_load %arg9[%get3A_160, %get3A_161] {strides = array<i32>} : memref<1600x16xf32, #tpu.memory_space<vmem>>, vector<16xf32>,
        %get3A_163 = arith.index_cast %scan3A_159 : i32 to index
        %get3A_164 = arith.constant 0 : index
        %get3A_165 = tpu.vector_load %arg11[%get3A_163, %get3A_164] {strides = array<i32>} : memref<1600x16xf32, #tpu.memory_space<vmem>>, vector<16xf32>,
        %add3A_166 = arith.addf %get3A_162, %get3A_165 : vector<16xf32>
        %max3A_167 = arith.constant 0.000000e+00 : f32
        %max3A_168 = vector.broadcast %max3A_167 : f32 to vector<16xf32>
        %max3A_169 = arith.maximumf %add3A_166, %max3A_168 : vector<16xf32>
        %swap3A_170 = arith.index_cast %scan3A_159 : i32 to index
        %swap3A_171 = arith.constant 0 : index
        %swap3A_172 = tpu.vector_load %arg9[%swap3A_170, %swap3A_171] {strides = array<i32>} : memref<1600x16xf32, #tpu.memory_space<vmem>>, vector<16xf32>,
        tpu.vector_store %arg9[%swap3A_170, %swap3A_171], %max3A_169 {strides = array<i32>} : memref<1600x16xf32, #tpu.memory_space<vmem>>, vector<16xf32>,
        %scan3A_173 = arith.constant 3 : i32
        %scan3A_174 = arith.addi %scan3A_132, %scan3A_173 : i32
        %get3A_175 = arith.index_cast %scan3A_174 : i32 to index
        %get3A_176 = arith.constant 0 : index
        %get3A_177 = tpu.vector_load %arg9[%get3A_175, %get3A_176] {strides = array<i32>} : memref<1600x16xf32, #tpu.memory_space<vmem>>, vector<16xf32>,
        %get3A_178 = arith.index_cast %scan3A_174 : i32 to index
        %get3A_179 = arith.constant 0 : index
        %get3A_180 = tpu.vector_load %arg11[%get3A_178, %get3A_179] {strides = array<i32>} : memref<1600x16xf32, #tpu.memory_space<vmem>>, vector<16xf32>,
        %add3A_181 = arith.addf %get3A_177, %get3A_180 : vector<16xf32>
        %max3A_182 = arith.constant 0.000000e+00 : f32
        %max3A_183 = vector.broadcast %max3A_182 : f32 to vector<16xf32>
        %max3A_184 = arith.maximumf %add3A_181, %max3A_183 : vector<16xf32>
        %swap3A_185 = arith.index_cast %scan3A_174 : i32 to index
        %swap3A_186 = arith.constant 0 : index
        %swap3A_187 = tpu.vector_load %arg9[%swap3A_185, %swap3A_186] {strides = array<i32>} : memref<1600x16xf32, #tpu.memory_space<vmem>>, vector<16xf32>,
        tpu.vector_store %arg9[%swap3A_185, %swap3A_186], %max3A_184 {strides = array<i32>} : memref<1600x16xf32, #tpu.memory_space<vmem>>, vector<16xf32>,
      }
      %scan3A_127 = arith.constant 1600 : i32
      %dma_start3A_128 = arith.constant 0 : i32
      %dma_start3A_129 = tpu.memref_slice %arg5[%add3A_93, %dma_start3A_128] : memref<819200x16xf32, #tpu.memory_space<hbm>> -> memref<1600x16xf32, #tpu.memory_space<hbm>>
      %dma_start3A_130 = arith.constant 0 : i32
      %dma_start3A_131 = tpu.memref_slice %arg5[%add3A_93, %dma_start3A_130] : memref<819200x16xf32, #tpu.memory_space<hbm>> -> memref<1600x16xf32, #tpu.memory_space<hbm>>
      tpu.enqueue_dma source(%arg9 : memref<1600x16xf32, #tpu.memory_space<vmem>>) target(%dma_start3A_131 : memref<1600x16xf32, #tpu.memory_space<hbm>>) target_semaphore(%arg19 : memref<!tpu.dma_semaphore, #tpu.memory_space<semaphore_mem>>)
    }
    %scan3A_35 = arith.constant 8 : i32
    %dma_wait3A_36 = arith.constant 0 : i32
    %dma_wait3A_37 = tpu.memref_slice %arg5[%mul3A_2, %dma_wait3A_36] : memref<819200x16xf32, #tpu.memory_space<hbm>> -> memref<1600x16xf32, #tpu.memory_space<hbm>>
    %dma_wait3A_38 = arith.constant 0 : i32
    %dma_wait3A_39 = tpu.memref_slice %arg5[%mul3A_2, %dma_wait3A_38] : memref<819200x16xf32, #tpu.memory_space<hbm>> -> memref<1600x16xf32, #tpu.memory_space<hbm>>
    tpu.wait_dma2 semaphore(%arg18 : memref<!tpu.dma_semaphore, #tpu.memory_space<semaphore_mem>>) src(%arg8 : memref<1600x16xf32, #tpu.memory_space<vmem>>) dst(%dma_wait3A_39 : memref<1600x16xf32, #tpu.memory_space<hbm>>)
    %dma_wait3A_40 = arith.constant 0 : i32
    %dma_wait3A_41 = tpu.memref_slice %arg5[%mul3A_2, %dma_wait3A_40] : memref<819200x16xf32, #tpu.memory_space<hbm>> -> memref<1600x16xf32, #tpu.memory_space<hbm>>
    %dma_wait3A_42 = arith.constant 0 : i32
    %dma_wait3A_43 = tpu.memref_slice %arg5[%mul3A_2, %dma_wait3A_42] : memref<819200x16xf32, #tpu.memory_space<hbm>> -> memref<1600x16xf32, #tpu.memory_space<hbm>>
    tpu.wait_dma2 semaphore(%arg19 : memref<!tpu.dma_semaphore, #tpu.memory_space<semaphore_mem>>) src(%arg9 : memref<1600x16xf32, #tpu.memory_space<vmem>>) dst(%dma_wait3A_43 : memref<1600x16xf32, #tpu.memory_space<hbm>>)
    return
  }
}

module attributes {stable_mosaic.version = 14 : i64} {
  func.func @_p2_body(%arg0: i32, %arg1: memref<3128x32xf32, #tpu.memory_space<vmem>>, %arg2: memref<3128x32xf32, #tpu.memory_space<vmem>>, %arg3: memref<32x64xf32, #tpu.memory_space<vmem>>, %arg4: memref<32x64xf32, #tpu.memory_space<vmem>>, %arg5: memref<32x64xf32, #tpu.memory_space<vmem>>, %arg6: memref<32x64xf32, #tpu.memory_space<vmem>>, %arg7: memref<1x64xf32, #tpu.memory_space<vmem>>, %arg8: memref<64x16xf32, #tpu.memory_space<vmem>>, %arg9: memref<16x1xf32, #tpu.memory_space<vmem>>, %arg10: memref<16x1xf32, #tpu.memory_space<vmem>>, %arg11: memref<3128x16xf32, #tpu.memory_space<vmem>>, %arg12: memref<3128x1xf32, #tpu.memory_space<vmem>>, %arg13: memref<3128x1xf32, #tpu.memory_space<vmem>>) attributes {dimension_semantics = [#tpu.dimension_semantics<arbitrary>], iteration_bounds = array<i64: 16>, scalar_prefetch = 0 : i64, scratch_operands = 0 : i64, tpu.core_type = #tpu.core_type<tc>, window_params = [{transform_indices = @transform_0, window_bounds = array<i64: 3128, 32>}, {transform_indices = @transform_1, window_bounds = array<i64: 3128, 32>}, {pipeline_mode = #tpu.pipeline_mode<synchronous>, transform_indices = @transform_2, window_bounds = array<i64: 32, 64>}, {pipeline_mode = #tpu.pipeline_mode<synchronous>, transform_indices = @transform_3, window_bounds = array<i64: 32, 64>}, {pipeline_mode = #tpu.pipeline_mode<synchronous>, transform_indices = @transform_4, window_bounds = array<i64: 32, 64>}, {pipeline_mode = #tpu.pipeline_mode<synchronous>, transform_indices = @transform_5, window_bounds = array<i64: 32, 64>}, {pipeline_mode = #tpu.pipeline_mode<synchronous>, transform_indices = @transform_6, window_bounds = array<i64: 1, 64>}, {pipeline_mode = #tpu.pipeline_mode<synchronous>, transform_indices = @transform_7, window_bounds = array<i64: 64, 16>}, {pipeline_mode = #tpu.pipeline_mode<synchronous>, transform_indices = @transform_8, window_bounds = array<i64: 16, 1>}, {pipeline_mode = #tpu.pipeline_mode<synchronous>, transform_indices = @transform_9, window_bounds = array<i64: 16, 1>}, {transform_indices = @transform_10, window_bounds = array<i64: 3128, 16>}, {transform_indices = @transform_11, window_bounds = array<i64: 3128, 1>}, {transform_indices = @transform_12, window_bounds = array<i64: 3128, 1>}]} {
    %get3A = arith.constant 0 : index
    %get3A_0 = arith.constant 0 : index
    %get3A_1 = vector.load %arg1[%get3A, %get3A_0] : memref<3128x32xf32, #tpu.memory_space<vmem>>, vector<3128x32xf32>
    %get3A_2 = arith.constant 0 : index
    %get3A_3 = arith.constant 0 : index
    %get3A_4 = vector.load %arg2[%get3A_2, %get3A_3] : memref<3128x32xf32, #tpu.memory_space<vmem>>, vector<3128x32xf32>
    %get3A_5 = arith.constant 0 : index
    %get3A_6 = arith.constant 0 : index
    %get3A_7 = vector.load %arg3[%get3A_5, %get3A_6] : memref<32x64xf32, #tpu.memory_space<vmem>>, vector<32x64xf32>
    %dot_general3A = arith.constant dense<0.000000e+00> : vector<3128x64xf32>
    %dot_general3A_8 = tpu.matmul %get3A_1, %get3A_7, %dot_general3A {dimension_numbers = #tpu.dot_dimension_numbers<[1], [0], [0], [1], [0, 0, 1, 1], [], []>, precision = #tpu.contract_precision<fp32>, transpose_lhs_hint = false} : vector<3128x32xf32>, vector<32x64xf32>, vector<3128x64xf32> -> vector<3128x64xf32>
    %get3A_9 = arith.constant 0 : index
    %get3A_10 = arith.constant 0 : index
    %get3A_11 = vector.load %arg4[%get3A_9, %get3A_10] : memref<32x64xf32, #tpu.memory_space<vmem>>, vector<32x64xf32>
    %dot_general3A_12 = arith.constant dense<0.000000e+00> : vector<3128x64xf32>
    %dot_general3A_13 = tpu.matmul %get3A_4, %get3A_11, %dot_general3A_12 {dimension_numbers = #tpu.dot_dimension_numbers<[1], [0], [0], [1], [0, 0, 1, 1], [], []>, precision = #tpu.contract_precision<fp32>, transpose_lhs_hint = false} : vector<3128x32xf32>, vector<32x64xf32>, vector<3128x64xf32> -> vector<3128x64xf32>
    %add3A = arith.addf %dot_general3A_8, %dot_general3A_13 : vector<3128x64xf32>
    %get3A_14 = arith.constant 0 : index
    %get3A_15 = arith.constant 0 : index
    %get3A_16 = vector.load %arg5[%get3A_14, %get3A_15] : memref<32x64xf32, #tpu.memory_space<vmem>>, vector<32x64xf32>
    %dot_general3A_17 = arith.constant dense<0.000000e+00> : vector<3128x64xf32>
    %dot_general3A_18 = tpu.matmul %get3A_1, %get3A_16, %dot_general3A_17 {dimension_numbers = #tpu.dot_dimension_numbers<[1], [0], [0], [1], [0, 0, 1, 1], [], []>, precision = #tpu.contract_precision<fp32>, transpose_lhs_hint = false} : vector<3128x32xf32>, vector<32x64xf32>, vector<3128x64xf32> -> vector<3128x64xf32>
    %get3A_19 = arith.constant 0 : index
    %get3A_20 = arith.constant 0 : index
    %get3A_21 = vector.load %arg6[%get3A_19, %get3A_20] : memref<32x64xf32, #tpu.memory_space<vmem>>, vector<32x64xf32>
    %dot_general3A_22 = arith.constant dense<0.000000e+00> : vector<3128x64xf32>
    %dot_general3A_23 = tpu.matmul %get3A_4, %get3A_21, %dot_general3A_22 {dimension_numbers = #tpu.dot_dimension_numbers<[1], [0], [0], [1], [0, 0, 1, 1], [], []>, precision = #tpu.contract_precision<fp32>, transpose_lhs_hint = false} : vector<3128x32xf32>, vector<32x64xf32>, vector<3128x64xf32> -> vector<3128x64xf32>
    %add3A_24 = arith.addf %dot_general3A_18, %dot_general3A_23 : vector<3128x64xf32>
    %add3A_25 = arith.constant 1.000000e-16 : f32
    %add3A_26 = vector.broadcast %add3A_25 : f32 to vector<3128x64xf32>
    %add3A_27 = arith.addf %add3A_24, %add3A_26 : vector<3128x64xf32>
    %div3A = arith.divf %add3A, %add3A_27 : vector<3128x64xf32>
    %get3A_28 = arith.constant 0 : index
    %get3A_29 = arith.constant 0 : index
    %get3A_30 = vector.load %arg7[%get3A_28, %get3A_29] : memref<1x64xf32, #tpu.memory_space<vmem>>, vector<1x64xf32>
    %add3A_31 = vector.broadcast %get3A_30 : vector<1x64xf32> to vector<3128x64xf32>
    %add3A_32 = arith.addf %div3A, %add3A_31 : vector<3128x64xf32>
    %gt3A = arith.constant 0.000000e+00 : f32
    %gt3A_33 = vector.broadcast %gt3A : f32 to vector<3128x64xf32>
    %gt3A_34 = arith.cmpf ogt, %add3A_32, %gt3A_33 : vector<3128x64xf32>
    %min3A = arith.constant 0.000000e+00 : f32
    %min3A_35 = vector.broadcast %min3A : f32 to vector<3128x64xf32>
    %min3A_36 = arith.minimumf %add3A_32, %min3A_35 : vector<3128x64xf32>
    %exp3A = math.exp %min3A_36 : vector<3128x64xf32>
    %sub3A = arith.constant 1.000000e+00 : f32
    %sub3A_37 = vector.broadcast %sub3A : f32 to vector<3128x64xf32>
    %sub3A_38 = arith.subf %exp3A, %sub3A_37 : vector<3128x64xf32>
    %select_n3A = arith.select %gt3A_34, %add3A_32, %sub3A_38 : vector<3128x64xi1>, vector<3128x64xf32>
    %get3A_39 = arith.constant 0 : index
    %get3A_40 = arith.constant 0 : index
    %get3A_41 = vector.load %arg8[%get3A_39, %get3A_40] : memref<64x16xf32, #tpu.memory_space<vmem>>, vector<64x16xf32>
    %dot_general3A_42 = arith.constant dense<0.000000e+00> : vector<3128x16xf32>
    %dot_general3A_43 = tpu.matmul %select_n3A, %get3A_41, %dot_general3A_42 {dimension_numbers = #tpu.dot_dimension_numbers<[1], [0], [0], [1], [0, 0, 1, 1], [], []>, transpose_lhs_hint = false} : vector<3128x64xf32>, vector<64x16xf32>, vector<3128x16xf32> -> vector<3128x16xf32>
    %swap3A = arith.constant 0 : index
    %swap3A_44 = arith.constant 0 : index
    %swap3A_45 = vector.load %arg11[%swap3A, %swap3A_44] : memref<3128x16xf32, #tpu.memory_space<vmem>>, vector<3128x16xf32>
    tpu.vector_store %arg11[%swap3A, %swap3A_44], %dot_general3A_43 {strides = array<i32>} : memref<3128x16xf32, #tpu.memory_space<vmem>>, vector<3128x16xf32>,
    %get3A_46 = arith.constant 0 : index
    %get3A_47 = arith.constant 0 : index
    %get3A_48 = vector.load %arg9[%get3A_46, %get3A_47] : memref<16x1xf32, #tpu.memory_space<vmem>>, vector<16x1xf32>
    %dot_general3A_49 = arith.constant dense<0.000000e+00> : vector<3128x1xf32>
    %dot_general3A_50 = tpu.matmul %dot_general3A_43, %get3A_48, %dot_general3A_49 {dimension_numbers = #tpu.dot_dimension_numbers<[1], [0], [0], [1], [0, 0, 1, 1], [], []>, precision = #tpu.contract_precision<fp32>, transpose_lhs_hint = false} : vector<3128x16xf32>, vector<16x1xf32>, vector<3128x1xf32> -> vector<3128x1xf32>
    %swap3A_51 = arith.constant 0 : index
    %swap3A_52 = arith.constant 0 : index
    %swap3A_53 = vector.load %arg12[%swap3A_51, %swap3A_52] : memref<3128x1xf32, #tpu.memory_space<vmem>>, vector<3128x1xf32>
    tpu.vector_store %arg12[%swap3A_51, %swap3A_52], %dot_general3A_50 {strides = array<i32>} : memref<3128x1xf32, #tpu.memory_space<vmem>>, vector<3128x1xf32>,
    %get3A_54 = arith.constant 0 : index
    %get3A_55 = arith.constant 0 : index
    %get3A_56 = vector.load %arg10[%get3A_54, %get3A_55] : memref<16x1xf32, #tpu.memory_space<vmem>>, vector<16x1xf32>
    %dot_general3A_57 = arith.constant dense<0.000000e+00> : vector<3128x1xf32>
    %dot_general3A_58 = tpu.matmul %dot_general3A_43, %get3A_56, %dot_general3A_57 {dimension_numbers = #tpu.dot_dimension_numbers<[1], [0], [0], [1], [0, 0, 1, 1], [], []>, precision = #tpu.contract_precision<fp32>, transpose_lhs_hint = false} : vector<3128x16xf32>, vector<16x1xf32>, vector<3128x1xf32> -> vector<3128x1xf32>
    %swap3A_59 = arith.constant 0 : index
    %swap3A_60 = arith.constant 0 : index
    %swap3A_61 = vector.load %arg13[%swap3A_59, %swap3A_60] : memref<3128x1xf32, #tpu.memory_space<vmem>>, vector<3128x1xf32>
    tpu.vector_store %arg13[%swap3A_59, %swap3A_60], %dot_general3A_58 {strides = array<i32>} : memref<3128x1xf32, #tpu.memory_space<vmem>>, vector<3128x1xf32>,
    return
  }
  func.func @transform_0(%arg0: i32) -> (i32, i32) {
    %c0_i32 = arith.constant 0 : i32
    %c0_i32_0 = arith.constant 0 : i32
    return %arg0, %c0_i32 : i32, i32
  }
  func.func @transform_1(%arg0: i32) -> (i32, i32) {
    %c0_i32 = arith.constant 0 : i32
    %c0_i32_0 = arith.constant 0 : i32
    return %arg0, %c0_i32 : i32, i32
  }
  func.func @transform_2(%arg0: i32) -> (i32, i32) {
    %c0_i32 = arith.constant 0 : i32
    %c0_i32_0 = arith.constant 0 : i32
    %c0_i32_1 = arith.constant 0 : i32
    return %c0_i32, %c0_i32_0 : i32, i32
  }
  func.func @transform_3(%arg0: i32) -> (i32, i32) {
    %c0_i32 = arith.constant 0 : i32
    %c0_i32_0 = arith.constant 0 : i32
    %c0_i32_1 = arith.constant 0 : i32
    return %c0_i32, %c0_i32_0 : i32, i32
  }
  func.func @transform_4(%arg0: i32) -> (i32, i32) {
    %c0_i32 = arith.constant 0 : i32
    %c0_i32_0 = arith.constant 0 : i32
    %c0_i32_1 = arith.constant 0 : i32
    return %c0_i32, %c0_i32_0 : i32, i32
  }
  func.func @transform_5(%arg0: i32) -> (i32, i32) {
    %c0_i32 = arith.constant 0 : i32
    %c0_i32_0 = arith.constant 0 : i32
    %c0_i32_1 = arith.constant 0 : i32
    return %c0_i32, %c0_i32_0 : i32, i32
  }
  func.func @transform_6(%arg0: i32) -> (i32, i32) {
    %c0_i32 = arith.constant 0 : i32
    %c0_i32_0 = arith.constant 0 : i32
    %c0_i32_1 = arith.constant 0 : i32
    return %c0_i32, %c0_i32_0 : i32, i32
  }
  func.func @transform_7(%arg0: i32) -> (i32, i32) {
    %c0_i32 = arith.constant 0 : i32
    %c0_i32_0 = arith.constant 0 : i32
    %c0_i32_1 = arith.constant 0 : i32
    return %c0_i32, %c0_i32_0 : i32, i32
  }
  func.func @transform_8(%arg0: i32) -> (i32, i32) {
    %c0_i32 = arith.constant 0 : i32
    %c0_i32_0 = arith.constant 0 : i32
    %c0_i32_1 = arith.constant 0 : i32
    return %c0_i32, %c0_i32_0 : i32, i32
  }
  func.func @transform_9(%arg0: i32) -> (i32, i32) {
    %c0_i32 = arith.constant 0 : i32
    %c0_i32_0 = arith.constant 0 : i32
    %c0_i32_1 = arith.constant 0 : i32
    return %c0_i32, %c0_i32_0 : i32, i32
  }
  func.func @transform_10(%arg0: i32) -> (i32, i32) {
    %c0_i32 = arith.constant 0 : i32
    %c0_i32_0 = arith.constant 0 : i32
    return %arg0, %c0_i32 : i32, i32
  }
  func.func @transform_11(%arg0: i32) -> (i32, i32) {
    %c0_i32 = arith.constant 0 : i32
    %c0_i32_0 = arith.constant 0 : i32
    return %arg0, %c0_i32 : i32, i32
  }
  func.func @transform_12(%arg0: i32) -> (i32, i32) {
    %c0_i32 = arith.constant 0 : i32
    %c0_i32_0 = arith.constant 0 : i32
    return %arg0, %c0_i32 : i32, i32
  }
}

module attributes {stable_mosaic.version = 14 : i64} {
  func.func @_p4_body(%arg0: i32, %arg1: memref<3128x16xf32, #tpu.memory_space<vmem>>, %arg2: memref<3128x16xf32, #tpu.memory_space<vmem>>, %arg3: memref<3128x1xf32, #tpu.memory_space<vmem>>, %arg4: memref<3128x1xf32, #tpu.memory_space<vmem>>, %arg5: memref<1x16xf32, #tpu.memory_space<vmem>>, %arg6: memref<1x16xf32, #tpu.memory_space<vmem>>, %arg7: memref<16x16xf32, #tpu.memory_space<vmem>>, %arg8: memref<16x16xf32, #tpu.memory_space<vmem>>, %arg9: memref<3128x16xf32, #tpu.memory_space<vmem>>, %arg10: memref<3128x16xf32, #tpu.memory_space<vmem>>) attributes {dimension_semantics = [#tpu.dimension_semantics<arbitrary>], iteration_bounds = array<i64: 16>, scalar_prefetch = 0 : i64, scratch_operands = 0 : i64, tpu.core_type = #tpu.core_type<tc>, window_params = [{transform_indices = @transform_0, window_bounds = array<i64: 3128, 16>}, {transform_indices = @transform_1, window_bounds = array<i64: 3128, 16>}, {transform_indices = @transform_2, window_bounds = array<i64: 3128, 1>}, {transform_indices = @transform_3, window_bounds = array<i64: 3128, 1>}, {pipeline_mode = #tpu.pipeline_mode<synchronous>, transform_indices = @transform_4, window_bounds = array<i64: 1, 16>}, {pipeline_mode = #tpu.pipeline_mode<synchronous>, transform_indices = @transform_5, window_bounds = array<i64: 1, 16>}, {pipeline_mode = #tpu.pipeline_mode<synchronous>, transform_indices = @transform_6, window_bounds = array<i64: 16, 16>}, {pipeline_mode = #tpu.pipeline_mode<synchronous>, transform_indices = @transform_7, window_bounds = array<i64: 16, 16>}, {transform_indices = @transform_8, window_bounds = array<i64: 3128, 16>}, {transform_indices = @transform_9, window_bounds = array<i64: 3128, 16>}]} {
    %get3A = arith.constant 0 : index
    %get3A_0 = arith.constant 0 : index
    %get3A_1 = vector.load %arg1[%get3A, %get3A_0] : memref<3128x16xf32, #tpu.memory_space<vmem>>, vector<3128x16xf32>
    %get3A_2 = arith.constant 0 : index
    %get3A_3 = arith.constant 0 : index
    %get3A_4 = vector.load %arg2[%get3A_2, %get3A_3] : memref<3128x16xf32, #tpu.memory_space<vmem>>, vector<3128x16xf32>
    %add3A = arith.addf %get3A_1, %get3A_4 : vector<3128x16xf32>
    %get3A_5 = arith.constant 0 : index
    %get3A_6 = arith.constant 0 : index
    %get3A_7 = vector.load %arg3[%get3A_5, %get3A_6] : memref<3128x1xf32, #tpu.memory_space<vmem>>, vector<3128x1xf32>
    %get3A_8 = arith.constant 0 : index
    %get3A_9 = arith.constant 0 : index
    %get3A_10 = vector.load %arg4[%get3A_8, %get3A_9] : memref<3128x1xf32, #tpu.memory_space<vmem>>, vector<3128x1xf32>
    %add3A_11 = arith.addf %get3A_7, %get3A_10 : vector<3128x1xf32>
    %add3A_12 = arith.constant 1.000000e-16 : f32
    %add3A_13 = vector.broadcast %add3A_12 : f32 to vector<3128x1xf32>
    %add3A_14 = arith.addf %add3A_11, %add3A_13 : vector<3128x1xf32>
    %div3A = vector.broadcast %add3A_14 : vector<3128x1xf32> to vector<3128x16xf32>
    %div3A_15 = arith.divf %add3A, %div3A : vector<3128x16xf32>
    %get3A_16 = arith.constant 0 : index
    %get3A_17 = arith.constant 0 : index
    %get3A_18 = vector.load %arg5[%get3A_16, %get3A_17] : memref<1x16xf32, #tpu.memory_space<vmem>>, vector<1x16xf32>
    %add3A_19 = vector.broadcast %get3A_18 : vector<1x16xf32> to vector<3128x16xf32>
    %add3A_20 = arith.addf %div3A_15, %add3A_19 : vector<3128x16xf32>
    %gt3A = arith.constant 0.000000e+00 : f32
    %gt3A_21 = vector.broadcast %gt3A : f32 to vector<3128x16xf32>
    %gt3A_22 = arith.cmpf ogt, %add3A_20, %gt3A_21 : vector<3128x16xf32>
    %min3A = arith.constant 0.000000e+00 : f32
    %min3A_23 = vector.broadcast %min3A : f32 to vector<3128x16xf32>
    %min3A_24 = arith.minimumf %add3A_20, %min3A_23 : vector<3128x16xf32>
    %exp3A = math.exp %min3A_24 : vector<3128x16xf32>
    %sub3A = arith.constant 1.000000e+00 : f32
    %sub3A_25 = vector.broadcast %sub3A : f32 to vector<3128x16xf32>
    %sub3A_26 = arith.subf %exp3A, %sub3A_25 : vector<3128x16xf32>
    %select_n3A = arith.select %gt3A_22, %add3A_20, %sub3A_26 : vector<3128x16xi1>, vector<3128x16xf32>
    %get3A_27 = arith.constant 0 : index
    %get3A_28 = arith.constant 0 : index
    %get3A_29 = vector.load %arg7[%get3A_27, %get3A_28] : memref<16x16xf32, #tpu.memory_space<vmem>>, vector<16x16xf32>
    %dot_general3A = arith.constant dense<0.000000e+00> : vector<3128x16xf32>
    %dot_general3A_30 = tpu.matmul %select_n3A, %get3A_29, %dot_general3A {dimension_numbers = #tpu.dot_dimension_numbers<[1], [0], [0], [1], [0, 0, 1, 1], [], []>, transpose_lhs_hint = false} : vector<3128x16xf32>, vector<16x16xf32>, vector<3128x16xf32> -> vector<3128x16xf32>
    %get3A_31 = arith.constant 0 : index
    %get3A_32 = arith.constant 0 : index
    %get3A_33 = vector.load %arg6[%get3A_31, %get3A_32] : memref<1x16xf32, #tpu.memory_space<vmem>>, vector<1x16xf32>
    %add3A_34 = vector.broadcast %get3A_33 : vector<1x16xf32> to vector<3128x16xf32>
    %add3A_35 = arith.addf %dot_general3A_30, %add3A_34 : vector<3128x16xf32>
    %swap3A = arith.constant 0 : index
    %swap3A_36 = arith.constant 0 : index
    %swap3A_37 = vector.load %arg9[%swap3A, %swap3A_36] : memref<3128x16xf32, #tpu.memory_space<vmem>>, vector<3128x16xf32>
    tpu.vector_store %arg9[%swap3A, %swap3A_36], %add3A_35 {strides = array<i32>} : memref<3128x16xf32, #tpu.memory_space<vmem>>, vector<3128x16xf32>,
    %get3A_38 = arith.constant 0 : index
    %get3A_39 = arith.constant 0 : index
    %get3A_40 = vector.load %arg8[%get3A_38, %get3A_39] : memref<16x16xf32, #tpu.memory_space<vmem>>, vector<16x16xf32>
    %dot_general3A_41 = arith.constant dense<0.000000e+00> : vector<3128x16xf32>
    %dot_general3A_42 = tpu.matmul %select_n3A, %get3A_40, %dot_general3A_41 {dimension_numbers = #tpu.dot_dimension_numbers<[1], [0], [0], [1], [0, 0, 1, 1], [], []>, transpose_lhs_hint = false} : vector<3128x16xf32>, vector<16x16xf32>, vector<3128x16xf32> -> vector<3128x16xf32>
    %swap3A_43 = arith.constant 0 : index
    %swap3A_44 = arith.constant 0 : index
    %swap3A_45 = vector.load %arg10[%swap3A_43, %swap3A_44] : memref<3128x16xf32, #tpu.memory_space<vmem>>, vector<3128x16xf32>
    tpu.vector_store %arg10[%swap3A_43, %swap3A_44], %dot_general3A_42 {strides = array<i32>} : memref<3128x16xf32, #tpu.memory_space<vmem>>, vector<3128x16xf32>,
    return
  }
  func.func @transform_0(%arg0: i32) -> (i32, i32) {
    %c0_i32 = arith.constant 0 : i32
    %c0_i32_0 = arith.constant 0 : i32
    return %arg0, %c0_i32 : i32, i32
  }
  func.func @transform_1(%arg0: i32) -> (i32, i32) {
    %c0_i32 = arith.constant 0 : i32
    %c0_i32_0 = arith.constant 0 : i32
    return %arg0, %c0_i32 : i32, i32
  }
  func.func @transform_2(%arg0: i32) -> (i32, i32) {
    %c0_i32 = arith.constant 0 : i32
    %c0_i32_0 = arith.constant 0 : i32
    return %arg0, %c0_i32 : i32, i32
  }
  func.func @transform_3(%arg0: i32) -> (i32, i32) {
    %c0_i32 = arith.constant 0 : i32
    %c0_i32_0 = arith.constant 0 : i32
    return %arg0, %c0_i32 : i32, i32
  }
  func.func @transform_4(%arg0: i32) -> (i32, i32) {
    %c0_i32 = arith.constant 0 : i32
    %c0_i32_0 = arith.constant 0 : i32
    %c0_i32_1 = arith.constant 0 : i32
    return %c0_i32, %c0_i32_0 : i32, i32
  }
  func.func @transform_5(%arg0: i32) -> (i32, i32) {
    %c0_i32 = arith.constant 0 : i32
    %c0_i32_0 = arith.constant 0 : i32
    %c0_i32_1 = arith.constant 0 : i32
    return %c0_i32, %c0_i32_0 : i32, i32
  }
  func.func @transform_6(%arg0: i32) -> (i32, i32) {
    %c0_i32 = arith.constant 0 : i32
    %c0_i32_0 = arith.constant 0 : i32
    %c0_i32_1 = arith.constant 0 : i32
    return %c0_i32, %c0_i32_0 : i32, i32
  }
  func.func @transform_7(%arg0: i32) -> (i32, i32) {
    %c0_i32 = arith.constant 0 : i32
    %c0_i32_0 = arith.constant 0 : i32
    %c0_i32_1 = arith.constant 0 : i32
    return %c0_i32, %c0_i32_0 : i32, i32
  }
  func.func @transform_8(%arg0: i32) -> (i32, i32) {
    %c0_i32 = arith.constant 0 : i32
    %c0_i32_0 = arith.constant 0 : i32
    return %arg0, %c0_i32 : i32, i32
  }
  func.func @transform_9(%arg0: i32) -> (i32, i32) {
    %c0_i32 = arith.constant 0 : i32
    %c0_i32_0 = arith.constant 0 : i32
    return %arg0, %c0_i32 : i32, i32
  }
}

module attributes {stable_mosaic.version = 14 : i64} {
  func.func @_mlp_body(%arg0: i32, %arg1: memref<8000x16xf32, #tpu.memory_space<vmem>>, %arg2: memref<16x3xf32, #tpu.memory_space<vmem>>, %arg3: memref<1x3xf32, #tpu.memory_space<vmem>>, %arg4: memref<8000x3xf32, #tpu.memory_space<vmem>>) attributes {dimension_semantics = [#tpu.dimension_semantics<arbitrary>], iteration_bounds = array<i64: 100>, scalar_prefetch = 0 : i64, scratch_operands = 0 : i64, tpu.core_type = #tpu.core_type<tc>, window_params = [{transform_indices = @transform_0, window_bounds = array<i64: 8000, 16>}, {pipeline_mode = #tpu.pipeline_mode<synchronous>, transform_indices = @transform_1, window_bounds = array<i64: 16, 3>}, {pipeline_mode = #tpu.pipeline_mode<synchronous>, transform_indices = @transform_2, window_bounds = array<i64: 1, 3>}, {transform_indices = @transform_3, window_bounds = array<i64: 8000, 3>}]} {
    %get3A = arith.constant 0 : index
    %get3A_0 = arith.constant 0 : index
    %get3A_1 = vector.load %arg1[%get3A, %get3A_0] : memref<8000x16xf32, #tpu.memory_space<vmem>>, vector<8000x16xf32>
    %get3A_2 = arith.constant 0 : index
    %get3A_3 = arith.constant 0 : index
    %get3A_4 = vector.load %arg2[%get3A_2, %get3A_3] : memref<16x3xf32, #tpu.memory_space<vmem>>, vector<16x3xf32>
    %dot_general3A = arith.constant dense<0.000000e+00> : vector<8000x3xf32>
    %dot_general3A_5 = tpu.matmul %get3A_1, %get3A_4, %dot_general3A {dimension_numbers = #tpu.dot_dimension_numbers<[1], [0], [0], [1], [0, 0, 1, 1], [], []>, transpose_lhs_hint = false} : vector<8000x16xf32>, vector<16x3xf32>, vector<8000x3xf32> -> vector<8000x3xf32>
    %get3A_6 = arith.constant 0 : index
    %get3A_7 = arith.constant 0 : index
    %get3A_8 = vector.load %arg3[%get3A_6, %get3A_7] : memref<1x3xf32, #tpu.memory_space<vmem>>, vector<1x3xf32>
    %add3A = vector.broadcast %get3A_8 : vector<1x3xf32> to vector<8000x3xf32>
    %add3A_9 = arith.addf %dot_general3A_5, %add3A : vector<8000x3xf32>
    %swap3A = arith.constant 0 : index
    %swap3A_10 = arith.constant 0 : index
    %swap3A_11 = vector.load %arg4[%swap3A, %swap3A_10] : memref<8000x3xf32, #tpu.memory_space<vmem>>, vector<8000x3xf32>
    tpu.vector_store %arg4[%swap3A, %swap3A_10], %add3A_9 {strides = array<i32>} : memref<8000x3xf32, #tpu.memory_space<vmem>>, vector<8000x3xf32>,
    return
  }
  func.func @transform_0(%arg0: i32) -> (i32, i32) {
    %c0_i32 = arith.constant 0 : i32
    %c0_i32_0 = arith.constant 0 : i32
    return %arg0, %c0_i32 : i32, i32
  }
  func.func @transform_1(%arg0: i32) -> (i32, i32) {
    %c0_i32 = arith.constant 0 : i32
    %c0_i32_0 = arith.constant 0 : i32
    %c0_i32_1 = arith.constant 0 : i32
    return %c0_i32, %c0_i32_0 : i32, i32
  }
  func.func @transform_2(%arg0: i32) -> (i32, i32) {
    %c0_i32 = arith.constant 0 : i32
    %c0_i32_0 = arith.constant 0 : i32
    %c0_i32_1 = arith.constant 0 : i32
    return %c0_i32, %c0_i32_0 : i32, i32
  }
  func.func @transform_3(%arg0: i32) -> (i32, i32) {
    %c0_i32 = arith.constant 0 : i32
    %c0_i32_0 = arith.constant 0 : i32
    return %arg0, %c0_i32 : i32, i32
  }
}

</mosaic_0001>

<sc_bundles>
// kernel: kernel.11.cloned.1.call-start
scs
__scs_entry_jumppad:
0x0: {  	(pc) =	sbr.rel $0x88, $3  }
0x1: {  	(tag) =	ssettag $0x0;
	lr =	simm.s32 $0x1  }
0x2: {  	[smem:$0x3F8B] =	sst lr;
	_ =	strace $0xD0000000  }
0x3: {  	_ = 	snop  }
0x4: {  	_ = 	snop  }
0x5: {  	_ = 	snop  }
0x6: {  	_ = 	snop  }
0x7: {  	_ = 	snop  }
__scs_overlays_trampoline_lowered:
0x8: {  	[smem:$0x3F9A] =	sst s0  }
0x9: {  	[smem:$0x3F9B] =	sst s1  }
0xa: {  	[smem:$0x3F9C] =	sst s2  }
0xb: {  	[smem:$0x3F9D] =	sst s3  }
0xc: {  	[smem:$0x3F9E] =	sst s4  }
0xd: {  	[smem:$0x3F9F] =	sst s5  }
0xe: {  	[smem:$0x3FA0] =	sst s6  }
0xf: {  	[smem:$0x3FA1] =	sst s7  }
0x10: {  	[smem:$0x3FA2] =	sst s8  }
0x11: {  	[smem:$0x3FA3] =	sst s9;
	s0 =	simm.s32 @!p0 $0x0  }
0x12: {  	s1 =	sld [smem:$0x3F89];
	s0 =	simm.s32 @p0 $0x1  }
0x13: {  	[smem:$0x3FA4] =	sst s0;
	s0 =	simm.s32 @!p1 $0x0  }
0x14: {  	s2 =	sld [smem:$0x3F88];
	s0 =	simm.s32 @p1 $0x1  }
0x15: {  	[smem:$0x3FA5] =	sst s0;
	s0 =	simm.s32 @!p2 $0x0  }
0x16: {  	s3 =	sld [smem:$0x3FDB];
	s0 =	simm.s32 @p2 $0x1  }
0x17: {  	s4 =	simm.s32 $0x1BF5;
	[smem:$0x3FA7] =	sst s0  }
0x18: {  	s0 =	sld [smem:$0x3F8A];
	_ =	swait.ge [sflag:s4], $0x0  }
0x19: {  	s7 =	sld [smem:$0x3F8B]  }
0x1a: {  	s8 =	sadd.s32 $0xFFFFE003, lr  }
0x1b: {  	s9 =	sadd.s32 $0xFFFFFEF7, lr;
	s5 =	simm.s32 $0xFFFFFFFF;
	p2 =	slt.u32 s8, $0xFFFFF086  }
0x1c: {  	p1 =	slt.u32 s9, $0xF7A;
	s5 =	simm.s32 @!p2 $0x0  }
0x1d: {  	s5 =	simm.s32 @p1 $0x1;
	p0 =	seq.s32 s7, s2  }
0x1e: {  	s7 =	smul.u32 @!p0 $0xF7A, s2;
	p2 =	seq.s32 @!p0 s5, $0x0  }
0x1f: {  	s9 =	smul.u32 $0xF7A, s1;
	s8 =	simm.s32 @!p0 $0x1BF5;
	p2 =	por !p2, p0  }
0x20: {  	[sflag:s8] =	ssyncset.s32 @!p0 $0xFFFFF086;
	s6 =	sadd.s32 @!p0 s3, s7;
	s7 =	simm.s32 @!p0 $0x108  }
0x21: {  	s3 =	sadd.s32 s3, s9;
	s6 =	sadd.s32 @!p0 $0x88, s6;
	s7 =	simm.s32 @p2 $0x1082  }
0x22: {  	[simem:s7], [sflag:s8] =	dma.local @!p0 [hbm:s6], $0xF7A  }
0x23: {  	s9 =	sor.u32 $0xD0000000, s2;
	s6 =	simm.s32 $0x108;
	_ =	swait.ge @!p0 [sflag:s8], $0x0  }
0x24: {  	s3 =	sadd.s32 $0x88, s3;
	s6 =	simm.s32 @!p1 $0x1082;
	[sflag:s4] =	ssyncset.s32 $0xFFFFF086  }
0x25: {  	[simem:s6], [sflag:s4] =	dma.local [hbm:s3], $0xF7A  }
0x26: {  	[smem:$0x3F8B] =	sst s1;
	(tag) =	ssettag s2;
	_ =	strace s9  }
0x27: {  	s1 =	sld [smem:$0x3F9B]  }
0x28: {  	s2 =	sld [smem:$0x3F9C]  }
0x29: {  	s4 =	sld [smem:$0x3F9E]  }
0x2a: {  	p0 =	seq.s32 s5, $0x0;
	s5 =	sld [smem:$0x3F9F]  }
0x2b: {  	s6 =	sld [smem:$0x3FA0]  }
0x2c: {  	s7 =	sld [smem:$0x3FA1]  }
0x2d: {  	s3 =	simm.s32 $0x108;
	s8 =	sld [smem:$0x3FA2]  }
0x2e: {  	s3 =	simm.s32 @!p0 $0x1082;
	s9 =	sld [smem:$0x3FA3]  }
0x2f: {  	lr =	sadd.s32 s0, s3;
	s0 =	sld [smem:$0x3F9A]  }
0x30: {  	s3 =	sld [smem:$0x3F9D]  }
0x31: {  	[smem:$0x3FA6] =	sst s10  }
0x32: {  	s10 =	sld [smem:$0x3FA4];
	_ =	sdelay $0x3  }
0x33: {  	p0 =	seq.s32 s10, $0x1;
	s10 =	sld [smem:$0x3FA6];
	_ =	sdelay $0x3  }
0x34: {  	[smem:$0x3FA6] =	sst s10  }
0x35: {  	s10 =	sld [smem:$0x3FA5];
	_ =	sdelay $0x3  }
0x36: {  	p1 =	seq.s32 s10, $0x1;
	s10 =	sld [smem:$0x3FA6];
	_ =	sdelay $0x3  }
0x37: {  	[smem:$0x3FA6] =	sst s10  }
0x38: {  	s10 =	sld [smem:$0x3FA7]  }
0x39: {  	_ = 	snop;
	(pc) =	sbr.ind lr, $3  }
0x3a: {  	_ = 	snop  }
0x3b: {  	_ = 	snop  }
0x3c: {  	p2 =	seq.s32 s10, $0x1;
	s10 =	sld [smem:$0x3FA6]  }
0x3d: {  	_ =	shalt  }
0x3e: {  	_ =	shalt  }
0x3f: {  	_ =	shalt  }
0x40: {  	_ =	shalt  }
0x41: {  	_ =	shalt  }
0x42: {  	_ =	shalt  }
0x43: {  	_ =	shalt  }
0x44: {  	_ =	shalt  }
0x45: {  	_ =	shalt  }
0x46: {  	_ =	shalt  }
0x47: {  	_ =	shalt  }
0x48: {  	_ =	shalt  }
0x49: {  	_ =	shalt  }
0x4a: {  	_ =	shalt  }
0x4b: {  	_ =	shalt  }
0x4c: {  	_ =	shalt  }
0x4d: {  	_ =	shalt  }
0x4e: {  	_ =	shalt  }
0x4f: {  	_ =	shalt  }
0x50: {  	_ =	shalt  }
0x51: {  	_ =	shalt  }
0x52: {  	_ =	shalt  }
0x53: {  	_ =	shalt  }
0x54: {  	_ =	shalt  }
0x55: {  	_ =	shalt  }
0x56: {  	_ =	shalt  }
0x57: {  	_ =	shalt  }
0x58: {  	_ =	shalt  }
0x59: {  	_ =	shalt  }
0x5a: {  	_ =	shalt  }
0x5b: {  	_ =	shalt  }
0x5c: {  	_ =	shalt  }
0x5d: {  	_ =	shalt  }
0x5e: {  	_ =	shalt  }
0x5f: {  	_ =	shalt  }
0x60: {  	_ =	shalt  }
0x61: {  	_ =	shalt  }
0x62: {  	_ =	shalt  }
0x63: {  	_ =	shalt  }
0x64: {  	_ =	shalt  }
0x65: {  	_ =	shalt  }
0x66: {  	_ =	shalt  }
0x67: {  	_ =	shalt  }
0x68: {  	_ =	shalt  }
0x69: {  	_ =	shalt  }
0x6a: {  	_ =	shalt  }
0x6b: {  	_ =	shalt  }
0x6c: {  	_ =	shalt  }
0x6d: {  	_ =	shalt  }
0x6e: {  	_ =	shalt  }
0x6f: {  	_ =	shalt  }
0x70: {  	_ =	shalt  }
0x71: {  	_ =	shalt  }
0x72: {  	_ =	shalt  }
0x73: {  	_ =	shalt  }
0x74: {  	_ =	shalt  }
0x75: {  	_ =	shalt  }
0x76: {  	_ =	shalt  }
0x77: {  	_ =	shalt  }
0x78: {  	_ =	shalt  }
0x79: {  	_ =	shalt  }
0x7a: {  	_ =	shalt  }
0x7b: {  	_ =	shalt  }
0x7c: {  	_ =	shalt  }
0x7d: {  	_ =	shalt  }
0x7e: {  	_ =	shalt  }
0x7f: {  	_ =	shalt  }
0x80: {  	_ =	shalt  }
0x81: {  	_ =	shalt  }
0x82: {  	_ =	shalt  }
0x83: {  	_ =	shalt  }
0x84: {  	_ =	shalt  }
0x85: {  	_ =	shalt  }
0x86: {  	_ =	shalt  }
0x87: {  	_ =	shalt  }
.Lfunc_end0:
.L_simem_size_0:
called_computation.1_lowered:
.L_overlay_start_0:
0x88: {  	s2 =	sld [smem:$0x3FD9]  }
0x89: {  	s3 =	sld [smem:$0x3FFE];
	_ =	sdelay $0x1  }
0x8a: {  	s1 =	srdreg.scid  }
0x8b: {  	s0 =	sand.u32 $0x1, s1  }
0x8c: {  	s17 =	sshll.u32 s0, $0xA;
	s2 =	sadd.s32 s3, s2  }
0x8d: {  	s2 =	sadd.s32 s2, s17  }
0x8e: {  	[smem:$0x3FB2] =	sst s2  }
0x8f: {  	_ = 	snop  }
0x90: {  	s2 =	sld [smem:$0x3FD0];
	(tm) =	ssettm $0x1  }
0x91: {  	s18 =	sld [smem:$0x3FFB];
	_ =	sdelay $0x3  }
0x92: {  	_ =	strace s18  }
0x93: {  	s3 =	sld [smem:$0x3FFC];
	_ =	sdelay $0x3  }
0x94: {  	_ =	strace s3  }
0x95: {  	s3 =	sld [smem:$0x3FFD];
	_ =	sdelay $0x3  }
0x96: {  	_ =	strace s3  }
0x97: {  	_ =	strace $0x8FFFFFFF  }
0x98: {  	s19 =	sld [smem:$0x3FDB];
	_ =	sdelay $0x1  }
0x99: {  	s4 =	simm.s32 $_scs_section_size  }
0x9a: {  	s5 =	simm.s32 $_size__tile_overlayer_lowered;
	s6 =	simm.s32 $_tile_overlayer_lowered  }
0x9b: {  	s22 =	simm.s32 $0x1BFF;
	s21 =	sshll.u32 s6, $0x1;
	s3 =	sadd.s32 s4, s19  }
0x9c: {  	s7 =	simm.s32 $0x0;
	s20 =	sshll.u32 s5, $0x1;
	s5 =	sadd.s32 s21, s3  }
0x9d: {  	[timem:s7], [sflag:s22] =	dma.local [hbm:s5], s20  }
0x9e: {  	_ =	swait.ge [sflag:s22], s20  }
0x9f: {  	s4 =	ssub.s32 $0x0, s20;
	[sflag:s22] =	ssyncset.done $0x0  }
0xa0: {  	[sflag:s22] =	ssyncadd.s32 s4;
	_ =	sdelay $0x1  }
0xa1: {  	s23 =	simm.s32 $0x1B8B  }
0xa2: {  	_ =	swait.ge [sflag:s23], $0x1  }
0xa3: {  	[sflag:s23] =	ssyncset.done $0x0  }
0xa4: {  	s25 =	simm.s32 $0x1B8E;
	s24 =	sld [smem:$0x3FFE];
	[sflag:s23] =	ssyncadd.s32 $0xFFFFFFFF  }
0xa5: {  	s26 =	simm.s32 $execute0_lowered;
	[smem:$0x3FD2] =	sst s25  }
0xa6: {  	s5 =	sshll.u32 s26, $0x1;
	_ =	strace $0x80000049;
	[dreg:$0x1] =	wrdreg $0xFFFFFFFF  }
0xa7: {  	s28 =	simm.s32 $_size_execute0_lowered;
	s3 =	sadd.s32 s3, s5;
	[dreg:$0x0] =	wrdreg $0x0  }
0xa8: {  	s5 =	sshll.u32 s28, $0x1;
	[dreg:$0x2] =	wrdreg s3  }
0xa9: {  	[dreg:$0x3] =	wrdreg s5  }
0xaa: {  	[dreg:$0x4] =	wrdreg $0xC0  }
0xab: {  	_ =	task [dreg:s7], $0x5FFFF  }
0xac: {  	[dreg:$0x1] =	wrdreg $0xFFFFFFFF  }
0xad: {  	[dreg:$0x0] =	wrdreg $0x60  }
0xae: {  	[dreg:$0x2] =	wrdreg s24  }
0xaf: {  	[dreg:$0x3] =	wrdreg s2  }
0xb0: {  	[dreg:$0x4] =	wrdreg $0xBAC00  }
0xb1: {  	[dreg:$0x5] =	wrdreg $0x17E400  }
0xb2: {  	[dreg:$0x6] =	wrdreg $0x9  }
0xb3: {  	_ =	task.clear_ibuf [dreg:s7], $0x7FFFF;
	_ =	strace $0x90000049  }
0xb4: {  	s29 =	simm.s32 $0x9;
	_ =	strace $0x8000004B  }
0xb5: {  	_ =	swait.ge [sflag:s29], $0x1  }
0xb6: {  	[sflag:s29] =	ssyncadd.s32 $0xFFFFFFFF  }
0xb7: {  	_ =	strace $0x9000004B  }
0xb8: {  	_ =	sfence  }
0xb9: {  	s30 =	sld [smem:$0x0];
	_ =	sdelay $0x2  }
0xba: {  	s31 =	sshll.u32 s1, $0xD;
	s1 =	sshrl.u32 s1, $0x2  }
0xbb: {  	s3 =	sand.u32 $0x4000, s31;
	s1 =	sadd.s32 s1, s30  }
0xbc: {  	s0 =	sor.u32 s3, s0;
	s1 =	sshll.u32 s1, $0x11  }
0xbd: {  	s0 =	sor.u32 s1, s0  }
0xbe: {  	s0 =	sadd.s32 $0x8F2B, s0  }
0xbf: {  	[sflag:s0] =	ssyncadd.remote.s32 $0x1  }
0xc0: {  	_ =	sfence.sel $0xFFFF  }
0xc1: {  	[dreg:$0x0] =	wrdreg $0xFFFFFFFF;
	(pc) =	sbr.abs _section_cstart, $3  }
0xc2: {  	[dreg:$0x1] =	wrdreg $0xFFFFFFFF  }
0xc3: {  	_ =	task.clear_ibuf [dreg:s7], $0x2FFFF;
	_ =	strace $0x9FFFFFFF  }
0xc4: {  	(tm) =	ssettm $0x7FFFFFFF  }
0xc5: {  	_ =	shalt  }
tec
execute0_lowered:
.L_overlay_start_1:
0x0: {  	(tag) =	ssettag $0x1  }
0x1: {  	s0 =	rddreg [dreg:$0x0]  }
0x2: {  	s1 =	rddreg [dreg:$0x1]  }
0x3: {  	s2 =	rddreg [dreg:$0x2]  }
0x4: {  	s3 =	rddreg [dreg:$0x3];
	s4 =	srdreg.scid;
	s5 =	simm.s32 $0x0  }
0x5: {  	s16 =	stileid.u32;
	s28 =	simm.s32 $0x4;
	s30 =	simm.s32 $0x2BC0  }
0x6: {  	s4 =	sand.u32 $0x1, s4;
	[smem:$0x7FF] =	sst s5;
	s14 =	smul.u32 $0xC380, s16  }
0x7: {  	s12 =	smul.u32 $0xC38, s16;
	s6 =	sadd.s32 $0x1CE00, s0;
	s7 =	sadd.s32 $0x3E00, s0  }
0x8: {  	s9 =	sadd.s32 $0x35E00, s0;
	s10 =	sadd.s32 $0x2000, s0;
	s8 =	smul.u32 $0xC3800, s4  }
0x9: {  	_ =	strace $0x8000004A;
	s11 =	smul.u32 $0xC380, s4;
	[dreg:$0x5] =	wrdreg s9  }
0xa: {  	s9 =	sadd.s32 $0x36000, s0;
	s26 =	ssub.s32 $0x2, s4;
	s4 =	sshll.u32 s4, $0x4  }
0xb: {  	s15 =	sshrl.u32 s26, $0x1;
	s4 =	sor.u32 s16, s4;
	s16 =	smul.u32 $0x30E00, s16  }
0xc: {  	s8 =	sadd.s32 s14, s8;
	s13 =	sadd.s32 s12, s11;
	s11 =	sadd.s32 $0x4E800, s0  }
0xd: {  	s15 =	ssub.s32 s26, s15;
	s14 =	sadd.s32 s14, s2;
	s8 =	sshrl.u32 s8, $0x3  }
0xe: {  	s13 =	sshrl.u32 s13, $0x3;
	s17 =	sshrl.u32 s16, $0x2;
	s18 =	smax.u32 s15, $0x1  }
0xf: {  	s26 =	sshrl.u32 s14, $0x3;
	s8 =	sadd.s32 s8, s0;
	[dreg:$0x8] =	wrdreg s18  }
0x10: {  	s0 =	sadd.s32 s13, s0;
	[dreg:$0x10] =	wrdreg s26;
	s8 =	sadd.s32 $0x53400, s8  }
0x11: {  	s17 =	sadd.s32 s17, s2;
	s0 =	sadd.s32 $0x50200, s0;
	[dreg:$0x6] =	wrdreg s8  }
0x12: {  	s31 =	simm.s32 $0x640;
	s19 =	sadd.s32 $0x1870, s17;
	[dreg:$0x7] =	wrdreg s0  }
0x13: {  	s29 =	simm.s32 $0x1;
	s20 =	sadd.s32 $0x30E0, s17;
	[dreg:$0x9] =	wrdreg s19  }
0x14: {  	s12 =	sadd.s32 s12, s3;
	s21 =	sadd.s32 $0x4950, s17;
	[dreg:$0xa] =	wrdreg s20  }
0x15: {  	s14 =	simm.s32 $0x8FD0;
	s22 =	sadd.s32 $0x61C0, s17;
	[dreg:$0xb] =	wrdreg s21  }
0x16: {  	s13 =	smul.u32 $0x6400, s4;
	s23 =	sadd.s32 $0x7A30, s17;
	[dreg:$0xc] =	wrdreg s22  }
0x17: {  	s26 =	simm.s32 $0x9610;
	s24 =	sadd.s32 $0x92A0, s17;
	[dreg:$0xd] =	wrdreg s23  }
0x18: {  	v0 =	vimm.f32 $0.0e+00;
	v1 =	vimm.s32 $0x4;
	v4 =	vlaneseq.u32;
	s4 =	simm.s32 $0x2;
	s25 =	sadd.s32 $0xAB10, s17;
	[dreg:$0xe] =	wrdreg s24  }
0x19: {  	v2 =	vimm.s32 $0x9;
	v3 =	vimm.s32 $0xE;
	v4 =	vmul.u32 $0x10, v4;
	[dreg:$0xf] =	wrdreg s25;
	s0 =	simm.s32 $0x2BD0;
	s8 =	simm.s32 $0x3  }
.LBB2_1:
0x1a: {  	s15 =	simm.s32 $0x0  }
.LBB2_2:
0x1b: {  	p0 =	sne.s32 s15, $0x6180  }
.Ltmp0:
0x1c: {  	_ = 	snop;
	(pc) =	sbr.rel @p0 .LBB2_2-.Ltmp0, $3  }
0x1d: {  	_ =	sdelay $0x1  }
0x1e: {  	s16 =	sshra.s32 s15, $0x2  }
0x1f: {  	s15 =	sadd.s32 $0x40, s15;
	[tilespmem:s16+$0x9610] =	vst v0  }
0x20: {  	s15 =	simm.s32 $0x40;
	s16 =	simm.s32 $0x0  }
.LBB2_4:
0x21: {  	p0 =	sne.s32 s15, $0x30C0;
	[tilespmem:s16+$0xAE80] =	vst v0;
	s16 =	smov.u32 s15;
	s15 =	sadd.s32 $0x40, s15  }
.Ltmp1:
0x22: {  	(pc) =	sbr.rel @p0 .LBB2_4-.Ltmp1, $2  }
0x23: {  	_ =	sdelay $0x2  }
0x24: {  	s16 =	sshra.s32 s16, $0x2  }
0x25: {  	[tilespmem:s16+$0xAE80] =	vst v0  }
0x26: {  	[spmem:s17] =	stream.linear.scatter [tilespmem:s26], [sflag:$0x4], $0x1870, $0x38;
	[tilespmem:$0x18A78] =	vst v63  }
0x27: {  	_ =	swait.ge [sflag:s28], $0x1870  }
0x28: {  	[sflag:s28] =	ssyncset.done $0x0  }
0x29: {  	s15 =	rddreg [dreg:$0x9];
	[sflag:s28] =	ssyncadd.s32 $0xFFFFE790  }
0x2a: {  	[spmem:s15] =	stream.linear.scatter [tilespmem:s26], [sflag:$0x4], $0x1870, $0x38;
	[tilespmem:$0x18A78] =	vst v63  }
0x2b: {  	_ =	swait.ge [sflag:s28], $0x1870  }
0x2c: {  	[sflag:s28] =	ssyncset.done $0x0  }
0x2d: {  	s18 =	rddreg [dreg:$0xa];
	[sflag:s28] =	ssyncadd.s32 $0xFFFFE790  }
0x2e: {  	[spmem:s18] =	stream.linear.scatter [tilespmem:s26], [sflag:$0x4], $0x1870, $0x38;
	[tilespmem:$0x18A78] =	vst v63  }
0x2f: {  	_ =	swait.ge [sflag:s28], $0x1870  }
0x30: {  	[sflag:s28] =	ssyncset.done $0x0  }
0x31: {  	s19 =	rddreg [dreg:$0xb];
	[sflag:s28] =	ssyncadd.s32 $0xFFFFE790  }
0x32: {  	[spmem:s19] =	stream.linear.scatter [tilespmem:s26], [sflag:$0x4], $0x1870, $0x38;
	[tilespmem:$0x18A78] =	vst v63  }
0x33: {  	_ =	swait.ge [sflag:s28], $0x1870  }
0x34: {  	[sflag:s28] =	ssyncset.done $0x0  }
0x35: {  	s20 =	rddreg [dreg:$0xc];
	[sflag:s28] =	ssyncadd.s32 $0xFFFFE790  }
0x36: {  	[spmem:s20] =	stream.linear.scatter [tilespmem:s26], [sflag:$0x4], $0x1870, $0x38;
	[tilespmem:$0x18A78] =	vst v63  }
0x37: {  	_ =	swait.ge [sflag:s28], $0x1870  }
0x38: {  	[sflag:s28] =	ssyncset.done $0x0  }
0x39: {  	s21 =	rddreg [dreg:$0xd];
	[sflag:s28] =	ssyncadd.s32 $0xFFFFE790  }
0x3a: {  	[spmem:s21] =	stream.linear.scatter [tilespmem:s26], [sflag:$0x4], $0x1870, $0x38;
	[tilespmem:$0x18A78] =	vst v63  }
0x3b: {  	_ =	swait.ge [sflag:s28], $0x1870  }
0x3c: {  	[sflag:s28] =	ssyncset.done $0x0  }
0x3d: {  	s22 =	rddreg [dreg:$0xe];
	[sflag:s28] =	ssyncadd.s32 $0xFFFFE790  }
0x3e: {  	[spmem:s22] =	stream.linear.scatter [tilespmem:s26], [sflag:$0x4], $0x1870, $0x38;
	[tilespmem:$0x18A78] =	vst v63  }
0x3f: {  	_ =	swait.ge [sflag:s28], $0x1870  }
0x40: {  	[sflag:s28] =	ssyncset.done $0x0  }
0x41: {  	s23 =	rddreg [dreg:$0xf];
	[sflag:s28] =	ssyncadd.s32 $0xFFFFE790  }
0x42: {  	[spmem:s23] =	stream.linear.scatter [tilespmem:s26], [sflag:$0x4], $0x1870, $0x38;
	[tilespmem:$0x18A78] =	vst v63  }
0x43: {  	_ =	swait.ge [sflag:s28], $0x1870  }
0x44: {  	[sflag:s28] =	ssyncset.done $0x0  }
0x45: {  	s24 =	simm.s32 $0xAE80;
	[sflag:s28] =	ssyncadd.s32 $0xFFFFE790  }
0x46: {  	[spmem:s12] =	stream.linear.scatter [tilespmem:s24], [sflag:$0x4], $0xC38, $0x38;
	[tilespmem:$0x18A78] =	vst v63  }
0x47: {  	_ =	swait.ge [sflag:s28], $0xC38  }
0x48: {  	[sflag:s28] =	ssyncset.done $0x0  }
0x49: {  	s15 =	simm.s32 $0x0;
	s25 =	rddreg [dreg:$0x5];
	[sflag:s28] =	ssyncadd.s32 $0xFFFFF3C8  }
0x4a: {  	[tilespmem:s30], [sflag:$0x4] =	stream.linear.gather [hbm4b:s25+s15], $0x10, $0x38;
	[tilespmem:$0x18A78] =	vst v63  }
0x4b: {  	_ =	swait.ge [sflag:s28], $0x10  }
0x4c: {  	[sflag:s28] =	ssyncset.done $0x0  }
0x4d: {  	[sflag:s28] =	ssyncadd.s32 $0xFFFFFFF0  }
0x4e: {  	v5 =	vld.idx.msk [tilespmem:v1+s30+$0x0], $0xffff  }
0x4f: {  	v6 =	vld.idx.msk [tilespmem:v2+s30+$0x0], $0xffff  }
0x50: {  	s16 =	simm.s32 $0x0;
	v7 =	vld.idx.msk [tilespmem:v3+s30+$0x0], $0xffff;
	[bflag:$0x0] =	sbarrier.arrive $0xFFFF  }
.LBB2_6:
0x51: {  	s18 =	smul.u32 $0x640, s16;
	_ =	sdelay $0x1  }
0x52: {  	s18 =	sadd.s32 s13, s18  }
0x53: {  	s18 =	sshrl.u32 s18, $0x3  }
0x54: {  	s19 =	sadd.s32 s6, s18  }
0x55: {  	[tilespmem:s15], [sflag:$0x4] =	stream.linear.gather [hbm4b:s19+s15], $0x640, $0x38;
	[tilespmem:$0x18A78] =	vst v63  }
0x56: {  	_ =	swait.ge [sflag:s28], $0x640  }
0x57: {  	[sflag:s28] =	ssyncset.done $0x0  }
0x58: {  	s23 =	sadd.s32 s7, s18;
	[sflag:s28] =	ssyncadd.s32 $0xFFFFF9C0  }
0x59: {  	[tilespmem:s31], [sflag:$0x4] =	stream.linear.gather [hbm4b:s23+s15], $0x640, $0x38;
	[tilespmem:$0x18A78] =	vst v63  }
0x5a: {  	_ =	swait.ge [sflag:s28], $0x640  }
0x5b: {  	[sflag:s28] =	ssyncset.done $0x0  }
0x5c: {  	s21 =	simm.s32 $0xC80;
	[sflag:s28] =	ssyncadd.s32 $0xFFFFF9C0  }
0x5d: {  	[tilespmem:s21], [sflag:$0x1] =	stream.indirect.gather [hbm4b:s10+s31], $0x1, s15, s31, $0xb8;
	[tilespmem:$0x18A78] =	vst v63  }
0x5e: {  	s22 =	simm.s32 $0x12C0  }
0x5f: {  	[tilespmem:s22], [sflag:$0x2] =	stream.indirect.gather [hbm4b:s11+s31], $0x1, s31, s31, $0xb8;
	[tilespmem:$0x18A78] =	vst v63  }
0x60: {  	_ = 	snop  }
0x61: {  	[tilespmem:s0], [sflag:$0x3] =	stream.indirect.gather [hbm4b:s9+s31], $0x10, s15, s31, $0xb8;
	[tilespmem:$0x18A78] =	vst v63  }
0x62: {  	s20 =	sadd.s32 s1, s18;
	s18 =	simm.s32 $0x1900  }
0x63: {  	[tilespmem:s18], [sflag:$0x4] =	stream.linear.gather [hbm4b:s20+s15], $0x640, $0x38;
	[tilespmem:$0x18A78] =	vst v63  }
0x64: {  	_ =	swait.ge [sflag:s28], $0x640  }
0x65: {  	[sflag:s28] =	ssyncset.done $0x0  }
0x66: {  	s19 =	simm.s32 $0x1F40;
	s23 =	sadd.s32 $0x19000, s20;
	[sflag:s28] =	ssyncadd.s32 $0xFFFFF9C0  }
0x67: {  	[tilespmem:s19], [sflag:$0x4] =	stream.linear.gather [hbm4b:s23+s15], $0x640, $0x38;
	[tilespmem:$0x18A78] =	vst v63  }
0x68: {  	_ =	swait.ge [sflag:s28], $0x640  }
0x69: {  	[sflag:s28] =	ssyncset.done $0x0  }
0x6a: {  	s24 =	sadd.s32 $0x32000, s20;
	s20 =	simm.s32 $0x2580;
	[sflag:s28] =	ssyncadd.s32 $0xFFFFF9C0  }
0x6b: {  	[tilespmem:s20], [sflag:$0x4] =	stream.linear.gather [hbm4b:s24+s15], $0x640, $0x38;
	[tilespmem:$0x18A78] =	vst v63  }
0x6c: {  	_ =	swait.ge [sflag:s28], $0x640  }
0x6d: {  	[sflag:s28] =	ssyncset.done $0x0  }
0x6e: {  	[sflag:s28] =	ssyncadd.s32 $0xFFFFF9C0  }
0x6f: {  	_ =	swait.ge [sflag:s29], $0x640  }
0x70: {  	[sflag:s29] =	ssyncset.done $0x0  }
0x71: {  	[sflag:s29] =	ssyncadd.s32 $0xFFFFF9C0  }
0x72: {  	_ =	swait.ge [sflag:s4], $0x640  }
0x73: {  	[sflag:s4] =	ssyncset.done $0x0  }
0x74: {  	[sflag:s4] =	ssyncadd.s32 $0xFFFFF9C0  }
0x75: {  	_ =	swait.ge [sflag:s8], $0x6400  }
0x76: {  	[sflag:s8] =	ssyncset.done $0x0  }
0x77: {  	[sflag:s8] =	ssyncadd.s32 $0xFFFF9C00  }
0x78: {  	v8 =	vld [tilespmem:s19+$0x0]  }
0x79: {  	v9 =	vld [tilespmem:s18+$0x0];
	_ =	sdelay $0x1  }
0x7a: {  	v10 =	vld [tilespmem:s20+$0x0]  }
0x7b: {  	v11 =	vld [tilespmem:s22+$0x0]  }
0x7c: {  	v12 =	vld [tilespmem:s21+$0x0]  }
0x7d: {  	v8 =	vmul.f32 v8, v6;
	v9 =	vmul.f32 v9, v5;
	_ =	sdelay $0x1  }
0x7e: {  	v8 =	vadd.f32 v8, v9;
	v9 =	vmul.f32 v10, v7;
	_ =	sdelay $0x1  }
0x7f: {  	v8 =	vadd.f32 v9, v8;
	v9 =	vadd.f32 v11, v12;
	_ =	sdelay $0x1  }
0x80: {  	v8 =	vadd.f32 v9, v8;
	_ =	sdelay $0x1  }
0x81: {  	v9 =	vmul.f32 $2.000000030e-01, v8;
	_ =	sdelay $0x1  }
0x82: {  	v8 =	vmax.f32 v8, v9  }
0x83: {  	v8 =	vmul.f32 $1.442695020e+00, v8;
	_ =	sdelay $0x1  }
0x84: {  	(erf) = vpow2.f32 v8;
	_ =	sdelay $0x3  }
0x85: {  	v8 =	vmov s15  }
0x86: {  	v8 =	vshll.u32 v8, $0x4  }
0x87: {  	v8 =	vor.u32 v4, v8;
	_ =	sdelay $0x2  }
0x88: {  	s25 =	simm.s32 $0x8FD0;
	v10 =	vpop (erf)  }
0x89: {  	[tilespmem:s25+$0x0] =	vst v10  }
0x8a: {  	v9 =	vld.idx.msk [tilespmem:v8+s0+$0x0], $0xffff;
	_ =	sdelay $0x2  }
0x8b: {  	v11 =	vor.u32 $0x1, v8;
	_ =	sdelay $0x1  }
0x8c: {  	v9 =	vmul.f32 v10, v9;
	_ =	sdelay $0x1  }
0x8d: {  	[tilespmem:v8+s0+$0x0] =	vst.idx.msk $0xffff, v9  }
0x8e: {  	v9 =	vld.idx.msk [tilespmem:v11+s0+$0x0], $0xffff;
	_ =	sdelay $0x2  }
0x8f: {  	v57 =	vor.u32 $0x2, v8;
	_ =	sdelay $0x1  }
0x90: {  	v9 =	vmul.f32 v10, v9;
	_ =	sdelay $0x1  }
0x91: {  	[tilespmem:v11+s0+$0x0] =	vst.idx.msk $0xffff, v9  }
0x92: {  	v9 =	vld.idx.msk [tilespmem:v57+s0+$0x0], $0xffff;
	_ =	sdelay $0x2  }
0x93: {  	v11 =	vor.u32 $0x3, v8;
	_ =	sdelay $0x1  }
0x94: {  	v9 =	vmul.f32 v10, v9;
	_ =	sdelay $0x1  }
0x95: {  	[tilespmem:v57+s0+$0x0] =	vst.idx.msk $0xffff, v9  }
0x96: {  	v9 =	vld.idx.msk [tilespmem:v11+s0+$0x0], $0xffff;
	_ =	sdelay $0x2  }
0x97: {  	v58 =	vor.u32 $0x4, v8;
	_ =	sdelay $0x1  }
0x98: {  	v9 =	vmul.f32 v9, v10;
	_ =	sdelay $0x1  }
0x99: {  	[tilespmem:v11+s0+$0x0] =	vst.idx.msk $0xffff, v9  }
0x9a: {  	v9 =	vld.idx.msk [tilespmem:v58+s0+$0x0], $0xffff;
	_ =	sdelay $0x2  }
0x9b: {  	v11 =	vor.u32 $0x5, v8;
	_ =	sdelay $0x1  }
0x9c: {  	v9 =	vmul.f32 v9, v10;
	_ =	sdelay $0x1  }
0x9d: {  	[tilespmem:v58+s0+$0x0] =	vst.idx.msk $0xffff, v9  }
0x9e: {  	v9 =	vld.idx.msk [tilespmem:v11+s0+$0x0], $0xffff;
	_ =	sdelay $0x2  }
0x9f: {  	v59 =	vor.u32 $0x6, v8;
	_ =	sdelay $0x1  }
0xa0: {  	v9 =	vmul.f32 v9, v10;
	_ =	sdelay $0x1  }
0xa1: {  	[tilespmem:v11+s0+$0x0] =	vst.idx.msk $0xffff, v9  }
0xa2: {  	v9 =	vld.idx.msk [tilespmem:v59+s0+$0x0], $0xffff;
	_ =	sdelay $0x2  }
0xa3: {  	v11 =	vor.u32 $0x7, v8;
	_ =	sdelay $0x1  }
0xa4: {  	v9 =	vmul.f32 v9, v10;
	_ =	sdelay $0x1  }
0xa5: {  	[tilespmem:v59+s0+$0x0] =	vst.idx.msk $0xffff, v9  }
0xa6: {  	v9 =	vld.idx.msk [tilespmem:v11+s0+$0x0], $0xffff;
	_ =	sdelay $0x2  }
0xa7: {  	v60 =	vor.u32 $0x8, v8;
	_ =	sdelay $0x1  }
0xa8: {  	v9 =	vmul.f32 v9, v10;
	_ =	sdelay $0x1  }
0xa9: {  	[tilespmem:v11+s0+$0x0] =	vst.idx.msk $0xffff, v9  }
0xaa: {  	v9 =	vld.idx.msk [tilespmem:v60+s0+$0x0], $0xffff;
	_ =	sdelay $0x2  }
0xab: {  	v11 =	vor.u32 $0x9, v8;
	_ =	sdelay $0x1  }
0xac: {  	v9 =	vmul.f32 v9, v10;
	_ =	sdelay $0x1  }
0xad: {  	[tilespmem:v60+s0+$0x0] =	vst.idx.msk $0xffff, v9  }
0xae: {  	v9 =	vld.idx.msk [tilespmem:v11+s0+$0x0], $0xffff;
	_ =	sdelay $0x2  }
0xaf: {  	v61 =	vor.u32 $0xA, v8;
	_ =	sdelay $0x1  }
0xb0: {  	v9 =	vmul.f32 v9, v10;
	_ =	sdelay $0x1  }
0xb1: {  	[tilespmem:v11+s0+$0x0] =	vst.idx.msk $0xffff, v9  }
0xb2: {  	v9 =	vld.idx.msk [tilespmem:v61+s0+$0x0], $0xffff;
	_ =	sdelay $0x2  }
0xb3: {  	v11 =	vor.u32 $0xB, v8;
	_ =	sdelay $0x1  }
0xb4: {  	v9 =	vmul.f32 v9, v10;
	_ =	sdelay $0x1  }
0xb5: {  	[tilespmem:v61+s0+$0x0] =	vst.idx.msk $0xffff, v9  }
0xb6: {  	v9 =	vld.idx.msk [tilespmem:v11+s0+$0x0], $0xffff;
	_ =	sdelay $0x2  }
0xb7: {  	v62 =	vor.u32 $0xC, v8;
	_ =	sdelay $0x1  }
0xb8: {  	v9 =	vmul.f32 v9, v10;
	_ =	sdelay $0x1  }
0xb9: {  	[tilespmem:v11+s0+$0x0] =	vst.idx.msk $0xffff, v9  }
0xba: {  	v9 =	vld.idx.msk [tilespmem:v62+s0+$0x0], $0xffff;
	_ =	sdelay $0x2  }
0xbb: {  	v11 =	vor.u32 $0xD, v8;
	_ =	sdelay $0x1  }
0xbc: {  	v9 =	vmul.f32 v9, v10;
	_ =	sdelay $0x1  }
0xbd: {  	[tilespmem:v62+s0+$0x0] =	vst.idx.msk $0xffff, v9  }
0xbe: {  	v9 =	vld.idx.msk [tilespmem:v11+s0+$0x0], $0xffff;
	_ =	sdelay $0x2  }
0xbf: {  	v63 =	vor.u32 $0xE, v8;
	_ =	sdelay $0x1  }
0xc0: {  	v9 =	vmul.f32 v9, v10;
	_ =	sdelay $0x1  }
0xc1: {  	[tilespmem:v11+s0+$0x0] =	vst.idx.msk $0xffff, v9  }
0xc2: {  	v11 =	vld.idx.msk [tilespmem:v63+s0+$0x0], $0xffff;
	_ =	sdelay $0x2  }
0xc3: {  	v9 =	vor.u32 $0xF, v8;
	_ =	sdelay $0x1  }
0xc4: {  	v8 =	vmul.f32 v11, v10;
	_ =	sdelay $0x1  }
0xc5: {  	[tilespmem:v63+s0+$0x0] =	vst.idx.msk $0xffff, v8  }
0xc6: {  	v8 =	vld.idx.msk [tilespmem:v9+s0+$0x0], $0xffff;
	_ =	sdelay $0x4  }
0xc7: {  	s23 =	simm.s32 $0x12D0;
	v8 =	vmul.f32 v8, v10  }
0xc8: {  	s24 =	simm.s32 $0x8FE0;
	s21 =	simm.s32 $0x10;
	s22 =	simm.s32 $0xC90  }
.LBB2_7:
0xc9: {  	[tilespmem:v9+s0+$0x0] =	vst.idx.msk $0xffff, v8;
	s18 =	sadd.s32 $0x10, s18;
	s19 =	sadd.s32 $0x10, s19;
	s20 =	sadd.s32 $0x10, s20  }
0xca: {  	p0 =	sne.s32 s21, $0x630;
	s25 =	smov.u32 s21;
	s21 =	sadd.s32 $0x10, s21;
	v8 =	vld [tilespmem:s19+$0x0]  }
0xcb: {  	v9 =	vld [tilespmem:s18+$0x0];
	_ =	sdelay $0x1  }
0xcc: {  	v10 =	vld [tilespmem:s20+$0x0]  }
0xcd: {  	v11 =	vld [tilespmem:s23+$0x0]  }
0xce: {  	v8 =	vmul.f32 v8, v6;
	v12 =	vld [tilespmem:s22+$0x0]  }
0xcf: {  	v9 =	vmul.f32 v9, v5;
	_ =	sdelay $0x1  }
0xd0: {  	v8 =	vadd.f32 v8, v9;
	v9 =	vmul.f32 v10, v7;
	_ =	sdelay $0x1  }
0xd1: {  	v8 =	vadd.f32 v9, v8;
	v9 =	vadd.f32 v11, v12;
	_ =	sdelay $0x1  }
0xd2: {  	v8 =	vadd.f32 v9, v8;
	_ =	sdelay $0x1  }
0xd3: {  	v9 =	vmul.f32 $2.000000030e-01, v8;
	_ =	sdelay $0x1  }
0xd4: {  	v8 =	vmax.f32 v8, v9  }
0xd5: {  	v8 =	vmul.f32 $1.442695020e+00, v8;
	_ =	sdelay $0x1  }
0xd6: {  	(erf) = vpow2.f32 v8;
	_ =	sdelay $0x3  }
0xd7: {  	v8 =	vmov s25  }
0xd8: {  	v8 =	vshll.u32 v8, $0x4  }
0xd9: {  	v9 =	vor.u32 v4, v8;
	_ =	sdelay $0x2  }
0xda: {  	v8 =	vpop (erf)  }
0xdb: {  	[tilespmem:s24+$0x0] =	vst v8  }
0xdc: {  	v10 =	vld.idx.msk [tilespmem:v9+s0+$0x0], $0xffff;
	_ =	sdelay $0x3  }
0xdd: {  	v11 =	vor.u32 $0x1, v9;
	_ =	sdelay $0x1  }
0xde: {  	v10 =	vmul.f32 v8, v10;
	_ =	sdelay $0x1  }
0xdf: {  	[tilespmem:v9+s0+$0x0] =	vst.idx.msk $0xffff, v10  }
0xe0: {  	v10 =	vld.idx.msk [tilespmem:v11+s0+$0x0], $0xffff;
	_ =	sdelay $0x3  }
0xe1: {  	v12 =	vor.u32 $0x2, v9;
	_ =	sdelay $0x1  }
0xe2: {  	v10 =	vmul.f32 v8, v10;
	_ =	sdelay $0x1  }
0xe3: {  	[tilespmem:v11+s0+$0x0] =	vst.idx.msk $0xffff, v10  }
0xe4: {  	v10 =	vld.idx.msk [tilespmem:v12+s0+$0x0], $0xffff;
	_ =	sdelay $0x3  }
0xe5: {  	v11 =	vor.u32 $0x3, v9;
	_ =	sdelay $0x1  }
0xe6: {  	v10 =	vmul.f32 v8, v10;
	_ =	sdelay $0x1  }
0xe7: {  	[tilespmem:v12+s0+$0x0] =	vst.idx.msk $0xffff, v10  }
0xe8: {  	v10 =	vld.idx.msk [tilespmem:v11+s0+$0x0], $0xffff;
	_ =	sdelay $0x3  }
0xe9: {  	v12 =	vor.u32 $0x4, v9;
	_ =	sdelay $0x1  }
0xea: {  	v10 =	vmul.f32 v10, v8;
	_ =	sdelay $0x1  }
0xeb: {  	[tilespmem:v11+s0+$0x0] =	vst.idx.msk $0xffff, v10  }
0xec: {  	v10 =	vld.idx.msk [tilespmem:v12+s0+$0x0], $0xffff;
	_ =	sdelay $0x3  }
0xed: {  	v11 =	vor.u32 $0x5, v9;
	_ =	sdelay $0x1  }
0xee: {  	v10 =	vmul.f32 v10, v8;
	_ =	sdelay $0x1  }
0xef: {  	[tilespmem:v12+s0+$0x0] =	vst.idx.msk $0xffff, v10  }
0xf0: {  	v10 =	vld.idx.msk [tilespmem:v11+s0+$0x0], $0xffff;
	_ =	sdelay $0x3  }
0xf1: {  	v12 =	vor.u32 $0x6, v9;
	_ =	sdelay $0x1  }
0xf2: {  	v10 =	vmul.f32 v10, v8;
	_ =	sdelay $0x1  }
0xf3: {  	[tilespmem:v11+s0+$0x0] =	vst.idx.msk $0xffff, v10  }
0xf4: {  	v10 =	vld.idx.msk [tilespmem:v12+s0+$0x0], $0xffff;
	_ =	sdelay $0x3  }
0xf5: {  	v11 =	vor.u32 $0x7, v9;
	_ =	sdelay $0x1  }
0xf6: {  	v10 =	vmul.f32 v10, v8;
	_ =	sdelay $0x1  }
0xf7: {  	[tilespmem:v12+s0+$0x0] =	vst.idx.msk $0xffff, v10  }
0xf8: {  	v10 =	vld.idx.msk [tilespmem:v11+s0+$0x0], $0xffff;
	_ =	sdelay $0x3  }
0xf9: {  	v12 =	vor.u32 $0x8, v9;
	_ =	sdelay $0x1  }
0xfa: {  	v10 =	vmul.f32 v10, v8;
	_ =	sdelay $0x1  }
0xfb: {  	[tilespmem:v11+s0+$0x0] =	vst.idx.msk $0xffff, v10  }
0xfc: {  	v10 =	vld.idx.msk [tilespmem:v12+s0+$0x0], $0xffff;
	_ =	sdelay $0x3  }
0xfd: {  	v11 =	vor.u32 $0x9, v9;
	_ =	sdelay $0x1  }
0xfe: {  	v10 =	vmul.f32 v10, v8;
	_ =	sdelay $0x1  }
0xff: {  	[tilespmem:v12+s0+$0x0] =	vst.idx.msk $0xffff, v10  }
0x100: {  	v10 =	vld.idx.msk [tilespmem:v11+s0+$0x0], $0xffff;
	_ =	sdelay $0x3  }
0x101: {  	v12 =	vor.u32 $0xA, v9;
	_ =	sdelay $0x1  }
0x102: {  	v10 =	vmul.f32 v10, v8;
	_ =	sdelay $0x1  }
0x103: {  	[tilespmem:v11+s0+$0x0] =	vst.idx.msk $0xffff, v10  }
0x104: {  	v10 =	vld.idx.msk [tilespmem:v12+s0+$0x0], $0xffff;
	_ =	sdelay $0x3  }
0x105: {  	v11 =	vor.u32 $0xB, v9;
	_ =	sdelay $0x1  }
0x106: {  	v10 =	vmul.f32 v10, v8;
	_ =	sdelay $0x1  }
0x107: {  	[tilespmem:v12+s0+$0x0] =	vst.idx.msk $0xffff, v10  }
0x108: {  	v10 =	vld.idx.msk [tilespmem:v11+s0+$0x0], $0xffff;
	_ =	sdelay $0x3  }
0x109: {  	v12 =	vor.u32 $0xC, v9;
	_ =	sdelay $0x1  }
0x10a: {  	v10 =	vmul.f32 v10, v8;
	_ =	sdelay $0x1  }
0x10b: {  	[tilespmem:v11+s0+$0x0] =	vst.idx.msk $0xffff, v10  }
0x10c: {  	v10 =	vld.idx.msk [tilespmem:v12+s0+$0x0], $0xffff;
	_ =	sdelay $0x3  }
0x10d: {  	v11 =	vor.u32 $0xD, v9;
	_ =	sdelay $0x1  }
0x10e: {  	v10 =	vmul.f32 v10, v8;
	_ =	sdelay $0x1  }
0x10f: {  	[tilespmem:v12+s0+$0x0] =	vst.idx.msk $0xffff, v10  }
0x110: {  	v10 =	vld.idx.msk [tilespmem:v11+s0+$0x0], $0xffff;
	_ =	sdelay $0x3  }
0x111: {  	v12 =	vor.u32 $0xE, v9;
	_ =	sdelay $0x1  }
0x112: {  	v10 =	vmul.f32 v10, v8;
	_ =	sdelay $0x1  }
0x113: {  	[tilespmem:v11+s0+$0x0] =	vst.idx.msk $0xffff, v10  }
0x114: {  	v10 =	vld.idx.msk [tilespmem:v12+s0+$0x0], $0xffff;
	_ =	sdelay $0x3  }
0x115: {  	v9 =	vor.u32 $0xF, v9;
	_ =	sdelay $0x1  }
0x116: {  	v10 =	vmul.f32 v10, v8;
	_ =	sdelay $0x1  }
0x117: {  	[tilespmem:v12+s0+$0x0] =	vst.idx.msk $0xffff, v10  }
0x118: {  	v10 =	vld.idx.msk [tilespmem:v9+s0+$0x0], $0xffff;
	_ =	sdelay $0x2  }
.Ltmp2:
0x119: {  	(pc) =	sbr.rel @p0 .LBB2_7-.Ltmp2, $3  }
0x11a: {  	_ =	sdelay $0x1  }
0x11b: {  	v8 =	vmul.f32 v10, v8  }
0x11c: {  	s23 =	sadd.s32 $0x10, s23;
	s22 =	sadd.s32 $0x10, s22;
	s24 =	sadd.s32 $0x10, s24  }
0x11d: {  	_ =	sdelay $0x3  }
0x11e: {  	[tilespmem:v9+s0+$0x0] =	vst.idx.msk $0xffff, v8  }
0x11f: {  	[spmem:s2] =	stream.indirect.scatter.add.f32 [tilespmem:s0], [sflag:$0x4], $0x10, s31, s31, $0xb8;
	[tilespmem:$0x18A78] =	vst v63  }
0x120: {  	s16 =	sadd.s32 $0x1, s16;
	_ =	swait.ge [sflag:s28], $0x6400  }
0x121: {  	p0 =	sne.s32 s16, $0x10;
	[sflag:s28] =	ssyncset.done $0x0  }
.Ltmp3:
0x122: {  	[sflag:s28] =	ssyncadd.s32 $0xFFFF9C00;
	(pc) =	sbr.rel @p0 .LBB2_6-.Ltmp3, $4  }
0x123: {  	[spmem:s3] =	stream.indirect.scatter.add.f32 [tilespmem:s14], [sflag:$0x4], $0x1, s31, s31, $0xb8;
	[tilespmem:$0x18A78] =	vst v63  }
0x124: {  	_ =	swait.ge [sflag:s28], $0x640  }
0x125: {  	[sflag:s28] =	ssyncset.done $0x0  }
0x126: {  	[sflag:s28] =	ssyncadd.s32 $0xFFFFF9C0  }
0x127: {  	s15 =	stileid.u32;
	[bflag:$0x0] =	sbarrier.arrive $0xFFFF  }
0x128: {  	s15 =	sshll.u32 s15, $0x6;
	s16 =	rddreg [dreg:$0x6]  }
0x129: {  	s18 =	rddreg [dreg:$0x10];
	s15 =	sor.u32 $0x1C04, s15  }
0x12a: {  	[hbm:s16], [sflag:s15] =	dma.local [spmem:s18], $0x1870  }
0x12b: {  	_ =	swait.ge [sflag:s28], $0x1870  }
0x12c: {  	[sflag:s28] =	ssyncset.done $0x0  }
0x12d: {  	s23 =	sshrl.u32 s12, $0x3;
	s24 =	rddreg [dreg:$0x7];
	[sflag:s28] =	ssyncadd.s32 $0xFFFFE790  }
0x12e: {  	[hbm:s24], [sflag:s15] =	dma.local [spmem:s23], $0x187  }
0x12f: {  	_ =	swait.ge [sflag:s28], $0x187  }
0x130: {  	s5 =	sadd.s32 $0x1, s5;
	s25 =	rddreg [dreg:$0x8]  }
0x131: {  	p0 =	sne.s32 s5, s25  }
.Ltmp4:
0x132: {  	_ = 	snop;
	(pc) =	sbr.rel @p0 .LBB2_1-.Ltmp4, $3  }
0x133: {  	_ =	sdelay $0x1  }
0x134: {  	[sflag:s28] =	ssyncset.done $0x0  }
0x135: {  	[sflag:s28] =	ssyncadd.s32 $0xFFFFFE79  }
0x136: {  	_ =	sfence.sel $0x180000  }
0x137: {  	[bflag:$0x0] =	sbarrier.arrive $0xFFFF  }
0x138: {  	_ =	strace $0x9000004A  }
0x139: {  	s0 =	stileid.u32;
	[bflag:$0x2] =	sbarrier.arrive $0xFFFF  }
0x13a: {  	p0 =	sne.s32 s0, $0x0;
	s0 =	rddreg [dreg:$0x4]  }
0x13b: {  	s0 =	sadd.s32 @!p0 $0x100000, s0  }
0x13c: {  	[sflag:s0] =	ssyncadd.tile.s32 @!p0 $0x1;
	_ =	shalt  }
.Lfunc_end2:
_tile_overlayer_lowered:
.L_overlay_start_2:
0x13d: {  	(tag) =	ssettag $0x2  }
0x13e: {  	s0 =	rddreg [dreg:$0x0];
	s2 =	stileid.u32  }
0x13f: {  	s1 =	rddreg [dreg:$0x1];
	p0 =	sne.s32 s2, $0x0  }
0x140: {  	s3 =	rddreg [dreg:$0x2];
	[bflag:$0x3] =	sbarrier.arrive $0xFFFF;
	s2 =	simm.s32 @!p0 $0x1C04  }
0x141: {  	[timem:s3], [sflag:s2] =	dma.local @!p0 [hbm:s0], s1  }
0x142: {  	s0 =	simm.s32 @!p0 $0x4  }
0x143: {  	_ =	swait.ge @!p0 [sflag:s0], s1  }
0x144: {  	s1 =	ssub.s32 @!p0 $0x0, s1;
	[sflag:s0] =	ssyncset.done @!p0 $0x0  }
0x145: {  	[sflag:s0] =	ssyncadd.s32 @!p0 s1  }
0x146: {  	[bflag:$0x3] =	sbarrier.arrive $0xFFFF  }
0x147: {  	_ =	shalt  }

// kernel: kernel.14.cloned.1.call-start
scs
__scs_entry_jumppad:
0x0: {  	(pc) =	sbr.rel $0x88, $3  }
0x1: {  	(tag) =	ssettag $0x0;
	lr =	simm.s32 $0x1  }
0x2: {  	[smem:$0x3F8B] =	sst lr;
	_ =	strace $0xD0000000  }
0x3: {  	_ = 	snop  }
0x4: {  	_ = 	snop  }
0x5: {  	_ = 	snop  }
0x6: {  	_ = 	snop  }
0x7: {  	_ = 	snop  }
__scs_overlays_trampoline_lowered:
0x8: {  	[smem:$0x3F9A] =	sst s0  }
0x9: {  	[smem:$0x3F9B] =	sst s1  }
0xa: {  	[smem:$0x3F9C] =	sst s2  }
0xb: {  	[smem:$0x3F9D] =	sst s3  }
0xc: {  	[smem:$0x3F9E] =	sst s4  }
0xd: {  	[smem:$0x3F9F] =	sst s5  }
0xe: {  	[smem:$0x3FA0] =	sst s6  }
0xf: {  	[smem:$0x3FA1] =	sst s7  }
0x10: {  	[smem:$0x3FA2] =	sst s8  }
0x11: {  	[smem:$0x3FA3] =	sst s9;
	s0 =	simm.s32 @!p0 $0x0  }
0x12: {  	s1 =	sld [smem:$0x3F89];
	s0 =	simm.s32 @p0 $0x1  }
0x13: {  	[smem:$0x3FA4] =	sst s0;
	s0 =	simm.s32 @!p1 $0x0  }
0x14: {  	s2 =	sld [smem:$0x3F88];
	s0 =	simm.s32 @p1 $0x1  }
0x15: {  	[smem:$0x3FA5] =	sst s0;
	s0 =	simm.s32 @!p2 $0x0  }
0x16: {  	s3 =	sld [smem:$0x3FDB];
	s0 =	simm.s32 @p2 $0x1  }
0x17: {  	s4 =	simm.s32 $0x1BF5;
	[smem:$0x3FA7] =	sst s0  }
0x18: {  	s0 =	sld [smem:$0x3F8A];
	_ =	swait.ge [sflag:s4], $0x0  }
0x19: {  	s7 =	sld [smem:$0x3F8B]  }
0x1a: {  	s8 =	sadd.s32 $0xFFFFE003, lr  }
0x1b: {  	s9 =	sadd.s32 $0xFFFFFEF7, lr;
	s5 =	simm.s32 $0xFFFFFFFF;
	p2 =	slt.u32 s8, $0xFFFFF086  }
0x1c: {  	p1 =	slt.u32 s9, $0xF7A;
	s5 =	simm.s32 @!p2 $0x0  }
0x1d: {  	s5 =	simm.s32 @p1 $0x1;
	p0 =	seq.s32 s7, s2  }
0x1e: {  	s7 =	smul.u32 @!p0 $0xF7A, s2;
	p2 =	seq.s32 @!p0 s5, $0x0  }
0x1f: {  	s9 =	smul.u32 $0xF7A, s1;
	s8 =	simm.s32 @!p0 $0x1BF5;
	p2 =	por !p2, p0  }
0x20: {  	[sflag:s8] =	ssyncset.s32 @!p0 $0xFFFFF086;
	s6 =	sadd.s32 @!p0 s3, s7;
	s7 =	simm.s32 @!p0 $0x108  }
0x21: {  	s3 =	sadd.s32 s3, s9;
	s6 =	sadd.s32 @!p0 $0x88, s6;
	s7 =	simm.s32 @p2 $0x1082  }
0x22: {  	[simem:s7], [sflag:s8] =	dma.local @!p0 [hbm:s6], $0xF7A  }
0x23: {  	s9 =	sor.u32 $0xD0000000, s2;
	s6 =	simm.s32 $0x108;
	_ =	swait.ge @!p0 [sflag:s8], $0x0  }
0x24: {  	s3 =	sadd.s32 $0x88, s3;
	s6 =	simm.s32 @!p1 $0x1082;
	[sflag:s4] =	ssyncset.s32 $0xFFFFF086  }
0x25: {  	[simem:s6], [sflag:s4] =	dma.local [hbm:s3], $0xF7A  }
0x26: {  	[smem:$0x3F8B] =	sst s1;
	(tag) =	ssettag s2;
	_ =	strace s9  }
0x27: {  	s1 =	sld [smem:$0x3F9B]  }
0x28: {  	s2 =	sld [smem:$0x3F9C]  }
0x29: {  	s4 =	sld [smem:$0x3F9E]  }
0x2a: {  	p0 =	seq.s32 s5, $0x0;
	s5 =	sld [smem:$0x3F9F]  }
0x2b: {  	s6 =	sld [smem:$0x3FA0]  }
0x2c: {  	s7 =	sld [smem:$0x3FA1]  }
0x2d: {  	s3 =	simm.s32 $0x108;
	s8 =	sld [smem:$0x3FA2]  }
0x2e: {  	s3 =	simm.s32 @!p0 $0x1082;
	s9 =	sld [smem:$0x3FA3]  }
0x2f: {  	lr =	sadd.s32 s0, s3;
	s0 =	sld [smem:$0x3F9A]  }
0x30: {  	s3 =	sld [smem:$0x3F9D]  }
0x31: {  	[smem:$0x3FA6] =	sst s10  }
0x32: {  	s10 =	sld [smem:$0x3FA4];
	_ =	sdelay $0x3  }
0x33: {  	p0 =	seq.s32 s10, $0x1;
	s10 =	sld [smem:$0x3FA6];
	_ =	sdelay $0x3  }
0x34: {  	[smem:$0x3FA6] =	sst s10  }
0x35: {  	s10 =	sld [smem:$0x3FA5];
	_ =	sdelay $0x3  }
0x36: {  	p1 =	seq.s32 s10, $0x1;
	s10 =	sld [smem:$0x3FA6];
	_ =	sdelay $0x3  }
0x37: {  	[smem:$0x3FA6] =	sst s10  }
0x38: {  	s10 =	sld [smem:$0x3FA7]  }
0x39: {  	_ = 	snop;
	(pc) =	sbr.ind lr, $3  }
0x3a: {  	_ = 	snop  }
0x3b: {  	_ = 	snop  }
0x3c: {  	p2 =	seq.s32 s10, $0x1;
	s10 =	sld [smem:$0x3FA6]  }
0x3d: {  	_ =	shalt  }
0x3e: {  	_ =	shalt  }
0x3f: {  	_ =	shalt  }
0x40: {  	_ =	shalt  }
0x41: {  	_ =	shalt  }
0x42: {  	_ =	shalt  }
0x43: {  	_ =	shalt  }
0x44: {  	_ =	shalt  }
0x45: {  	_ =	shalt  }
0x46: {  	_ =	shalt  }
0x47: {  	_ =	shalt  }
0x48: {  	_ =	shalt  }
0x49: {  	_ =	shalt  }
0x4a: {  	_ =	shalt  }
0x4b: {  	_ =	shalt  }
0x4c: {  	_ =	shalt  }
0x4d: {  	_ =	shalt  }
0x4e: {  	_ =	shalt  }
0x4f: {  	_ =	shalt  }
0x50: {  	_ =	shalt  }
0x51: {  	_ =	shalt  }
0x52: {  	_ =	shalt  }
0x53: {  	_ =	shalt  }
0x54: {  	_ =	shalt  }
0x55: {  	_ =	shalt  }
0x56: {  	_ =	shalt  }
0x57: {  	_ =	shalt  }
0x58: {  	_ =	shalt  }
0x59: {  	_ =	shalt  }
0x5a: {  	_ =	shalt  }
0x5b: {  	_ =	shalt  }
0x5c: {  	_ =	shalt  }
0x5d: {  	_ =	shalt  }
0x5e: {  	_ =	shalt  }
0x5f: {  	_ =	shalt  }
0x60: {  	_ =	shalt  }
0x61: {  	_ =	shalt  }
0x62: {  	_ =	shalt  }
0x63: {  	_ =	shalt  }
0x64: {  	_ =	shalt  }
0x65: {  	_ =	shalt  }
0x66: {  	_ =	shalt  }
0x67: {  	_ =	shalt  }
0x68: {  	_ =	shalt  }
0x69: {  	_ =	shalt  }
0x6a: {  	_ =	shalt  }
0x6b: {  	_ =	shalt  }
0x6c: {  	_ =	shalt  }
0x6d: {  	_ =	shalt  }
0x6e: {  	_ =	shalt  }
0x6f: {  	_ =	shalt  }
0x70: {  	_ =	shalt  }
0x71: {  	_ =	shalt  }
0x72: {  	_ =	shalt  }
0x73: {  	_ =	shalt  }
0x74: {  	_ =	shalt  }
0x75: {  	_ =	shalt  }
0x76: {  	_ =	shalt  }
0x77: {  	_ =	shalt  }
0x78: {  	_ =	shalt  }
0x79: {  	_ =	shalt  }
0x7a: {  	_ =	shalt  }
0x7b: {  	_ =	shalt  }
0x7c: {  	_ =	shalt  }
0x7d: {  	_ =	shalt  }
0x7e: {  	_ =	shalt  }
0x7f: {  	_ =	shalt  }
0x80: {  	_ =	shalt  }
0x81: {  	_ =	shalt  }
0x82: {  	_ =	shalt  }
0x83: {  	_ =	shalt  }
0x84: {  	_ =	shalt  }
0x85: {  	_ =	shalt  }
0x86: {  	_ =	shalt  }
0x87: {  	_ =	shalt  }
.Lfunc_end0:
.L_simem_size_0:
called_computation.2_lowered:
.L_overlay_start_0:
0x88: {  	s2 =	sld [smem:$0x3FD9]  }
0x89: {  	s3 =	sld [smem:$0x3FFE];
	_ =	sdelay $0x1  }
0x8a: {  	s1 =	srdreg.scid  }
0x8b: {  	s0 =	sand.u32 $0x1, s1  }
0x8c: {  	s17 =	sshll.u32 s0, $0xA;
	s2 =	sadd.s32 s3, s2  }
0x8d: {  	s2 =	sadd.s32 s2, s17  }
0x8e: {  	[smem:$0x3FB2] =	sst s2  }
0x8f: {  	_ = 	snop  }
0x90: {  	s2 =	sld [smem:$0x3FD0];
	(tm) =	ssettm $0x1  }
0x91: {  	s18 =	sld [smem:$0x3FFB];
	_ =	sdelay $0x3  }
0x92: {  	_ =	strace s18  }
0x93: {  	s3 =	sld [smem:$0x3FFC];
	_ =	sdelay $0x3  }
0x94: {  	_ =	strace s3  }
0x95: {  	s3 =	sld [smem:$0x3FFD];
	_ =	sdelay $0x3  }
0x96: {  	_ =	strace s3  }
0x97: {  	_ =	strace $0x8FFFFFFF  }
0x98: {  	s19 =	sld [smem:$0x3FDB];
	_ =	sdelay $0x1  }
0x99: {  	s4 =	simm.s32 $_scs_section_size  }
0x9a: {  	s5 =	simm.s32 $_size__tile_overlayer_lowered;
	s6 =	simm.s32 $_tile_overlayer_lowered  }
0x9b: {  	s22 =	simm.s32 $0x1BFF;
	s21 =	sshll.u32 s6, $0x1;
	s3 =	sadd.s32 s4, s19  }
0x9c: {  	s7 =	simm.s32 $0x0;
	s20 =	sshll.u32 s5, $0x1;
	s5 =	sadd.s32 s21, s3  }
0x9d: {  	[timem:s7], [sflag:s22] =	dma.local [hbm:s5], s20  }
0x9e: {  	_ =	swait.ge [sflag:s22], s20  }
0x9f: {  	s4 =	ssub.s32 $0x0, s20;
	[sflag:s22] =	ssyncset.done $0x0  }
0xa0: {  	[sflag:s22] =	ssyncadd.s32 s4;
	_ =	sdelay $0x1  }
0xa1: {  	s23 =	simm.s32 $0x1B8B  }
0xa2: {  	_ =	swait.ge [sflag:s23], $0x1  }
0xa3: {  	[sflag:s23] =	ssyncset.done $0x0  }
0xa4: {  	s25 =	simm.s32 $0x1B8E;
	s24 =	sld [smem:$0x3FFE];
	[sflag:s23] =	ssyncadd.s32 $0xFFFFFFFF  }
0xa5: {  	s26 =	simm.s32 $execute0_lowered;
	[smem:$0x3FD2] =	sst s25  }
0xa6: {  	s5 =	sshll.u32 s26, $0x1;
	_ =	strace $0x8000004C;
	[dreg:$0x1] =	wrdreg $0xFFFFFFFF  }
0xa7: {  	s28 =	simm.s32 $_size_execute0_lowered;
	s3 =	sadd.s32 s3, s5;
	[dreg:$0x0] =	wrdreg $0x0  }
0xa8: {  	s5 =	sshll.u32 s28, $0x1;
	[dreg:$0x2] =	wrdreg s3  }
0xa9: {  	[dreg:$0x3] =	wrdreg s5  }
0xaa: {  	[dreg:$0x4] =	wrdreg $0xC0  }
0xab: {  	_ =	task [dreg:s7], $0x5FFFF  }
0xac: {  	[dreg:$0x1] =	wrdreg $0xFFFFFFFF  }
0xad: {  	[dreg:$0x0] =	wrdreg $0x60  }
0xae: {  	[dreg:$0x2] =	wrdreg s2  }
0xaf: {  	[dreg:$0x3] =	wrdreg s24  }
0xb0: {  	[dreg:$0x4] =	wrdreg $0x9  }
0xb1: {  	_ =	task.clear_ibuf [dreg:s7], $0x5FFFF;
	_ =	strace $0x9000004C  }
0xb2: {  	s29 =	simm.s32 $0x9;
	_ =	strace $0x8000004E  }
0xb3: {  	_ =	swait.ge [sflag:s29], $0x1  }
0xb4: {  	[sflag:s29] =	ssyncadd.s32 $0xFFFFFFFF  }
0xb5: {  	_ =	strace $0x9000004E  }
0xb6: {  	_ =	sfence  }
0xb7: {  	s30 =	sld [smem:$0x0];
	_ =	sdelay $0x2  }
0xb8: {  	s31 =	sshll.u32 s1, $0xD;
	s1 =	sshrl.u32 s1, $0x2  }
0xb9: {  	s3 =	sand.u32 $0x4000, s31;
	s1 =	sadd.s32 s1, s30  }
0xba: {  	s0 =	sor.u32 s3, s0;
	s1 =	sshll.u32 s1, $0x11  }
0xbb: {  	s0 =	sor.u32 s1, s0  }
0xbc: {  	s0 =	sadd.s32 $0x8F2B, s0  }
0xbd: {  	[sflag:s0] =	ssyncadd.remote.s32 $0x1  }
0xbe: {  	_ =	sfence.sel $0xFFFF  }
0xbf: {  	[dreg:$0x0] =	wrdreg $0xFFFFFFFF;
	(pc) =	sbr.abs _section_cstart, $3  }
0xc0: {  	[dreg:$0x1] =	wrdreg $0xFFFFFFFF  }
0xc1: {  	_ =	task.clear_ibuf [dreg:s7], $0x2FFFF;
	_ =	strace $0x9FFFFFFF  }
0xc2: {  	(tm) =	ssettm $0x7FFFFFFF  }
0xc3: {  	_ =	shalt  }
tec
execute0_lowered:
.L_overlay_start_1:
0x0: {  	(tag) =	ssettag $0x1  }
0x1: {  	s1 =	rddreg [dreg:$0x0]  }
0x2: {  	s0 =	rddreg [dreg:$0x1];
	s2 =	srdreg.scid;
	s3 =	simm.s32 $0x0  }
0x3: {  	s5 =	stileid.u32;
	s14 =	simm.s32 $0x640;
	s15 =	simm.s32 $0xC8000  }
0x4: {  	s16 =	simm.s32 $0xC80;
	s18 =	simm.s32 $0x1900;
	s20 =	simm.s32 $0x3  }
0x5: {  	s21 =	simm.s32 $0x5;
	s22 =	simm.s32 $0x2;
	s23 =	simm.s32 $0x7D00  }
0x6: {  	s28 =	simm.s32 $0x6;
	s29 =	simm.s32 $0x7;
	s30 =	simm.s32 $0x8  }
0x7: {  	s31 =	simm.s32 $0x0;
	s2 =	sand.u32 $0x1, s2;
	[smem:$0x7FF] =	sst s3  }
0x8: {  	s6 =	sadd.s32 $0x84200, s0;
	s4 =	sshll.u32 s2, $0x4;
	s24 =	ssub.s32 $0x2, s2  }
0x9: {  	s7 =	sadd.s32 $0xB6200, s0;
	s5 =	sor.u32 s5, s4;
	s2 =	sshrl.u32 s24, $0x1  }
0xa: {  	s4 =	sadd.s32 $0x2000, s0;
	s5 =	smul.u32 $0x6400, s5;
	s0 =	ssub.s32 s24, s2  }
0xb: {  	_ =	strace $0x8000004D;
	s24 =	simm.s32 $0x12C0;
	s0 =	smax.u32 s0, $0x1  }
0xc: {  	s9 =	sshrl.u32 s5, $0x3;
	s8 =	sadd.s32 $0x640, s5;
	s11 =	sadd.s32 $0xC80, s5  }
0xd: {  	[dreg:$0x5] =	wrdreg s0;
	s25 =	sadd.s32 s6, s9;
	s26 =	sshrl.u32 s8, $0x3  }
0xe: {  	s12 =	sadd.s32 $0x12C0, s5;
	[dreg:$0x3] =	wrdreg s25;
	s2 =	sadd.s32 s6, s26  }
0xf: {  	s25 =	simm.s32 $0x14500;
	s26 =	simm.s32 $0x4;
	[dreg:$0x4] =	wrdreg s2  }
.LBB2_1:
0x10: {  	s0 =	rddreg [dreg:$0x3]  }
0x11: {  	[tilespmem:s3], [sflag:$0x1] =	stream.strided.gather [hbm4b:s0+s14], $0xC80, s15, s14, $0x38;
	[tilespmem:$0x1A900] =	vst v63  }
0x12: {  	s13 =	rddreg [dreg:$0x4];
	s17 =	simm.s32 $0x1  }
0x13: {  	[tilespmem:s16], [sflag:$0x2] =	stream.strided.gather [hbm4b:s13+s14], $0xC80, s15, s14, $0x38;
	[tilespmem:$0x1A900] =	vst v63  }
0x14: {  	_ =	swait.ge [sflag:s17], $0xC80  }
0x15: {  	[sflag:s17] =	ssyncset.done $0x0  }
0x16: {  	[sflag:s17] =	ssyncadd.s32 $0xFFFFF380  }
0x17: {  	[tilespmem:s18], [sflag:$0x3] =	stream.indirect.gather [hbm4b:s1+s14], $0x10, s3, s14, $0xb8;
	[tilespmem:$0x1A900] =	vst v63  }
0x18: {  	s19 =	simm.s32 $0xE100;
	s0 =	simm.s32 $0x0  }
0x19: {  	[tilespmem:s19], [sflag:$0x5] =	stream.indirect.gather [hbm4b:s4+s14], $0x10, s14, s14, $0xb8;
	[tilespmem:$0x1A900] =	vst v63  }
.LBB2_2:
0x1a: {  	_ =	swait.ge [sflag:s20], $0x6400  }
0x1b: {  	[sflag:s20] =	ssyncset.done $0x0  }
0x1c: {  	[sflag:s20] =	ssyncadd.s32 $0xFFFF9C00  }
0x1d: {  	p0 =	sne.s32 s0, $0x0;
	_ =	swait.ge [sflag:s21], $0x6400  }
.Ltmp0:
0x1e: {  	[sflag:s21] =	ssyncset.done $0x0;
	(pc) =	sbr.rel @!p0 .LBB2_3-.Ltmp0, $4  }
0x1f: {  	[sflag:s21] =	ssyncadd.s32 $0xFFFF9C00  }
0x20: {  	_ =	swait.ge [sflag:s22], $0xC80  }
0x21: {  	[sflag:s22] =	ssyncset.done $0x0  }
0x22: {  	s2 =	smul.u32 $0xC80, s0;
	[sflag:s22] =	ssyncadd.s32 $0xFFFFF380  }
0x23: {  	_ =	swait.ge [sflag:s30], $0x6400;
	p1 =	seq.s32 s0, $0x7  }
.Ltmp1:
0x24: {  	[sflag:s30] =	ssyncset.done $0x0;
	(pc) =	sbr.rel @p1 .LBB2_6-.Ltmp1, $4  }
.Ltmp2:
0x25: {  	[sflag:s30] =	ssyncadd.s32 $0xFFFF9C00;
	(pc) =	sbr.rel @!p1 .LBB2_5-.Ltmp2, $4  }
0x26: {  	[tilespmem:s23], [sflag:$0x4] =	stream.indirect.gather [hbm4b:s1+s14], $0x10, s16, s14, $0xb8;
	[tilespmem:$0x1A900] =	vst v63  }
0x27: {  	p0 =	por $0x1, $0x1  }
0x28: {  	[tilespmem:s25], [sflag:$0x6] =	stream.indirect.gather [hbm4b:s4+s14], $0x10, s24, s14, $0xb8;
	[tilespmem:$0x1A900] =	vst v63  }
0x29: {  	_ = 	snop  }
.LBB2_3:
0x2a: {  	[tilespmem:s23], [sflag:$0x4] =	stream.indirect.gather [hbm4b:s1+s14], $0x10, s16, s14, $0xb8;
	[tilespmem:$0x1A900] =	vst v63  }
0x2b: {  	_ = 	snop  }
0x2c: {  	[tilespmem:s25], [sflag:$0x6] =	stream.indirect.gather [hbm4b:s4+s14], $0x10, s24, s14, $0xb8;
	[tilespmem:$0x1A900] =	vst v63  }
.LBB2_5:
0x2d: {  	s9 =	sadd.s32 s2, s11  }
0x2e: {  	s9 =	sshrl.u32 s9, $0x3  }
0x2f: {  	p0 =	por $0x0, $0x0;
	s9 =	sadd.s32 s6, s9  }
0x30: {  	[tilespmem:s3], [sflag:$0x1] =	stream.strided.gather [hbm4b:s9+s14], $0xC80, s15, s14, $0x38;
	[tilespmem:$0x1A900] =	vst v63  }
.LBB2_6:
0x31: {  	s19 =	simm.s32 $0x1920  }
0x32: {  	s9 =	simm.s32 $0xE120;
	v0 =	vld [tilespmem:s19+$0xFFFFFFE0]  }
0x33: {  	v1 =	vld [tilespmem:s9+$0xFFFFFFE0];
	_ =	sdelay $0x4  }
0x34: {  	v0 =	vadd.f32 v1, v0;
	_ =	sdelay $0x1  }
0x35: {  	v0 =	vmax.f32 v0, $0.0e+00  }
0x36: {  	[tilespmem:s19+$0xFFFFFFE0] =	vst v0;
	v0 =	vld [tilespmem:s19+$0xFFFFFFF0]  }
0x37: {  	v1 =	vld [tilespmem:s9+$0xFFFFFFF0];
	_ =	sdelay $0x4  }
0x38: {  	v0 =	vadd.f32 v1, v0;
	_ =	sdelay $0x1  }
0x39: {  	v0 =	vmax.f32 v0, $0.0e+00  }
0x3a: {  	[tilespmem:s19+$0xFFFFFFF0] =	vst v0;
	v0 =	vld [tilespmem:s19+$0x0]  }
0x3b: {  	v1 =	vld [tilespmem:s9+$0x0];
	_ =	sdelay $0x4  }
0x3c: {  	v0 =	vadd.f32 v1, v0;
	_ =	sdelay $0x1  }
0x3d: {  	v0 =	vmax.f32 v0, $0.0e+00  }
0x3e: {  	[tilespmem:s19+$0x0] =	vst v0;
	v0 =	vld [tilespmem:s19+$0x10]  }
0x3f: {  	v1 =	vld [tilespmem:s9+$0x10];
	_ =	sdelay $0x4  }
0x40: {  	v0 =	vadd.f32 v1, v0;
	_ =	sdelay $0x1  }
0x41: {  	s10 =	sadd.s32 s5, s2;
	s13 =	simm.s32 $0x0;
	s17 =	simm.s32 $0x1960;
	v0 =	vmax.f32 v0, $0.0e+00  }
.LBB2_7:
0x42: {  	v1 =	vld [tilespmem:s17+$0xFFFFFFE0];
	[tilespmem:s19+$0x10] =	vst v0;
	s9 =	sadd.s32 $0x40, s9;
	s19 =	smov.u32 s17  }
0x43: {  	s13 =	sadd.s32 $0x4, s13;
	v0 =	vld [tilespmem:s9+$0xFFFFFFE0]  }
0x44: {  	p1 =	slt.u32 s13, $0x63C;
	_ =	sdelay $0x3  }
0x45: {  	v0 =	vadd.f32 v0, v1;
	_ =	sdelay $0x1  }
0x46: {  	v0 =	vmax.f32 v0, $0.0e+00  }
0x47: {  	[tilespmem:s17+$0xFFFFFFE0] =	vst v0;
	v0 =	vld [tilespmem:s17+$0xFFFFFFF0]  }
0x48: {  	v1 =	vld [tilespmem:s9+$0xFFFFFFF0];
	_ =	sdelay $0x4  }
0x49: {  	v0 =	vadd.f32 v1, v0;
	_ =	sdelay $0x1  }
0x4a: {  	v0 =	vmax.f32 v0, $0.0e+00  }
0x4b: {  	[tilespmem:s17+$0xFFFFFFF0] =	vst v0;
	v0 =	vld [tilespmem:s17+$0x0]  }
0x4c: {  	v1 =	vld [tilespmem:s9+$0x0];
	_ =	sdelay $0x4  }
0x4d: {  	v0 =	vadd.f32 v1, v0;
	_ =	sdelay $0x1  }
0x4e: {  	v0 =	vmax.f32 v0, $0.0e+00  }
0x4f: {  	[tilespmem:s17+$0x0] =	vst v0;
	v0 =	vld [tilespmem:s17+$0x10]  }
0x50: {  	v1 =	vld [tilespmem:s9+$0x10];
	_ =	sdelay $0x2  }
.Ltmp3:
0x51: {  	(pc) =	sbr.rel @p1 .LBB2_7-.Ltmp3, $3  }
0x52: {  	_ = 	snop  }
0x53: {  	v0 =	vadd.f32 v1, v0;
	_ =	sdelay $0x1  }
0x54: {  	s17 =	sadd.s32 $0x40, s17;
	v0 =	vmax.f32 v0, $0.0e+00  }
0x55: {  	s9 =	sshll.u32 s10, $0x1  }
0x56: {  	[tilespmem:s19+$0x10] =	vst v0;
	s9 =	sadd.s32 s7, s9  }
0x57: {  	[hbm4b:s9+s3] =	stream.linear.scatter [tilespmem:s18], [sflag:$0x7], $0x6400, $0x38;
	[tilespmem:$0x1A900] =	vst v63  }
0x58: {  	_ =	swait.ge [sflag:s26], $0x6400  }
0x59: {  	[sflag:s26] =	ssyncset.done $0x0  }
0x5a: {  	[sflag:s26] =	ssyncadd.s32 $0xFFFF9C00  }
0x5b: {  	_ =	swait.ge [sflag:s28], $0x6400  }
0x5c: {  	[sflag:s28] =	ssyncset.done $0x0  }
0x5d: {  	s9 =	simm.s32 @!p0 $0x1;
	[sflag:s28] =	ssyncadd.s32 $0xFFFF9C00  }
0x5e: {  	_ =	swait.ge @!p0 [sflag:s9], $0xC80  }
0x5f: {  	[sflag:s9] =	ssyncset.done @!p0 $0x0  }
0x60: {  	[sflag:s9] =	ssyncadd.s32 @!p0 $0xFFFFF380;
	s9 =	simm.s32 @!p0 $0x7  }
0x61: {  	_ =	swait.ge @!p0 [sflag:s9], $0x6400  }
0x62: {  	s10 =	simm.s32 @!p0 $0x0;
	[sflag:s9] =	ssyncset.done @!p0 $0x0  }
0x63: {  	s13 =	simm.s32 @!p0 $0x1900;
	[sflag:s9] =	ssyncadd.s32 @!p0 $0xFFFF9C00;
	s9 =	simm.s32 @!p0 $0x640  }
0x64: {  	[tilespmem:s13], [sflag:$0x3] =	stream.indirect.gather @!p0 [hbm4b:s1+s9], $0x10, s10, s9, $0xb8;
	[tilespmem:$0x1A900] =	vst v63  }
0x65: {  	s10 =	simm.s32 @!p0 $0xE100  }
0x66: {  	[tilespmem:s10], [sflag:$0x5] =	stream.indirect.gather @!p0 [hbm4b:s4+s9], $0x10, s9, s9, $0xb8;
	[tilespmem:$0x1A900] =	vst v63  }
0x67: {  	s10 =	sadd.s32 @!p0 s2, s12  }
0x68: {  	s17 =	simm.s32 @!p0 $0xC80;
	s10 =	sshrl.u32 @!p0 s10, $0x3  }
0x69: {  	s19 =	simm.s32 $0x7D20;
	s13 =	simm.s32 @!p0 $0xC8000;
	s10 =	sadd.s32 @!p0 s6, s10  }
0x6a: {  	[tilespmem:s17], [sflag:$0x2] =	stream.strided.gather @!p0 [hbm4b:s10+s9], $0xC80, s13, s9, $0x38;
	[tilespmem:$0x1A900] =	vst v63  }
0x6b: {  	s9 =	simm.s32 $0x14520;
	v0 =	vld [tilespmem:s19+$0xFFFFFFE0]  }
0x6c: {  	v1 =	vld [tilespmem:s9+$0xFFFFFFE0];
	_ =	sdelay $0x4  }
0x6d: {  	v0 =	vadd.f32 v1, v0;
	_ =	sdelay $0x1  }
0x6e: {  	v0 =	vmax.f32 v0, $0.0e+00  }
0x6f: {  	[tilespmem:s19+$0xFFFFFFE0] =	vst v0;
	v0 =	vld [tilespmem:s19+$0xFFFFFFF0]  }
0x70: {  	v1 =	vld [tilespmem:s9+$0xFFFFFFF0];
	_ =	sdelay $0x4  }
0x71: {  	v0 =	vadd.f32 v1, v0;
	_ =	sdelay $0x1  }
0x72: {  	v0 =	vmax.f32 v0, $0.0e+00  }
0x73: {  	[tilespmem:s19+$0xFFFFFFF0] =	vst v0;
	v0 =	vld [tilespmem:s19+$0x0]  }
0x74: {  	v1 =	vld [tilespmem:s9+$0x0];
	_ =	sdelay $0x4  }
0x75: {  	v0 =	vadd.f32 v1, v0;
	_ =	sdelay $0x1  }
0x76: {  	v0 =	vmax.f32 v0, $0.0e+00  }
0x77: {  	[tilespmem:s19+$0x0] =	vst v0;
	v0 =	vld [tilespmem:s19+$0x10]  }
0x78: {  	v1 =	vld [tilespmem:s9+$0x10];
	_ =	sdelay $0x4  }
0x79: {  	v0 =	vadd.f32 v1, v0;
	_ =	sdelay $0x1  }
0x7a: {  	s2 =	sadd.s32 s2, s8;
	s10 =	simm.s32 $0x0;
	s13 =	simm.s32 $0x7D60;
	v0 =	vmax.f32 v0, $0.0e+00  }
.LBB2_9:
0x7b: {  	v1 =	vld [tilespmem:s13+$0xFFFFFFE0];
	[tilespmem:s19+$0x10] =	vst v0;
	s9 =	sadd.s32 $0x40, s9;
	s19 =	smov.u32 s13  }
0x7c: {  	s10 =	sadd.s32 $0x4, s10;
	v0 =	vld [tilespmem:s9+$0xFFFFFFE0]  }
0x7d: {  	p0 =	slt.u32 s10, $0x63C;
	_ =	sdelay $0x3  }
0x7e: {  	v0 =	vadd.f32 v0, v1;
	_ =	sdelay $0x1  }
0x7f: {  	v0 =	vmax.f32 v0, $0.0e+00  }
0x80: {  	[tilespmem:s13+$0xFFFFFFE0] =	vst v0;
	v0 =	vld [tilespmem:s13+$0xFFFFFFF0]  }
0x81: {  	v1 =	vld [tilespmem:s9+$0xFFFFFFF0];
	_ =	sdelay $0x4  }
0x82: {  	v0 =	vadd.f32 v1, v0;
	_ =	sdelay $0x1  }
0x83: {  	v0 =	vmax.f32 v0, $0.0e+00  }
0x84: {  	[tilespmem:s13+$0xFFFFFFF0] =	vst v0;
	v0 =	vld [tilespmem:s13+$0x0]  }
0x85: {  	v1 =	vld [tilespmem:s9+$0x0];
	_ =	sdelay $0x4  }
0x86: {  	v0 =	vadd.f32 v1, v0;
	_ =	sdelay $0x1  }
0x87: {  	v0 =	vmax.f32 v0, $0.0e+00  }
0x88: {  	[tilespmem:s13+$0x0] =	vst v0;
	v0 =	vld [tilespmem:s13+$0x10]  }
0x89: {  	v1 =	vld [tilespmem:s9+$0x10];
	_ =	sdelay $0x2  }
.Ltmp4:
0x8a: {  	(pc) =	sbr.rel @p0 .LBB2_9-.Ltmp4, $3  }
0x8b: {  	_ = 	snop  }
0x8c: {  	v0 =	vadd.f32 v1, v0;
	_ =	sdelay $0x1  }
0x8d: {  	s13 =	sadd.s32 $0x40, s13;
	v0 =	vmax.f32 v0, $0.0e+00  }
0x8e: {  	s0 =	sadd.s32 $0x1, s0  }
0x8f: {  	p0 =	sne.s32 s0, $0x8  }
.Ltmp5:
0x90: {  	_ = 	snop;
	(pc) =	sbr.rel @p0 .LBB2_2-.Ltmp5, $4  }
0x91: {  	s2 =	sshll.u32 s2, $0x1  }
0x92: {  	s2 =	sand.u32 $0x1FFFFF80, s2  }
0x93: {  	[tilespmem:s19+$0x10] =	vst v0;
	s2 =	sadd.s32 s7, s2  }
0x94: {  	[hbm4b:s2+s3] =	stream.linear.scatter [tilespmem:s23], [sflag:$0x8], $0x6400, $0x38;
	[tilespmem:$0x1A900] =	vst v63  }
0x95: {  	_ =	swait.ge [sflag:s29], $0x6400  }
0x96: {  	[sflag:s29] =	ssyncset.done $0x0  }
0x97: {  	[sflag:s29] =	ssyncadd.s32 $0xFFFF9C00  }
0x98: {  	_ =	swait.ge [sflag:s30], $0x6400  }
0x99: {  	s31 =	sadd.s32 $0x1, s31;
	s0 =	rddreg [dreg:$0x5]  }
0x9a: {  	p0 =	sne.s32 s31, s0  }
.Ltmp6:
0x9b: {  	_ = 	snop;
	(pc) =	sbr.rel @p0 .LBB2_1-.Ltmp6, $3  }
0x9c: {  	_ =	sdelay $0x1  }
0x9d: {  	[sflag:s30] =	ssyncset.done $0x0  }
0x9e: {  	[sflag:s30] =	ssyncadd.s32 $0xFFFF9C00  }
0x9f: {  	_ =	sfence.sel $0x180000  }
0xa0: {  	[bflag:$0x0] =	sbarrier.arrive $0xFFFF  }
0xa1: {  	_ =	strace $0x9000004D  }
0xa2: {  	s0 =	stileid.u32;
	[bflag:$0x2] =	sbarrier.arrive $0xFFFF  }
0xa3: {  	p0 =	sne.s32 s0, $0x0;
	s0 =	rddreg [dreg:$0x2]  }
0xa4: {  	s0 =	sadd.s32 @!p0 $0x100000, s0  }
0xa5: {  	[sflag:s0] =	ssyncadd.tile.s32 @!p0 $0x1;
	_ =	shalt  }
.Lfunc_end2:
_tile_overlayer_lowered:
.L_overlay_start_2:
0xa6: {  	(tag) =	ssettag $0x2  }
0xa7: {  	s0 =	rddreg [dreg:$0x0];
	s2 =	stileid.u32  }
0xa8: {  	s1 =	rddreg [dreg:$0x1];
	p0 =	sne.s32 s2, $0x0  }
0xa9: {  	s3 =	rddreg [dreg:$0x2];
	[bflag:$0x3] =	sbarrier.arrive $0xFFFF;
	s2 =	simm.s32 @!p0 $0x1C09  }
0xaa: {  	[timem:s3], [sflag:s2] =	dma.local @!p0 [hbm:s0], s1  }
0xab: {  	s0 =	simm.s32 @!p0 $0x9  }
0xac: {  	_ =	swait.ge @!p0 [sflag:s0], s1  }
0xad: {  	s1 =	ssub.s32 @!p0 $0x0, s1;
	[sflag:s0] =	ssyncset.done @!p0 $0x0  }
0xae: {  	[sflag:s0] =	ssyncadd.s32 @!p0 s1  }
0xaf: {  	[bflag:$0x3] =	sbarrier.arrive $0xFFFF  }
0xb0: {  	_ =	shalt  }

// kernel: kernel.8.cloned.1.call-start
scs
__scs_entry_jumppad:
0x0: {  	(pc) =	sbr.rel $0x88, $3  }
0x1: {  	(tag) =	ssettag $0x0;
	lr =	simm.s32 $0x1  }
0x2: {  	[smem:$0x3F8B] =	sst lr;
	_ =	strace $0xD0000000  }
0x3: {  	_ = 	snop  }
0x4: {  	_ = 	snop  }
0x5: {  	_ = 	snop  }
0x6: {  	_ = 	snop  }
0x7: {  	_ = 	snop  }
__scs_overlays_trampoline_lowered:
0x8: {  	[smem:$0x3F9A] =	sst s0  }
0x9: {  	[smem:$0x3F9B] =	sst s1  }
0xa: {  	[smem:$0x3F9C] =	sst s2  }
0xb: {  	[smem:$0x3F9D] =	sst s3  }
0xc: {  	[smem:$0x3F9E] =	sst s4  }
0xd: {  	[smem:$0x3F9F] =	sst s5  }
0xe: {  	[smem:$0x3FA0] =	sst s6  }
0xf: {  	[smem:$0x3FA1] =	sst s7  }
0x10: {  	[smem:$0x3FA2] =	sst s8  }
0x11: {  	[smem:$0x3FA3] =	sst s9;
	s0 =	simm.s32 @!p0 $0x0  }
0x12: {  	s1 =	sld [smem:$0x3F89];
	s0 =	simm.s32 @p0 $0x1  }
0x13: {  	[smem:$0x3FA4] =	sst s0;
	s0 =	simm.s32 @!p1 $0x0  }
0x14: {  	s2 =	sld [smem:$0x3F88];
	s0 =	simm.s32 @p1 $0x1  }
0x15: {  	[smem:$0x3FA5] =	sst s0;
	s0 =	simm.s32 @!p2 $0x0  }
0x16: {  	s3 =	sld [smem:$0x3FDB];
	s0 =	simm.s32 @p2 $0x1  }
0x17: {  	s4 =	simm.s32 $0x1BF5;
	[smem:$0x3FA7] =	sst s0  }
0x18: {  	s0 =	sld [smem:$0x3F8A];
	_ =	swait.ge [sflag:s4], $0x0  }
0x19: {  	s7 =	sld [smem:$0x3F8B]  }
0x1a: {  	s8 =	sadd.s32 $0xFFFFE003, lr  }
0x1b: {  	s9 =	sadd.s32 $0xFFFFFEF7, lr;
	s5 =	simm.s32 $0xFFFFFFFF;
	p2 =	slt.u32 s8, $0xFFFFF086  }
0x1c: {  	p1 =	slt.u32 s9, $0xF7A;
	s5 =	simm.s32 @!p2 $0x0  }
0x1d: {  	s5 =	simm.s32 @p1 $0x1;
	p0 =	seq.s32 s7, s2  }
0x1e: {  	s7 =	smul.u32 @!p0 $0xF7A, s2;
	p2 =	seq.s32 @!p0 s5, $0x0  }
0x1f: {  	s9 =	smul.u32 $0xF7A, s1;
	s8 =	simm.s32 @!p0 $0x1BF5;
	p2 =	por !p2, p0  }
0x20: {  	[sflag:s8] =	ssyncset.s32 @!p0 $0xFFFFF086;
	s6 =	sadd.s32 @!p0 s3, s7;
	s7 =	simm.s32 @!p0 $0x108  }
0x21: {  	s3 =	sadd.s32 s3, s9;
	s6 =	sadd.s32 @!p0 $0x88, s6;
	s7 =	simm.s32 @p2 $0x1082  }
0x22: {  	[simem:s7], [sflag:s8] =	dma.local @!p0 [hbm:s6], $0xF7A  }
0x23: {  	s9 =	sor.u32 $0xD0000000, s2;
	s6 =	simm.s32 $0x108;
	_ =	swait.ge @!p0 [sflag:s8], $0x0  }
0x24: {  	s3 =	sadd.s32 $0x88, s3;
	s6 =	simm.s32 @!p1 $0x1082;
	[sflag:s4] =	ssyncset.s32 $0xFFFFF086  }
0x25: {  	[simem:s6], [sflag:s4] =	dma.local [hbm:s3], $0xF7A  }
0x26: {  	[smem:$0x3F8B] =	sst s1;
	(tag) =	ssettag s2;
	_ =	strace s9  }
0x27: {  	s1 =	sld [smem:$0x3F9B]  }
0x28: {  	s2 =	sld [smem:$0x3F9C]  }
0x29: {  	s4 =	sld [smem:$0x3F9E]  }
0x2a: {  	p0 =	seq.s32 s5, $0x0;
	s5 =	sld [smem:$0x3F9F]  }
0x2b: {  	s6 =	sld [smem:$0x3FA0]  }
0x2c: {  	s7 =	sld [smem:$0x3FA1]  }
0x2d: {  	s3 =	simm.s32 $0x108;
	s8 =	sld [smem:$0x3FA2]  }
0x2e: {  	s3 =	simm.s32 @!p0 $0x1082;
	s9 =	sld [smem:$0x3FA3]  }
0x2f: {  	lr =	sadd.s32 s0, s3;
	s0 =	sld [smem:$0x3F9A]  }
0x30: {  	s3 =	sld [smem:$0x3F9D]  }
0x31: {  	[smem:$0x3FA6] =	sst s10  }
0x32: {  	s10 =	sld [smem:$0x3FA4];
	_ =	sdelay $0x3  }
0x33: {  	p0 =	seq.s32 s10, $0x1;
	s10 =	sld [smem:$0x3FA6];
	_ =	sdelay $0x3  }
0x34: {  	[smem:$0x3FA6] =	sst s10  }
0x35: {  	s10 =	sld [smem:$0x3FA5];
	_ =	sdelay $0x3  }
0x36: {  	p1 =	seq.s32 s10, $0x1;
	s10 =	sld [smem:$0x3FA6];
	_ =	sdelay $0x3  }
0x37: {  	[smem:$0x3FA6] =	sst s10  }
0x38: {  	s10 =	sld [smem:$0x3FA7]  }
0x39: {  	_ = 	snop;
	(pc) =	sbr.ind lr, $3  }
0x3a: {  	_ = 	snop  }
0x3b: {  	_ = 	snop  }
0x3c: {  	p2 =	seq.s32 s10, $0x1;
	s10 =	sld [smem:$0x3FA6]  }
0x3d: {  	_ =	shalt  }
0x3e: {  	_ =	shalt  }
0x3f: {  	_ =	shalt  }
0x40: {  	_ =	shalt  }
0x41: {  	_ =	shalt  }
0x42: {  	_ =	shalt  }
0x43: {  	_ =	shalt  }
0x44: {  	_ =	shalt  }
0x45: {  	_ =	shalt  }
0x46: {  	_ =	shalt  }
0x47: {  	_ =	shalt  }
0x48: {  	_ =	shalt  }
0x49: {  	_ =	shalt  }
0x4a: {  	_ =	shalt  }
0x4b: {  	_ =	shalt  }
0x4c: {  	_ =	shalt  }
0x4d: {  	_ =	shalt  }
0x4e: {  	_ =	shalt  }
0x4f: {  	_ =	shalt  }
0x50: {  	_ =	shalt  }
0x51: {  	_ =	shalt  }
0x52: {  	_ =	shalt  }
0x53: {  	_ =	shalt  }
0x54: {  	_ =	shalt  }
0x55: {  	_ =	shalt  }
0x56: {  	_ =	shalt  }
0x57: {  	_ =	shalt  }
0x58: {  	_ =	shalt  }
0x59: {  	_ =	shalt  }
0x5a: {  	_ =	shalt  }
0x5b: {  	_ =	shalt  }
0x5c: {  	_ =	shalt  }
0x5d: {  	_ =	shalt  }
0x5e: {  	_ =	shalt  }
0x5f: {  	_ =	shalt  }
0x60: {  	_ =	shalt  }
0x61: {  	_ =	shalt  }
0x62: {  	_ =	shalt  }
0x63: {  	_ =	shalt  }
0x64: {  	_ =	shalt  }
0x65: {  	_ =	shalt  }
0x66: {  	_ =	shalt  }
0x67: {  	_ =	shalt  }
0x68: {  	_ =	shalt  }
0x69: {  	_ =	shalt  }
0x6a: {  	_ =	shalt  }
0x6b: {  	_ =	shalt  }
0x6c: {  	_ =	shalt  }
0x6d: {  	_ =	shalt  }
0x6e: {  	_ =	shalt  }
0x6f: {  	_ =	shalt  }
0x70: {  	_ =	shalt  }
0x71: {  	_ =	shalt  }
0x72: {  	_ =	shalt  }
0x73: {  	_ =	shalt  }
0x74: {  	_ =	shalt  }
0x75: {  	_ =	shalt  }
0x76: {  	_ =	shalt  }
0x77: {  	_ =	shalt  }
0x78: {  	_ =	shalt  }
0x79: {  	_ =	shalt  }
0x7a: {  	_ =	shalt  }
0x7b: {  	_ =	shalt  }
0x7c: {  	_ =	shalt  }
0x7d: {  	_ =	shalt  }
0x7e: {  	_ =	shalt  }
0x7f: {  	_ =	shalt  }
0x80: {  	_ =	shalt  }
0x81: {  	_ =	shalt  }
0x82: {  	_ =	shalt  }
0x83: {  	_ =	shalt  }
0x84: {  	_ =	shalt  }
0x85: {  	_ =	shalt  }
0x86: {  	_ =	shalt  }
0x87: {  	_ =	shalt  }
.Lfunc_end0:
.L_simem_size_0:
called_computation_lowered:
.L_overlay_start_0:
0x88: {  	s2 =	sld [smem:$0x3FD9]  }
0x89: {  	s3 =	sld [smem:$0x3FFE];
	_ =	sdelay $0x1  }
0x8a: {  	s1 =	srdreg.scid  }
0x8b: {  	s0 =	sand.u32 $0x1, s1  }
0x8c: {  	s17 =	sshll.u32 s0, $0xA;
	s2 =	sadd.s32 s3, s2  }
0x8d: {  	s2 =	sadd.s32 s2, s17  }
0x8e: {  	[smem:$0x3FB2] =	sst s2  }
0x8f: {  	_ = 	snop  }
0x90: {  	s2 =	sld [smem:$0x3FD0];
	(tm) =	ssettm $0x1  }
0x91: {  	s18 =	sld [smem:$0x3FFB];
	_ =	sdelay $0x3  }
0x92: {  	_ =	strace s18  }
0x93: {  	s3 =	sld [smem:$0x3FFC];
	_ =	sdelay $0x3  }
0x94: {  	_ =	strace s3  }
0x95: {  	s3 =	sld [smem:$0x3FFD];
	_ =	sdelay $0x3  }
0x96: {  	_ =	strace s3  }
0x97: {  	_ =	strace $0x8FFFFFFF  }
0x98: {  	s19 =	sld [smem:$0x3FDB];
	_ =	sdelay $0x1  }
0x99: {  	s4 =	simm.s32 $_scs_section_size  }
0x9a: {  	s5 =	simm.s32 $_size__tile_overlayer_lowered;
	s6 =	simm.s32 $_tile_overlayer_lowered  }
0x9b: {  	s22 =	simm.s32 $0x1BFF;
	s21 =	sshll.u32 s6, $0x1;
	s3 =	sadd.s32 s4, s19  }
0x9c: {  	s7 =	simm.s32 $0x0;
	s20 =	sshll.u32 s5, $0x1;
	s5 =	sadd.s32 s21, s3  }
0x9d: {  	[timem:s7], [sflag:s22] =	dma.local [hbm:s5], s20  }
0x9e: {  	_ =	swait.ge [sflag:s22], s20  }
0x9f: {  	s4 =	ssub.s32 $0x0, s20;
	[sflag:s22] =	ssyncset.done $0x0  }
0xa0: {  	[sflag:s22] =	ssyncadd.s32 s4;
	_ =	sdelay $0x1  }
0xa1: {  	s23 =	simm.s32 $0x1B8B  }
0xa2: {  	_ =	swait.ge [sflag:s23], $0x1  }
0xa3: {  	[sflag:s23] =	ssyncset.done $0x0  }
0xa4: {  	s25 =	simm.s32 $0x1B8E;
	s24 =	sld [smem:$0x3FFE];
	[sflag:s23] =	ssyncadd.s32 $0xFFFFFFFF  }
0xa5: {  	s26 =	simm.s32 $execute0_lowered;
	[smem:$0x3FD2] =	sst s25  }
0xa6: {  	s5 =	sshll.u32 s26, $0x1;
	_ =	strace $0x80000046;
	[dreg:$0x1] =	wrdreg $0xFFFFFFFF  }
0xa7: {  	s28 =	simm.s32 $_size_execute0_lowered;
	s3 =	sadd.s32 s3, s5;
	[dreg:$0x0] =	wrdreg $0x0  }
0xa8: {  	s5 =	sshll.u32 s28, $0x1;
	[dreg:$0x2] =	wrdreg s3  }
0xa9: {  	[dreg:$0x3] =	wrdreg s5  }
0xaa: {  	[dreg:$0x4] =	wrdreg $0xC0  }
0xab: {  	_ =	task [dreg:s7], $0x5FFFF  }
0xac: {  	[dreg:$0x1] =	wrdreg $0xFFFFFFFF  }
0xad: {  	[dreg:$0x0] =	wrdreg $0x60  }
0xae: {  	[dreg:$0x2] =	wrdreg s24  }
0xaf: {  	[dreg:$0x3] =	wrdreg s2  }
0xb0: {  	[dreg:$0x4] =	wrdreg $0x3B600  }
0xb1: {  	[dreg:$0x5] =	wrdreg $0x9  }
0xb2: {  	_ =	task.clear_ibuf [dreg:s7], $0x6FFFF;
	_ =	strace $0x90000046  }
0xb3: {  	s29 =	simm.s32 $0x9;
	_ =	strace $0x80000048  }
0xb4: {  	_ =	swait.ge [sflag:s29], $0x1  }
0xb5: {  	[sflag:s29] =	ssyncadd.s32 $0xFFFFFFFF  }
0xb6: {  	_ =	strace $0x90000048  }
0xb7: {  	_ =	sfence  }
0xb8: {  	s30 =	sld [smem:$0x0];
	_ =	sdelay $0x2  }
0xb9: {  	s31 =	sshll.u32 s1, $0xD;
	s1 =	sshrl.u32 s1, $0x2  }
0xba: {  	s3 =	sand.u32 $0x4000, s31;
	s1 =	sadd.s32 s1, s30  }
0xbb: {  	s0 =	sor.u32 s3, s0;
	s1 =	sshll.u32 s1, $0x11  }
0xbc: {  	s0 =	sor.u32 s1, s0  }
0xbd: {  	s0 =	sadd.s32 $0x8F2B, s0  }
0xbe: {  	[sflag:s0] =	ssyncadd.remote.s32 $0x1  }
0xbf: {  	_ =	sfence.sel $0xFFFF  }
0xc0: {  	[dreg:$0x0] =	wrdreg $0xFFFFFFFF;
	(pc) =	sbr.abs _section_cstart, $3  }
0xc1: {  	[dreg:$0x1] =	wrdreg $0xFFFFFFFF  }
0xc2: {  	_ =	task.clear_ibuf [dreg:s7], $0x2FFFF;
	_ =	strace $0x9FFFFFFF  }
0xc3: {  	(tm) =	ssettm $0x7FFFFFFF  }
tec
execute0_lowered:
.L_overlay_start_1:
0x0: {  	(tag) =	ssettag $0x1  }
0x1: {  	s0 =	rddreg [dreg:$0x0]  }
0x2: {  	s1 =	rddreg [dreg:$0x1]  }
0x3: {  	s2 =	rddreg [dreg:$0x2];
	s3 =	simm.s32 $0x0;
	s4 =	srdreg.scid  }
0x4: {  	s18 =	stileid.u32;
	[smem:$0x7FF] =	sst s3  }
0x5: {  	s4 =	sand.u32 $0x1, s4;
	s5 =	sadd.s32 $0x2400, s0;
	s6 =	sadd.s32 $0x1CE00, s0  }
0x6: {  	s9 =	smul.u32 $0x18700, s18;
	s7 =	sadd.s32 $0x3E00, s0;
	s10 =	sadd.s32 $0x35E00, s0  }
0x7: {  	s24 =	sadd.s32 $0x2200, s0;
	_ =	strace $0x80000047;
	[dreg:$0x4] =	wrdreg s10  }
0x8: {  	s11 =	smul.u32 $0x61C00, s18;
	s12 =	sadd.s32 $0x2000, s0;
	[dreg:$0x5] =	wrdreg s24  }
0x9: {  	s8 =	smul.u32 $0x187000, s4;
	s25 =	ssub.s32 $0x2, s4;
	[dreg:$0x6] =	wrdreg s12  }
0xa: {  	s10 =	sshll.u32 s4, $0x1;
	s13 =	sshllo.u32 s4, $0x1;
	s12 =	smul.u32 $0xC800, s18  }
0xb: {  	s4 =	simm.s32 $0x3;
	s26 =	sshrl.u32 s25, $0x1;
	s29 =	sshrl.u32 s11, $0x2  }
0xc: {  	s14 =	sor.u32 $0x5, s10;
	s15 =	sadd.s32 $0x6, s10;
	s28 =	ssub.s32 s25, s26  }
0xd: {  	s30 =	sadd.s32 s9, s2;
	s11 =	sadd.s32 s29, s2;
	s31 =	smax.u32 s28, $0x1  }
0xe: {  	s8 =	sadd.s32 s9, s8;
	s9 =	sadd.s32 $0x30E0, s11;
	[dreg:$0x8] =	wrdreg s31  }
0xf: {  	s16 =	sadd.s32 $0xA, s10;
	s18 =	sadd.s32 $0x4950, s11;
	[dreg:$0xa] =	wrdreg s9  }
0x10: {  	s17 =	sadd.s32 $0xB, s10;
	s19 =	sadd.s32 $0x61C0, s11;
	[dreg:$0xb] =	wrdreg s18  }
0x11: {  	v0 =	vmov s10;
	s10 =	simm.s32 $0x15E0;
	s20 =	sadd.s32 $0x7A30, s11;
	[dreg:$0xc] =	wrdreg s19  }
0x12: {  	v1 =	vmov s13;
	s13 =	simm.s32 $0x320;
	s21 =	sadd.s32 $0x92A0, s11;
	[dreg:$0xe] =	wrdreg s20  }
0x13: {  	v2 =	vmov s14;
	s14 =	simm.s32 $0x640;
	s22 =	sadd.s32 $0xAB10, s11;
	[dreg:$0xf] =	wrdreg s21  }
0x14: {  	v4 =	vmov s15;
	s15 =	simm.s32 $0x960;
	s23 =	sadd.s32 $0xC380, s11;
	[dreg:$0x10] =	wrdreg s22  }
0x15: {  	v5 =	vmov s16;
	s16 =	simm.s32 $0xC80;
	s24 =	sadd.s32 $0xDBF0, s11;
	[dreg:$0x11] =	wrdreg s23  }
0x16: {  	v3 =	vmov s17;
	s17 =	simm.s32 $0xFA0;
	s25 =	sadd.s32 $0xF460, s11;
	[dreg:$0x12] =	wrdreg s24  }
0x17: {  	s8 =	sshrl.u32 s8, $0x3;
	s26 =	sadd.s32 $0x10CD0, s11;
	[dreg:$0x13] =	wrdreg s25  }
0x18: {  	s28 =	sadd.s32 $0x12540, s11;
	s29 =	sadd.s32 $0x13DB0, s11;
	[dreg:$0x14] =	wrdreg s26  }
0x19: {  	s0 =	sadd.s32 s8, s0;
	s8 =	sadd.s32 $0x1870, s11;
	[dreg:$0x15] =	wrdreg s28  }
0x1a: {  	[dreg:$0x16] =	wrdreg s29;
	s31 =	sadd.s32 $0x16E90, s11;
	s9 =	simm.s32 $0x1630  }
0x1b: {  	s18 =	simm.s32 $0x12C0;
	s19 =	simm.s32 $0x1;
	[dreg:$0x9] =	wrdreg s8  }
0x1c: {  	s20 =	simm.s32 $0x2;
	s0 =	sadd.s32 $0x36000, s0;
	[dreg:$0x18] =	wrdreg s31  }
0x1d: {  	s21 =	simm.s32 $0x1CB0;
	[dreg:$0x7] =	wrdreg s0;
	s0 =	sshrl.u32 s30, $0x3  }
0x1e: {  	v8 =	vimm.f32 $0.0e+00;
	v6 =	vshll.u32 v0, $0x4;
	s22 =	simm.s32 $0x1670;
	s30 =	sadd.s32 $0x15620, s11;
	[dreg:$0xd] =	wrdreg s0  }
0x1f: {  	v7 =	vshll.u32 v1, $0x4;
	v4 =	vbroadcast v4, $0x0;
	v5 =	vbroadcast v5, $0x0;
	s8 =	simm.s32 $0x15F0;
	[dreg:$0x17] =	wrdreg s30;
	s0 =	simm.s32 $0x22F0  }
.LBB2_1:
0x20: {  	s23 =	simm.s32 $0x40;
	s24 =	simm.s32 $0x0  }
.LBB2_2:
0x21: {  	p0 =	sne.s32 s23, $0x6180;
	[tilespmem:s24+$0x22F0] =	vst v8;
	s24 =	smov.u32 s23;
	s23 =	sadd.s32 $0x40, s23  }
.Ltmp0:
0x22: {  	(pc) =	sbr.rel @p0 .LBB2_2-.Ltmp0, $2  }
0x23: {  	_ =	sdelay $0x2  }
0x24: {  	s24 =	sshra.s32 s24, $0x2  }
0x25: {  	[tilespmem:s24+$0x22F0] =	vst v8  }
0x26: {  	[spmem:s11] =	stream.linear.scatter [tilespmem:s0], [sflag:$0x3], $0x1870, $0x38;
	[tilespmem:$0x1C260] =	vst v63  }
0x27: {  	_ =	swait.ge [sflag:s4], $0x1870  }
0x28: {  	[sflag:s4] =	ssyncset.done $0x0  }
0x29: {  	s23 =	rddreg [dreg:$0x9];
	[sflag:s4] =	ssyncadd.s32 $0xFFFFE790  }
0x2a: {  	[spmem:s23] =	stream.linear.scatter [tilespmem:s0], [sflag:$0x3], $0x1870, $0x38;
	[tilespmem:$0x1C260] =	vst v63  }
0x2b: {  	_ =	swait.ge [sflag:s4], $0x1870  }
0x2c: {  	[sflag:s4] =	ssyncset.done $0x0  }
0x2d: {  	s29 =	rddreg [dreg:$0xa];
	[sflag:s4] =	ssyncadd.s32 $0xFFFFE790  }
0x2e: {  	[spmem:s29] =	stream.linear.scatter [tilespmem:s0], [sflag:$0x3], $0x1870, $0x38;
	[tilespmem:$0x1C260] =	vst v63  }
0x2f: {  	_ =	swait.ge [sflag:s4], $0x1870  }
0x30: {  	[sflag:s4] =	ssyncset.done $0x0  }
0x31: {  	s30 =	rddreg [dreg:$0xb];
	[sflag:s4] =	ssyncadd.s32 $0xFFFFE790  }
0x32: {  	[spmem:s30] =	stream.linear.scatter [tilespmem:s0], [sflag:$0x3], $0x1870, $0x38;
	[tilespmem:$0x1C260] =	vst v63  }
0x33: {  	_ =	swait.ge [sflag:s4], $0x1870  }
0x34: {  	[sflag:s4] =	ssyncset.done $0x0  }
0x35: {  	s31 =	rddreg [dreg:$0xc];
	[sflag:s4] =	ssyncadd.s32 $0xFFFFE790  }
0x36: {  	[spmem:s31] =	stream.linear.scatter [tilespmem:s0], [sflag:$0x3], $0x1870, $0x38;
	[tilespmem:$0x1C260] =	vst v63  }
0x37: {  	_ =	swait.ge [sflag:s4], $0x1870  }
0x38: {  	[sflag:s4] =	ssyncset.done $0x0  }
0x39: {  	s24 =	rddreg [dreg:$0xe];
	[sflag:s4] =	ssyncadd.s32 $0xFFFFE790  }
0x3a: {  	[spmem:s24] =	stream.linear.scatter [tilespmem:s0], [sflag:$0x3], $0x1870, $0x38;
	[tilespmem:$0x1C260] =	vst v63  }
0x3b: {  	_ =	swait.ge [sflag:s4], $0x1870  }
0x3c: {  	[sflag:s4] =	ssyncset.done $0x0  }
0x3d: {  	s25 =	rddreg [dreg:$0xf];
	[sflag:s4] =	ssyncadd.s32 $0xFFFFE790  }
0x3e: {  	[spmem:s25] =	stream.linear.scatter [tilespmem:s0], [sflag:$0x3], $0x1870, $0x38;
	[tilespmem:$0x1C260] =	vst v63  }
0x3f: {  	_ =	swait.ge [sflag:s4], $0x1870  }
0x40: {  	[sflag:s4] =	ssyncset.done $0x0  }
0x41: {  	s26 =	rddreg [dreg:$0x10];
	[sflag:s4] =	ssyncadd.s32 $0xFFFFE790  }
0x42: {  	[spmem:s26] =	stream.linear.scatter [tilespmem:s0], [sflag:$0x3], $0x1870, $0x38;
	[tilespmem:$0x1C260] =	vst v63  }
0x43: {  	_ =	swait.ge [sflag:s4], $0x1870  }
0x44: {  	[sflag:s4] =	ssyncset.done $0x0  }
0x45: {  	s28 =	rddreg [dreg:$0x11];
	[sflag:s4] =	ssyncadd.s32 $0xFFFFE790  }
0x46: {  	[spmem:s28] =	stream.linear.scatter [tilespmem:s0], [sflag:$0x3], $0x1870, $0x38;
	[tilespmem:$0x1C260] =	vst v63  }
0x47: {  	_ =	swait.ge [sflag:s4], $0x1870  }
0x48: {  	[sflag:s4] =	ssyncset.done $0x0  }
0x49: {  	s29 =	rddreg [dreg:$0x12];
	[sflag:s4] =	ssyncadd.s32 $0xFFFFE790  }
0x4a: {  	[spmem:s29] =	stream.linear.scatter [tilespmem:s0], [sflag:$0x3], $0x1870, $0x38;
	[tilespmem:$0x1C260] =	vst v63  }
0x4b: {  	_ =	swait.ge [sflag:s4], $0x1870  }
0x4c: {  	[sflag:s4] =	ssyncset.done $0x0  }
0x4d: {  	s30 =	rddreg [dreg:$0x13];
	[sflag:s4] =	ssyncadd.s32 $0xFFFFE790  }
0x4e: {  	[spmem:s30] =	stream.linear.scatter [tilespmem:s0], [sflag:$0x3], $0x1870, $0x38;
	[tilespmem:$0x1C260] =	vst v63  }
0x4f: {  	_ =	swait.ge [sflag:s4], $0x1870  }
0x50: {  	[sflag:s4] =	ssyncset.done $0x0  }
0x51: {  	s31 =	rddreg [dreg:$0x14];
	[sflag:s4] =	ssyncadd.s32 $0xFFFFE790  }
0x52: {  	[spmem:s31] =	stream.linear.scatter [tilespmem:s0], [sflag:$0x3], $0x1870, $0x38;
	[tilespmem:$0x1C260] =	vst v63  }
0x53: {  	_ =	swait.ge [sflag:s4], $0x1870  }
0x54: {  	[sflag:s4] =	ssyncset.done $0x0  }
0x55: {  	s24 =	rddreg [dreg:$0x15];
	[sflag:s4] =	ssyncadd.s32 $0xFFFFE790  }
0x56: {  	[spmem:s24] =	stream.linear.scatter [tilespmem:s0], [sflag:$0x3], $0x1870, $0x38;
	[tilespmem:$0x1C260] =	vst v63  }
0x57: {  	_ =	swait.ge [sflag:s4], $0x1870  }
0x58: {  	[sflag:s4] =	ssyncset.done $0x0  }
0x59: {  	s25 =	rddreg [dreg:$0x16];
	[sflag:s4] =	ssyncadd.s32 $0xFFFFE790  }
0x5a: {  	[spmem:s25] =	stream.linear.scatter [tilespmem:s0], [sflag:$0x3], $0x1870, $0x38;
	[tilespmem:$0x1C260] =	vst v63  }
0x5b: {  	_ =	swait.ge [sflag:s4], $0x1870  }
0x5c: {  	[sflag:s4] =	ssyncset.done $0x0  }
0x5d: {  	s26 =	rddreg [dreg:$0x17];
	[sflag:s4] =	ssyncadd.s32 $0xFFFFE790  }
0x5e: {  	[spmem:s26] =	stream.linear.scatter [tilespmem:s0], [sflag:$0x3], $0x1870, $0x38;
	[tilespmem:$0x1C260] =	vst v63  }
0x5f: {  	_ =	swait.ge [sflag:s4], $0x1870  }
0x60: {  	[sflag:s4] =	ssyncset.done $0x0  }
0x61: {  	s28 =	rddreg [dreg:$0x18];
	[sflag:s4] =	ssyncadd.s32 $0xFFFFE790  }
0x62: {  	[spmem:s28] =	stream.linear.scatter [tilespmem:s0], [sflag:$0x3], $0x1870, $0x38;
	[tilespmem:$0x1C260] =	vst v63  }
0x63: {  	_ =	swait.ge [sflag:s4], $0x1870  }
0x64: {  	[sflag:s4] =	ssyncset.done $0x0  }
0x65: {  	s23 =	simm.s32 $0x0;
	s29 =	rddreg [dreg:$0x5];
	[sflag:s4] =	ssyncadd.s32 $0xFFFFE790  }
0x66: {  	[tilespmem:s8], [sflag:$0x3] =	stream.linear.gather [hbm4b:s29+s23], $0x40, $0x38;
	[tilespmem:$0x1C260] =	vst v63  }
0x67: {  	_ =	swait.ge [sflag:s4], $0x40  }
0x68: {  	[sflag:s4] =	ssyncset.done $0x0  }
0x69: {  	s30 =	rddreg [dreg:$0x6];
	[sflag:s4] =	ssyncadd.s32 $0xFFFFFFC0  }
0x6a: {  	[tilespmem:s9], [sflag:$0x3] =	stream.linear.gather [hbm4b:s30+s23], $0x40, $0x38;
	[tilespmem:$0x1C260] =	vst v63  }
0x6b: {  	_ =	swait.ge [sflag:s4], $0x40  }
0x6c: {  	[sflag:s4] =	ssyncset.done $0x0  }
0x6d: {  	s31 =	rddreg [dreg:$0x4];
	[sflag:s4] =	ssyncadd.s32 $0xFFFFFFC0  }
0x6e: {  	[tilespmem:s10], [sflag:$0x3] =	stream.linear.gather [hbm4b:s31+s23], $0x10, $0x38;
	[tilespmem:$0x1C260] =	vst v63  }
0x6f: {  	_ =	swait.ge [sflag:s4], $0x10  }
0x70: {  	[sflag:s4] =	ssyncset.done $0x0  }
0x71: {  	[sflag:s4] =	ssyncadd.s32 $0xFFFFFFF0  }
0x72: {  	v9 =	vld.idx.msk [tilespmem:v0+s10+$0x0], $0xffff  }
0x73: {  	v10 =	vld.idx.msk [tilespmem:v1+s10+$0x0], $0xffff  }
0x74: {  	v11 =	vld.idx.msk [tilespmem:v2+s10+$0x0], $0xffff  }
0x75: {  	v12 =	vld.idx.msk [tilespmem:v4+s10+$0x0], $0xffff  }
0x76: {  	v13 =	vld.idx.msk [tilespmem:v5+s10+$0x0], $0xffff  }
0x77: {  	s24 =	simm.s32 $0x0;
	v14 =	vld.idx.msk [tilespmem:v3+s10+$0x0], $0xffff;
	[bflag:$0x0] =	sbarrier.arrive $0xFFFF  }
.LBB2_4:
0x78: {  	s25 =	smul.u32 $0x320, s24;
	_ =	sdelay $0x1  }
0x79: {  	s25 =	sadd.s32 s12, s25  }
0x7a: {  	s25 =	sshrl.u32 s25, $0x3  }
0x7b: {  	s26 =	sadd.s32 s6, s25  }
0x7c: {  	[tilespmem:s23], [sflag:$0x3] =	stream.linear.gather [hbm4b:s26+s23], $0x320, $0x38;
	[tilespmem:$0x1C260] =	vst v63  }
0x7d: {  	_ =	swait.ge [sflag:s4], $0x320  }
0x7e: {  	[sflag:s4] =	ssyncset.done $0x0  }
0x7f: {  	s31 =	sadd.s32 s7, s25;
	[sflag:s4] =	ssyncadd.s32 $0xFFFFFCE0  }
0x80: {  	[tilespmem:s13], [sflag:$0x3] =	stream.linear.gather [hbm4b:s31+s23], $0x320, $0x38;
	[tilespmem:$0x1C260] =	vst v63  }
0x81: {  	_ =	swait.ge [sflag:s4], $0x320  }
0x82: {  	[sflag:s4] =	ssyncset.done $0x0  }
0x83: {  	[sflag:s4] =	ssyncadd.s32 $0xFFFFFCE0  }
0x84: {  	[tilespmem:s14], [sflag:$0x1] =	stream.indirect.gather [hbm4b:s5+s13], $0x1, s23, s13, $0xb8;
	[tilespmem:$0x1C260] =	vst v63  }
0x85: {  	_ = 	snop  }
0x86: {  	[tilespmem:s15], [sflag:$0x2] =	stream.indirect.gather [hbm4b:s5+s13], $0x1, s13, s13, $0xb8;
	[tilespmem:$0x1C260] =	vst v63  }
0x87: {  	s25 =	sadd.s32 s1, s25  }
0x88: {  	[tilespmem:s16], [sflag:$0x3] =	stream.linear.gather [hbm4b:s25+s23], $0x320, $0x38;
	[tilespmem:$0x1C260] =	vst v63  }
0x89: {  	_ =	swait.ge [sflag:s4], $0x320  }
0x8a: {  	[sflag:s4] =	ssyncset.done $0x0  }
0x8b: {  	s31 =	sadd.s32 $0x19000, s25;
	[sflag:s4] =	ssyncadd.s32 $0xFFFFFCE0  }
0x8c: {  	[tilespmem:s17], [sflag:$0x3] =	stream.linear.gather [hbm4b:s31+s23], $0x320, $0x38;
	[tilespmem:$0x1C260] =	vst v63  }
0x8d: {  	_ =	swait.ge [sflag:s4], $0x320  }
0x8e: {  	[sflag:s4] =	ssyncset.done $0x0  }
0x8f: {  	s25 =	sadd.s32 $0x32000, s25;
	[sflag:s4] =	ssyncadd.s32 $0xFFFFFCE0  }
0x90: {  	[tilespmem:s18], [sflag:$0x3] =	stream.linear.gather [hbm4b:s25+s23], $0x320, $0x38;
	[tilespmem:$0x1C260] =	vst v63  }
0x91: {  	_ =	swait.ge [sflag:s4], $0x320  }
0x92: {  	[sflag:s4] =	ssyncset.done $0x0  }
0x93: {  	[sflag:s4] =	ssyncadd.s32 $0xFFFFFCE0  }
0x94: {  	_ =	swait.ge [sflag:s19], $0x320  }
0x95: {  	[sflag:s19] =	ssyncset.done $0x0  }
0x96: {  	[sflag:s19] =	ssyncadd.s32 $0xFFFFFCE0  }
0x97: {  	_ =	swait.ge [sflag:s20], $0x320  }
0x98: {  	[sflag:s20] =	ssyncset.done $0x0  }
0x99: {  	s31 =	simm.s32 $0x0;
	[sflag:s20] =	ssyncadd.s32 $0xFFFFFCE0  }
0x9a: {  	v15 =	vld [tilespmem:s31+$0x640]  }
0x9b: {  	v16 =	vld [tilespmem:s31+$0x960];
	_ =	sdelay $0x3  }
0x9c: {  	v17 =	vand.u32 $0xFFFFFFF8, v15  }
0x9d: {  	v18 =	vand.u32 $0x7, v15;
	v20 =	vand.u32 $0xFFFFFFF8, v16;
	v19 =	vadd.s32 v6, v17  }
0x9e: {  	v16 =	vand.u32 $0x7, v16;
	v21 =	vadd.s32 v6, v20;
	v19 =	vor.u32 v18, v19  }
0x9f: {  	v22 =	vld [tilespmem:s31+$0xFA0];
	v21 =	vor.u32 v16, v21  }
0xa0: {  	v23 =	vld [tilespmem:s31+$0xC80];
	_ =	sdelay $0x1  }
0xa1: {  	v24 =	vld [tilespmem:s31+$0x12C0]  }
0xa2: {  	v19 =	vld.idx.msk [tilespmem:v19+s8+$0x0], $0xffff  }
0xa3: {  	v21 =	vld.idx.msk [tilespmem:v21+s9+$0x0], $0xffff  }
0xa4: {  	v25 =	vmul.f32 v23, v9;
	v26 =	vmul.f32 v22, v11;
	_ =	sdelay $0x1  }
0xa5: {  	v56 =	vmul.f32 v24, v13;
	v25 =	vadd.f32 v26, v25;
	_ =	sdelay $0x1  }
0xa6: {  	v25 =	vadd.f32 v56, v25;
	v19 =	vadd.f32 v21, v19;
	_ =	sdelay $0x1  }
0xa7: {  	v19 =	vadd.f32 v19, v25;
	_ =	sdelay $0x1  }
0xa8: {  	v57 =	vmul.f32 $2.000000030e-01, v19;
	_ =	sdelay $0x1  }
0xa9: {  	v19 =	vmax.f32 v19, v57  }
0xaa: {  	v19 =	vmul.f32 $1.442695020e+00, v19;
	_ =	sdelay $0x1  }
0xab: {  	(erf) = vpow2.f32 v19;
	_ =	sdelay $0x3  }
0xac: {  	v58 =	vld [tilespmem:s31+$0x320];
	_ =	sdelay $0x1  }
0xad: {  	v17 =	vadd.s32 v7, v17  }
0xae: {  	v20 =	vadd.s32 v7, v20;
	v17 =	vor.u32 v18, v17  }
0xaf: {  	v16 =	vor.u32 v16, v20  }
0xb0: {  	s25 =	simm.s32 $0x1680;
	v59 =	vshll.u32 v58, $0x5;
	v60 =	vpop (erf)  }
0xb1: {  	s26 =	simm.s32 $0x1CC0;
	v15 =	vadd.s32 v15, v59;
	[tilespmem:s25+$0xFFFFFFF0] =	vst v60  }
0xb2: {  	[tilespmem:s26+$0xFFFFFFF0] =	vst v15  }
0xb3: {  	v17 =	vld.idx.msk [tilespmem:v17+s8+$0x0], $0xffff  }
0xb4: {  	v16 =	vld.idx.msk [tilespmem:v16+s9+$0x0], $0xffff  }
0xb5: {  	v61 =	vmul.f32 v23, v10;
	v62 =	vmul.f32 v22, v12;
	_ =	sdelay $0x1  }
0xb6: {  	v63 =	vmul.f32 v24, v14;
	v18 =	vadd.f32 v62, v61;
	_ =	sdelay $0x1  }
0xb7: {  	v18 =	vadd.f32 v63, v18;
	v16 =	vadd.f32 v16, v17;
	_ =	sdelay $0x1  }
0xb8: {  	v16 =	vadd.f32 v16, v18;
	_ =	sdelay $0x1  }
0xb9: {  	v17 =	vmul.f32 $2.000000030e-01, v16;
	_ =	sdelay $0x1  }
0xba: {  	v16 =	vmax.f32 v16, v17  }
0xbb: {  	v16 =	vmul.f32 $1.442695020e+00, v16;
	_ =	sdelay $0x1  }
0xbc: {  	(erf) = vpow2.f32 v16;
	_ =	sdelay $0x7  }
0xbd: {  	s28 =	simm.s32 $0x40;
	s29 =	simm.s32 $0x1680;
	s30 =	simm.s32 $0x1CC0;
	v15 =	vadd.s32 $0x10, v15  }
.LBB2_5:
0xbe: {  	p0 =	sne.s32 s28, $0xC40;
	s25 =	sadd.s32 $0x20, s25;
	s26 =	sadd.s32 $0x20, s26;
	v16 =	vpop (erf)  }
0xbf: {  	s31 =	smov.u32 s28;
	s28 =	sadd.s32 $0x40, s28;
	[tilespmem:s29+$0x0] =	vst v16;
	s29 =	smov.u32 s25  }
0xc0: {  	s31 =	sshra.s32 s31, $0x2;
	[tilespmem:s30+$0x0] =	vst v15;
	s30 =	smov.u32 s26  }
0xc1: {  	v15 =	vld [tilespmem:s31+$0x640]  }
0xc2: {  	v16 =	vld [tilespmem:s31+$0x960];
	_ =	sdelay $0x3  }
0xc3: {  	v17 =	vand.u32 $0xFFFFFFF8, v15;
	v18 =	vand.u32 $0x7, v15  }
0xc4: {  	v19 =	vadd.s32 v6, v17;
	v20 =	vand.u32 $0xFFFFFFF8, v16;
	v16 =	vand.u32 $0x7, v16  }
0xc5: {  	v19 =	vor.u32 v18, v19;
	v21 =	vadd.s32 v6, v20;
	v20 =	vadd.s32 v7, v20  }
0xc6: {  	v17 =	vadd.s32 v7, v17;
	v22 =	vld [tilespmem:s31+$0xFA0];
	v21 =	vor.u32 v16, v21;
	v16 =	vor.u32 v16, v20  }
0xc7: {  	v17 =	vor.u32 v18, v17;
	v20 =	vld [tilespmem:s31+$0xC80];
	_ =	sdelay $0x1  }
0xc8: {  	v18 =	vld [tilespmem:s31+$0x12C0]  }
0xc9: {  	v19 =	vld.idx.msk [tilespmem:v19+s8+$0x0], $0xffff  }
0xca: {  	v21 =	vld.idx.msk [tilespmem:v21+s9+$0x0], $0xffff  }
0xcb: {  	v24 =	vmul.f32 v22, v11;
	v23 =	vmul.f32 v20, v9  }
0xcc: {  	v22 =	vmul.f32 v22, v12;
	v20 =	vmul.f32 v20, v10  }
0xcd: {  	v23 =	vadd.f32 v24, v23;
	v24 =	vmul.f32 v18, v13  }
0xce: {  	v20 =	vadd.f32 v22, v20  }
0xcf: {  	v22 =	vadd.f32 v24, v23  }
0xd0: {  	v19 =	vadd.f32 v21, v19;
	_ =	sdelay $0x1  }
0xd1: {  	v19 =	vadd.f32 v19, v22;
	_ =	sdelay $0x1  }
0xd2: {  	v21 =	vmul.f32 $2.000000030e-01, v19;
	_ =	sdelay $0x1  }
0xd3: {  	v19 =	vmax.f32 v19, v21  }
0xd4: {  	v19 =	vmul.f32 $1.442695020e+00, v19;
	_ =	sdelay $0x1  }
0xd5: {  	(erf) = vpow2.f32 v19;
	_ =	sdelay $0x2  }
0xd6: {  	v19 =	vld [tilespmem:s31+$0x320];
	_ =	sdelay $0x4  }
0xd7: {  	v21 =	vshll.u32 v19, $0x5  }
0xd8: {  	v15 =	vadd.s32 v15, v21;
	v19 =	vpop (erf)  }
0xd9: {  	[tilespmem:s25+$0xFFFFFFF0] =	vst v19  }
0xda: {  	[tilespmem:s26+$0xFFFFFFF0] =	vst v15  }
0xdb: {  	v17 =	vld.idx.msk [tilespmem:v17+s8+$0x0], $0xffff  }
0xdc: {  	v16 =	vld.idx.msk [tilespmem:v16+s9+$0x0], $0xffff;
	_ =	sdelay $0x1  }
0xdd: {  	v18 =	vmul.f32 v18, v14;
	_ =	sdelay $0x1  }
0xde: {  	v18 =	vadd.f32 v18, v20;
	_ =	sdelay $0x1  }
0xdf: {  	v16 =	vadd.f32 v16, v17;
	_ =	sdelay $0x1  }
0xe0: {  	v16 =	vadd.f32 v16, v18;
	_ =	sdelay $0x1  }
0xe1: {  	v17 =	vmul.f32 $2.000000030e-01, v16;
	_ =	sdelay $0x1  }
0xe2: {  	v16 =	vmax.f32 v16, v17  }
0xe3: {  	v16 =	vmul.f32 $1.442695020e+00, v16;
	_ =	sdelay $0x1  }
0xe4: {  	(erf) = vpow2.f32 v16;
	_ =	sdelay $0x3  }
.Ltmp1:
0xe5: {  	(pc) =	sbr.rel @p0 .LBB2_5-.Ltmp1, $2  }
0xe6: {  	_ =	sdelay $0x2  }
0xe7: {  	v15 =	vadd.s32 $0x10, v15  }
0xe8: {  	v16 =	vpop (erf);
	s24 =	sadd.s32 $0x1, s24  }
0xe9: {  	[tilespmem:s29+$0x0] =	vst v16;
	p0 =	sne.s32 s24, $0x40  }
.Ltmp2:
0xea: {  	[tilespmem:s30+$0x0] =	vst v15;
	(pc) =	sbr.rel @p0 .LBB2_4-.Ltmp2, $4  }
0xeb: {  	[spmem:s2] =	stream.indirect.scatter.add.f32 [tilespmem:s22], [sflag:$0x3], $0x1, s21, s14, $0xb8;
	[tilespmem:$0x1C260] =	vst v63  }
0xec: {  	_ =	swait.ge [sflag:s4], $0x640  }
0xed: {  	[sflag:s4] =	ssyncset.done $0x0  }
0xee: {  	[sflag:s4] =	ssyncadd.s32 $0xFFFFF9C0  }
0xef: {  	s23 =	stileid.u32;
	[bflag:$0x0] =	sbarrier.arrive $0xFFFF  }
0xf0: {  	s23 =	sshll.u32 s23, $0x6;
	s24 =	rddreg [dreg:$0x7]  }
0xf1: {  	s25 =	rddreg [dreg:$0xd];
	s23 =	sor.u32 $0x1C03, s23  }
0xf2: {  	[hbm:s24], [sflag:s23] =	dma.local [spmem:s25], $0x30E0  }
0xf3: {  	_ =	swait.ge [sflag:s4], $0x30E0  }
0xf4: {  	s3 =	sadd.s32 $0x1, s3;
	s31 =	rddreg [dreg:$0x8]  }
0xf5: {  	p0 =	sne.s32 s3, s31  }
.Ltmp3:
0xf6: {  	_ = 	snop;
	(pc) =	sbr.rel @p0 .LBB2_1-.Ltmp3, $3  }
0xf7: {  	_ =	sdelay $0x1  }
0xf8: {  	[sflag:s4] =	ssyncset.done $0x0  }
0xf9: {  	[sflag:s4] =	ssyncadd.s32 $0xFFFFCF20  }
0xfa: {  	_ =	sfence.sel $0x180000  }
0xfb: {  	[bflag:$0x0] =	sbarrier.arrive $0xFFFF  }
0xfc: {  	_ =	strace $0x90000047  }
0xfd: {  	s0 =	stileid.u32;
	[bflag:$0x2] =	sbarrier.arrive $0xFFFF  }
0xfe: {  	p0 =	sne.s32 s0, $0x0;
	s0 =	rddreg [dreg:$0x3]  }
0xff: {  	s0 =	sadd.s32 @!p0 $0x100000, s0  }
0x100: {  	[sflag:s0] =	ssyncadd.tile.s32 @!p0 $0x1;
	_ =	shalt  }
.Lfunc_end2:
_tile_overlayer_lowered:
.L_overlay_start_2:
0x101: {  	(tag) =	ssettag $0x2  }
0x102: {  	s0 =	rddreg [dreg:$0x0];
	s2 =	stileid.u32  }
0x103: {  	s1 =	rddreg [dreg:$0x1];
	p0 =	sne.s32 s2, $0x0  }
0x104: {  	s3 =	rddreg [dreg:$0x2];
	[bflag:$0x3] =	sbarrier.arrive $0xFFFF;
	s2 =	simm.s32 @!p0 $0x1C03  }
0x105: {  	[timem:s3], [sflag:s2] =	dma.local @!p0 [hbm:s0], s1  }
0x106: {  	s0 =	simm.s32 @!p0 $0x3  }
0x107: {  	_ =	swait.ge @!p0 [sflag:s0], s1  }
0x108: {  	s1 =	ssub.s32 @!p0 $0x0, s1;
	[sflag:s0] =	ssyncset.done @!p0 $0x0  }
0x109: {  	[sflag:s0] =	ssyncadd.s32 @!p0 s1  }
0x10a: {  	[bflag:$0x3] =	sbarrier.arrive $0xFFFF  }
0x10b: {  	_ =	shalt  }

</sc_bundles>
